<compile_context>
chip_gen: v7x
topology: tpu7x:2x2x1
jax: 0.10.2.dev20260603
libtpu: 0.0.44.dev20260713+nightly
codegen_flags: <defaults>
</compile_context>

<pallas_src>
import functools

import jax
import jax.numpy as jnp
from jax import lax
from jax.experimental import pallas as pl
from jax.experimental.pallas import tpu as pltpu
from jax.experimental.pallas import tpu_sc as plsc

N = 10000
E = 320000
D = 128
MU = 0.1
P_EXP = 2.0
CMU = 2.0 * MU / P_EXP
K_ITERS = 2
EPS = 1e-6
BN_EPS = 1e-5

NC = 2
NS = 16
NW = NC * NS
EPW = E // NW
B = 125
ITERS = EPW // B
RPT = 624

_mesh = plsc.VectorSubcoreMesh(core_axis_name="c", subcore_axis_name="s")


def _copy_rows(src, dst, s):
    pltpu.sync_copy(src.at[pl.ds(s * RPT, RPT)], dst.at[pl.ds(s * RPT, RPT)])

    @pl.when(s == NS - 1)
    def _():
        pltpu.sync_copy(src.at[pl.ds(NS * RPT, N - NS * RPT)],
                        dst.at[pl.ds(NS * RPT, N - NS * RPT)])


DW = D


@functools.partial(
    pl.kernel,
    mesh=_mesh,
    out_type=jax.ShapeDtypeStruct((NC, N, DW), jnp.float32),
    scratch_types=[
        pltpu.VMEM((ITERS, B), jnp.int32),
        pltpu.VMEM((B, DW), jnp.float32),
        pltpu.VMEM_SHARED((N, DW), jnp.float32),
    ],
)
def _deg_kernel(row_hbm, ones_hbm, zeros_hbm, out_hbm, row_v, ones_v, deg_sh):
    c = lax.axis_index("c")
    s = lax.axis_index("s")
    wid = s * NC + c

    _copy_rows(zeros_hbm, deg_sh, s)
    pltpu.sync_copy(ones_hbm, ones_v)
    pltpu.sync_copy(row_hbm.at[wid], row_v)
    plsc.subcore_barrier()

    def body(j, _):
        pltpu.sync_copy(ones_v, deg_sh.at[row_v.at[j]], add=True)
        return 0

    lax.fori_loop(0, ITERS, body, 0)
    plsc.subcore_barrier()
    _copy_rows(deg_sh, out_hbm.at[c], s)




@functools.partial(
    pl.kernel,
    mesh=_mesh,
    out_type=jax.ShapeDtypeStruct((NC, N, D), jnp.float32),
    scratch_types=[
        pltpu.VMEM((ITERS, B), jnp.int32),
        pltpu.VMEM((ITERS, B), jnp.int32),
        pltpu.VMEM((B, D), jnp.float32),
        pltpu.VMEM_SHARED((N, D), jnp.float32),
        pltpu.SemaphoreType.DMA,
    ],
)
def _spmm_kernel(fn_hbm, col_hbm, row_hbm, zeros_hbm, out_hbm,
                 col_v, row_v, rows_v, agg_sh, gsem):
    c = lax.axis_index("c")
    s = lax.axis_index("s")
    wid = s * NC + c

    _copy_rows(zeros_hbm, agg_sh, s)
    pltpu.sync_copy(col_hbm.at[wid], col_v)
    pltpu.sync_copy(row_hbm.at[wid], row_v)
    plsc.subcore_barrier()

    def body(j, _):
        pltpu.async_copy(fn_hbm.at[col_v.at[j]], rows_v, gsem).wait()
        pltpu.sync_copy(rows_v, agg_sh.at[row_v.at[j]], add=True)
        return 0

    lax.fori_loop(0, ITERS, body, 0)
    plsc.subcore_barrier()
    _copy_rows(agg_sh, out_hbm.at[c], s)


RB = 2000
GRID = N // RB


def _front_body(deg_ref, x_ref, w1_ref, sv_ref, bv_ref, wc_ref, bc_ref,
                dinv_ref, ad_ref, bt_ref, f0_ref, fn_ref):
    v = deg_ref[...]
    deg_raw = v[0, :, 0:1] + v[1, :, 0:1]
    deg_c = jnp.maximum(deg_raw, EPS)
    dinv = lax.rsqrt(deg_c)
    alpha = 1.0 / (deg_raw / deg_c + CMU)
    dinv_ref[...] = dinv
    ad_ref[...] = alpha * dinv
    bt_ref[...] = CMU * alpha
    h = jnp.dot(x_ref[...], w1_ref[...], preferred_element_type=jnp.float32)
    h = jnp.maximum(h * sv_ref[...] + bv_ref[...], 0.0)
    f0 = jnp.dot(h, wc_ref[...],
                 preferred_element_type=jnp.float32) + bc_ref[...]
    f0_ref[...] = f0
    fn_ref[...] = f0 * dinv


def _mid_body(a_ref, f0_ref, ad_ref, bt_ref, dinv_ref, fn_ref):
    f = ad_ref[...] * (a_ref[0] + a_ref[1]) + bt_ref[...] * f0_ref[...]
    fn_ref[...] = f * dinv_ref[...]


def _bnmm_body(a_ref, f0_ref, ad_ref, bt_ref, sv_ref, bb_ref, w_ref,
               bv_ref, dinv_ref, f0n_ref, fnn_ref):
    f = ad_ref[...] * (a_ref[0] + a_ref[1]) + bt_ref[...] * f0_ref[...]
    h = jnp.maximum(f * sv_ref[...] + bb_ref[...], 0.0)
    f0n = jnp.dot(h, w_ref[...],
                  preferred_element_type=jnp.float32) + bv_ref[...]
    f0n_ref[...] = f0n
    fnn_ref[...] = f0n * dinv_ref[...]


def _final_body(a_ref, f0_ref, ad_ref, bt_ref, o_ref):
    f = ad_ref[...] * (a_ref[0] + a_ref[1]) + bt_ref[...] * f0_ref[...]
    m = jnp.max(f, axis=1, keepdims=True)
    e = jnp.exp(f - m)
    lse = jnp.log(jnp.sum(e, axis=1, keepdims=True)) + m
    o_ref[...] = f - lse


_rowblk = pl.BlockSpec((RB, D), lambda i: (i, 0))
_aggblk = pl.BlockSpec((NC, RB, D), lambda i: (0, i, 0))
_wblk = pl.BlockSpec((D, D), lambda i: (0, 0))
_vecblk = pl.BlockSpec((1, D), lambda i: (0, 0))
_nodeblk = pl.BlockSpec((RB, 1), lambda i: (i, 0))
_nd = jax.ShapeDtypeStruct((N, D), jnp.float32)
_n1 = jax.ShapeDtypeStruct((N, 1), jnp.float32)


def _front(deg, x, w1, sv, bv, wc, bc):
    return pl.pallas_call(
        _front_body, grid=(GRID,),
        in_specs=[pl.BlockSpec((NC, RB, DW), lambda i: (0, i, 0)),
                  _rowblk, _wblk, _vecblk, _vecblk, _wblk, _vecblk],
        out_specs=[_nodeblk, _nodeblk, _nodeblk, _rowblk, _rowblk],
        out_shape=[_n1, _n1, _n1, _nd, _nd])(deg, x, w1, sv, bv, wc, bc)


def _mid(agg, f0, ad, bt, dinv):
    return pl.pallas_call(
        _mid_body, grid=(GRID,),
        in_specs=[_aggblk, _rowblk, _nodeblk, _nodeblk, _nodeblk],
        out_specs=_rowblk, out_shape=_nd)(agg, f0, ad, bt, dinv)


def _bnmm(agg, f0, ad, bt, sv, bb, w, bv, dinv):
    return pl.pallas_call(
        _bnmm_body, grid=(GRID,),
        in_specs=[_aggblk, _rowblk, _nodeblk, _nodeblk, _vecblk, _vecblk,
                  _wblk, _vecblk, _nodeblk],
        out_specs=[_rowblk, _rowblk],
        out_shape=[_nd, _nd])(agg, f0, ad, bt, sv, bb, w, bv, dinv)


def _final(agg, f0, ad, bt):
    return pl.pallas_call(
        _final_body, grid=(GRID,),
        in_specs=[_aggblk, _rowblk, _nodeblk, _nodeblk],
        out_specs=_rowblk, out_shape=_nd)(agg, f0, ad, bt)


def kernel(x, edge_index, w1, b1, gamma, beta, wc, bc, wo, bo):
    row = edge_index[0]
    col = edge_index[1]
    row_r = row.reshape(NW, ITERS, B)
    col_r = col.reshape(NW, ITERS, B)
    zeros2d = jnp.zeros((N, D), jnp.float32)

    deg = _deg_kernel(row_r, jnp.ones((B, DW), jnp.float32),
                      jnp.zeros((N, DW), jnp.float32))

    s = gamma * (1.0 / jnp.sqrt(1.0 + BN_EPS))
    sv = s.reshape(1, D)
    bv1 = (b1 * s + beta).reshape(1, D)
    bb = beta.reshape(1, D)

    dinv, ad, bt, f0, fn = _front(deg, x, w1, sv, bv1, wc, bc.reshape(1, D))
    agg = _spmm_kernel(fn, col_r, row_r, zeros2d)
    fn = _mid(agg, f0, ad, bt, dinv)
    agg = _spmm_kernel(fn, col_r, row_r, zeros2d)
    f0, fn = _bnmm(agg, f0, ad, bt, sv, bb, wo, bo.reshape(1, D), dinv)

    agg = _spmm_kernel(fn, col_r, row_r, zeros2d)
    fn = _mid(agg, f0, ad, bt, dinv)
    agg = _spmm_kernel(fn, col_r, row_r, zeros2d)
    return _final(agg, f0, ad, bt)

# --- scband reference (transcript-rebuilt; emitter-appended) ---
"""Pipeline reference for scband-p-gnnnet-x-22694607192481 (READ-ONLY COPY).

The authoritative reference and input builder live on the scoring server;
editing this copy changes nothing except your own understanding.
"""

import jax, jax.numpy as jnp
import numpy as np

N_NODES = 10000
N_EDGES = 320000
D_IN = 128
D_HID = 128
D_OUT = 128
MU = 0.1
P = 2.0
K_ITERS = 2
EPS = 1e-6
BN_EPS = 1e-5


def bn_eval(h, gamma, beta):
    # BatchNorm1d in eval mode with fresh running stats (mean=0, var=1)
    return h / jnp.sqrt(1.0 + BN_EPS) * gamma + beta


def pgnn_conv(x, edge_index, W, b, mu=MU, p=P, K=K_ITERS):
    # pGNNConv (Fu et al., ICML 2022, 'p-Laplacian Based Graph Neural Networks')
    # F^{k+1} = alpha * D^{-1/2} M^{k} D^{-1/2} F^{k} + beta * F^{0}
    # M_ij = w_ij * ||grad_W F([i,j])||^{p-2}
    n = x.shape[0]
    row = edge_index[0]
    col = edge_index[1]
    w = jnp.ones((edge_index.shape[1],), dtype=x.dtype)
    deg = jnp.zeros((n,), dtype=x.dtype).at[row].add(w)
    deg = jnp.maximum(deg, EPS)
    dinv_sqrt = 1.0 / jnp.sqrt(deg)
    x = x @ W + b
    f0 = x
    f = x
    for _ in range(K):
        # graph gradient on each edge
        g = f[col] * dinv_sqrt[col][:, None] - f[row] * dinv_sqrt[row][:, None]
        gnorm = jnp.sqrt(jnp.sum(g * g, axis=1) + EPS)
        M = w * gnorm ** (p - 2.0)
        Msum = jnp.zeros((n,), dtype=x.dtype).at[row].add(M)
        alpha = 1.0 / (Msum / deg + 2.0 * mu / p)
        beta = (2.0 * mu / p) * alpha
        coef = M * dinv_sqrt[row] * dinv_sqrt[col]
        msg = coef[:, None] * f[col]
        agg = jnp.zeros_like(f).at[row].add(msg)
        f = alpha[:, None] * agg + beta[:, None] * f0
    return f


def setup_inputs(seed: int = 0):
    key = jax.random.key(seed)
    ks = jax.random.split(key, 8)
    x = jax.random.normal(ks[0], (N_NODES, D_IN), dtype=jnp.float32)
    edge_index = jax.random.randint(ks[1], (2, N_EDGES), 0, N_NODES, dtype=jnp.int32)
    w1 = jax.random.normal(ks[2], (D_IN, D_HID), dtype=jnp.float32) * (1.0 / np.sqrt(D_IN))
    b1 = jnp.zeros((D_HID,), dtype=jnp.float32)
    gamma = jnp.ones((D_HID,), dtype=jnp.float32)
    beta = jnp.zeros((D_HID,), dtype=jnp.float32)
    wc = jax.random.normal(ks[3], (D_HID, D_HID), dtype=jnp.float32) * (1.0 / np.sqrt(D_HID))
    bc = jnp.zeros((D_HID,), dtype=jnp.float32)
    wo = jax.random.normal(ks[4], (D_HID, D_OUT), dtype=jnp.float32) * (1.0 / np.sqrt(D_HID))
    bo = jnp.zeros((D_OUT,), dtype=jnp.float32)
    return {"x": x, "edge_index": edge_index, "w1": w1, "b1": b1,
            "gamma": gamma, "beta": beta, "wc": wc, "bc": bc, "wo": wo, "bo": bo}


def reference(x, edge_index, w1, b1, gamma, beta, wc, bc, wo, bo):
    # eval mode: dropout is identity, BN uses running stats (shared BN1 module)
    h = x @ w1 + b1
    h = jax.nn.relu(bn_eval(h, gamma, beta))
    h = pgnn_conv(h, edge_index, wc, bc)
    h = jax.nn.relu(bn_eval(h, gamma, beta))
    out = pgnn_conv(h, edge_index, wo, bo)
    return jax.nn.log_softmax(out, axis=1)

if __name__ == "__main__":
    import jax
    _d = setup_inputs()
    print(jax.jit(kernel)(*tuple(_d.values())))

</pallas_src>

<mosaic_0001>
#map = affine_map<(d0, d1) -> (0, 0)>
#map1 = affine_map<(d0, d1) -> (0, 0, 0)>
module attributes {stable_mosaic.version = 14 : i64} {
  func.func @_spmm_kernel(%arg0: i32, %arg1: i32, %arg2: memref<10000x128xf32, #tpu.memory_space<hbm>>, %arg3: memref<32x80x125xi32, #tpu.memory_space<hbm>>, %arg4: memref<32x80x125xi32, #tpu.memory_space<hbm>>, %arg5: memref<10000x128xf32, #tpu.memory_space<hbm>>, %arg6: memref<2x10000x128xf32, #tpu.memory_space<hbm>>, %arg7: memref<80x125xi32, #tpu.memory_space<vmem>>, %arg8: memref<80x125xi32, #tpu.memory_space<vmem>>, %arg9: memref<125x128xf32, #tpu.memory_space<vmem>>, %arg10: memref<10000x128xf32, #tpu.memory_space<vmem_shared>>, %arg11: memref<!tpu.dma_semaphore, #tpu.memory_space<semaphore_mem>>) attributes {dimension_semantics = [#tpu.dimension_semantics<core_parallel>, #tpu.dimension_semantics<subcore_parallel>], iteration_bounds = array<i64: 2, 16>, scalar_prefetch = 0 : i64, scratch_operands = 5 : i64, tpu.core_type = #tpu.core_type<sc_vector_subcore>, window_params = [{transform_indices = #map}, {transform_indices = #map1}, {transform_indices = #map1}, {transform_indices = #map}, {transform_indices = #map1}]} {
    %mul3A = arith.constant 2 : i32
    %mul3A_0 = arith.muli %arg1, %mul3A : i32
    %add3A = arith.addi %mul3A_0, %arg0 : i32
    %mul3A_1 = arith.constant 624 : i32
    %mul3A_2 = arith.muli %arg1, %mul3A_1 : i32
    %mul3A_3 = arith.constant 624 : i32
    %mul3A_4 = arith.muli %arg1, %mul3A_3 : i32
    "tpu.region"() ({
      %run_scoped3A = tpu.sem_alloc : memref<!tpu.dma_semaphore, #tpu.memory_space<semaphore_mem>>
      %dma_start3A = arith.constant 0 : i32
      %dma_start3A_23 = tpu.memref_slice %arg10[%mul3A_4, %dma_start3A] : memref<10000x128xf32, #tpu.memory_space<vmem_shared>> -> memref<624x128xf32, #tpu.memory_space<vmem_shared>>
      %dma_start3A_24 = arith.constant 0 : i32
      %dma_start3A_25 = tpu.memref_slice %arg5[%mul3A_2, %dma_start3A_24] : memref<10000x128xf32, #tpu.memory_space<hbm>> -> memref<624x128xf32, #tpu.memory_space<hbm>>
      tpu.enqueue_dma source(%dma_start3A_25 : memref<624x128xf32, #tpu.memory_space<hbm>>) target(%dma_start3A_23 : memref<624x128xf32, #tpu.memory_space<vmem_shared>>) target_semaphore(%run_scoped3A : memref<!tpu.dma_semaphore, #tpu.memory_space<semaphore_mem>>)
      %dma_wait3A = arith.constant 0 : i32
      %dma_wait3A_26 = tpu.memref_slice %arg10[%mul3A_4, %dma_wait3A] : memref<10000x128xf32, #tpu.memory_space<vmem_shared>> -> memref<624x128xf32, #tpu.memory_space<vmem_shared>>
      %dma_wait3A_27 = arith.constant 0 : i32
      %dma_wait3A_28 = tpu.memref_slice %arg5[%mul3A_2, %dma_wait3A_27] : memref<10000x128xf32, #tpu.memory_space<hbm>> -> memref<624x128xf32, #tpu.memory_space<hbm>>
      tpu.wait_dma2 semaphore(%run_scoped3A : memref<!tpu.dma_semaphore, #tpu.memory_space<semaphore_mem>>) src(%dma_wait3A_28 : memref<624x128xf32, #tpu.memory_space<hbm>>) dst(%dma_wait3A_26 : memref<624x128xf32, #tpu.memory_space<vmem_shared>>)
      tpu.yield
    }) : () -> ()
    %eq3A = arith.constant 15 : i32
    %eq3A_5 = arith.cmpi eq, %arg1, %eq3A : i32
    %convert_element_type3A = arith.extui %eq3A_5 : i1 to i32
    %cond3A = arith.constant 0 : i32
    %cond3A_6 = arith.cmpi ne, %convert_element_type3A, %cond3A : i32
    scf.if %cond3A_6 {
      "tpu.region"() ({
        %run_scoped3A = tpu.sem_alloc : memref<!tpu.dma_semaphore, #tpu.memory_space<semaphore_mem>>
        %dma_start3A = arith.constant 9984 : i32
        %dma_start3A_23 = arith.constant 0 : i32
        %dma_start3A_24 = tpu.memref_slice %arg10[%dma_start3A, %dma_start3A_23] : memref<10000x128xf32, #tpu.memory_space<vmem_shared>> -> memref<16x128xf32, #tpu.memory_space<vmem_shared>>
        %dma_start3A_25 = arith.constant 9984 : i32
        %dma_start3A_26 = arith.constant 0 : i32
        %dma_start3A_27 = tpu.memref_slice %arg5[%dma_start3A_25, %dma_start3A_26] : memref<10000x128xf32, #tpu.memory_space<hbm>> -> memref<16x128xf32, #tpu.memory_space<hbm>>
        tpu.enqueue_dma source(%dma_start3A_27 : memref<16x128xf32, #tpu.memory_space<hbm>>) target(%dma_start3A_24 : memref<16x128xf32, #tpu.memory_space<vmem_shared>>) target_semaphore(%run_scoped3A : memref<!tpu.dma_semaphore, #tpu.memory_space<semaphore_mem>>)
        %dma_wait3A = arith.constant 9984 : i32
        %dma_wait3A_28 = arith.constant 0 : i32
        %dma_wait3A_29 = tpu.memref_slice %arg10[%dma_wait3A, %dma_wait3A_28] : memref<10000x128xf32, #tpu.memory_space<vmem_shared>> -> memref<16x128xf32, #tpu.memory_space<vmem_shared>>
        %dma_wait3A_30 = arith.constant 9984 : i32
        %dma_wait3A_31 = arith.constant 0 : i32
        %dma_wait3A_32 = tpu.memref_slice %arg5[%dma_wait3A_30, %dma_wait3A_31] : memref<10000x128xf32, #tpu.memory_space<hbm>> -> memref<16x128xf32, #tpu.memory_space<hbm>>
        tpu.wait_dma2 semaphore(%run_scoped3A : memref<!tpu.dma_semaphore, #tpu.memory_space<semaphore_mem>>) src(%dma_wait3A_32 : memref<16x128xf32, #tpu.memory_space<hbm>>) dst(%dma_wait3A_29 : memref<16x128xf32, #tpu.memory_space<vmem_shared>>)
        tpu.yield
      }) : () -> ()
    } else {
    }
    "tpu.region"() ({
      %run_scoped3A = tpu.sem_alloc : memref<!tpu.dma_semaphore, #tpu.memory_space<semaphore_mem>>
      %dma_start3A = arith.constant 0 : i32
      %dma_start3A_23 = arith.constant 0 : i32
      %dma_start3A_24 = tpu.memref_slice %arg3[%add3A, %dma_start3A, %dma_start3A_23] : memref<32x80x125xi32, #tpu.memory_space<hbm>> -> memref<1x80x125xi32, #tpu.memory_space<hbm>>
      %dma_start3A_25 = tpu.memref_squeeze %dma_start3A_24 : memref<1x80x125xi32, #tpu.memory_space<hbm>> -> memref<80x125xi32, #tpu.memory_space<hbm>>
      %dma_start3A_26 = arith.constant 0 : i32
      %dma_start3A_27 = arith.constant 0 : i32
      %dma_start3A_28 = tpu.memref_slice %arg3[%add3A, %dma_start3A_26, %dma_start3A_27] : memref<32x80x125xi32, #tpu.memory_space<hbm>> -> memref<1x80x125xi32, #tpu.memory_space<hbm>>
      %dma_start3A_29 = tpu.memref_squeeze %dma_start3A_28 : memref<1x80x125xi32, #tpu.memory_space<hbm>> -> memref<80x125xi32, #tpu.memory_space<hbm>>
      tpu.enqueue_dma source(%dma_start3A_29 : memref<80x125xi32, #tpu.memory_space<hbm>>) target(%arg7 : memref<80x125xi32, #tpu.memory_space<vmem>>) target_semaphore(%run_scoped3A : memref<!tpu.dma_semaphore, #tpu.memory_space<semaphore_mem>>)
      %dma_wait3A = arith.constant 0 : i32
      %dma_wait3A_30 = arith.constant 0 : i32
      %dma_wait3A_31 = tpu.memref_slice %arg3[%add3A, %dma_wait3A, %dma_wait3A_30] : memref<32x80x125xi32, #tpu.memory_space<hbm>> -> memref<1x80x125xi32, #tpu.memory_space<hbm>>
      %dma_wait3A_32 = tpu.memref_squeeze %dma_wait3A_31 : memref<1x80x125xi32, #tpu.memory_space<hbm>> -> memref<80x125xi32, #tpu.memory_space<hbm>>
      %dma_wait3A_33 = arith.constant 0 : i32
      %dma_wait3A_34 = arith.constant 0 : i32
      %dma_wait3A_35 = tpu.memref_slice %arg3[%add3A, %dma_wait3A_33, %dma_wait3A_34] : memref<32x80x125xi32, #tpu.memory_space<hbm>> -> memref<1x80x125xi32, #tpu.memory_space<hbm>>
      %dma_wait3A_36 = tpu.memref_squeeze %dma_wait3A_35 : memref<1x80x125xi32, #tpu.memory_space<hbm>> -> memref<80x125xi32, #tpu.memory_space<hbm>>
      tpu.wait_dma2 semaphore(%run_scoped3A : memref<!tpu.dma_semaphore, #tpu.memory_space<semaphore_mem>>) src(%dma_wait3A_36 : memref<80x125xi32, #tpu.memory_space<hbm>>) dst(%arg7 : memref<80x125xi32, #tpu.memory_space<vmem>>)
      tpu.yield
    }) : () -> ()
    "tpu.region"() ({
      %run_scoped3A = tpu.sem_alloc : memref<!tpu.dma_semaphore, #tpu.memory_space<semaphore_mem>>
      %dma_start3A = arith.constant 0 : i32
      %dma_start3A_23 = arith.constant 0 : i32
      %dma_start3A_24 = tpu.memref_slice %arg4[%add3A, %dma_start3A, %dma_start3A_23] : memref<32x80x125xi32, #tpu.memory_space<hbm>> -> memref<1x80x125xi32, #tpu.memory_space<hbm>>
      %dma_start3A_25 = tpu.memref_squeeze %dma_start3A_24 : memref<1x80x125xi32, #tpu.memory_space<hbm>> -> memref<80x125xi32, #tpu.memory_space<hbm>>
      %dma_start3A_26 = arith.constant 0 : i32
      %dma_start3A_27 = arith.constant 0 : i32
      %dma_start3A_28 = tpu.memref_slice %arg4[%add3A, %dma_start3A_26, %dma_start3A_27] : memref<32x80x125xi32, #tpu.memory_space<hbm>> -> memref<1x80x125xi32, #tpu.memory_space<hbm>>
      %dma_start3A_29 = tpu.memref_squeeze %dma_start3A_28 : memref<1x80x125xi32, #tpu.memory_space<hbm>> -> memref<80x125xi32, #tpu.memory_space<hbm>>
      tpu.enqueue_dma source(%dma_start3A_29 : memref<80x125xi32, #tpu.memory_space<hbm>>) target(%arg8 : memref<80x125xi32, #tpu.memory_space<vmem>>) target_semaphore(%run_scoped3A : memref<!tpu.dma_semaphore, #tpu.memory_space<semaphore_mem>>)
      %dma_wait3A = arith.constant 0 : i32
      %dma_wait3A_30 = arith.constant 0 : i32
      %dma_wait3A_31 = tpu.memref_slice %arg4[%add3A, %dma_wait3A, %dma_wait3A_30] : memref<32x80x125xi32, #tpu.memory_space<hbm>> -> memref<1x80x125xi32, #tpu.memory_space<hbm>>
      %dma_wait3A_32 = tpu.memref_squeeze %dma_wait3A_31 : memref<1x80x125xi32, #tpu.memory_space<hbm>> -> memref<80x125xi32, #tpu.memory_space<hbm>>
      %dma_wait3A_33 = arith.constant 0 : i32
      %dma_wait3A_34 = arith.constant 0 : i32
      %dma_wait3A_35 = tpu.memref_slice %arg4[%add3A, %dma_wait3A_33, %dma_wait3A_34] : memref<32x80x125xi32, #tpu.memory_space<hbm>> -> memref<1x80x125xi32, #tpu.memory_space<hbm>>
      %dma_wait3A_36 = tpu.memref_squeeze %dma_wait3A_35 : memref<1x80x125xi32, #tpu.memory_space<hbm>> -> memref<80x125xi32, #tpu.memory_space<hbm>>
      tpu.wait_dma2 semaphore(%run_scoped3A : memref<!tpu.dma_semaphore, #tpu.memory_space<semaphore_mem>>) src(%dma_wait3A_36 : memref<80x125xi32, #tpu.memory_space<hbm>>) dst(%arg8 : memref<80x125xi32, #tpu.memory_space<vmem>>)
      tpu.yield
    }) : () -> ()
    %barrier3A = arith.constant 0 : index
    tpu.barrier barrier_id(%barrier3A)
    %scan3A = arith.constant 0 : i32
    %scan3A_7 = arith.constant 0 : i32
    %scan3A_8 = arith.constant 80 : i32
    %scan3A_9 = arith.addi %scan3A_7, %scan3A_8 : i32
    %scan3A_10 = arith.constant 1 : i32
    %scan3A_11 = scf.for %scan3A_23 = %scan3A_7 to %scan3A_9 step %scan3A_10 iter_args(%scan3A_24 = %scan3A) -> (i32)  : i32 {
      %dma_start3A = arith.constant 0 : i32
      %dma_start3A_25 = tpu.memref_slice %arg7[%scan3A_23, %dma_start3A] : memref<80x125xi32, #tpu.memory_space<vmem>> -> memref<1x125xi32, #tpu.memory_space<vmem>>
      %dma_start3A_26 = tpu.memref_squeeze %dma_start3A_25 : memref<1x125xi32, #tpu.memory_space<vmem>> -> memref<125xi32, #tpu.memory_space<vmem>>
      %dma_start3A_27 = arith.constant 0 : i32
      %dma_start3A_28 = arith.constant 0 : i32
      %dma_start3A_29 = tpu.memref_slice %arg2[%dma_start3A_27, %dma_start3A_28] : memref<10000x128xf32, #tpu.memory_space<hbm>> -> memref<10000x128xf32, #tpu.memory_space<hbm>>
      tpu.enqueue_indirect_dma source(%dma_start3A_29 : memref<10000x128xf32, #tpu.memory_space<hbm>>) target(%arg9 : memref<125x128xf32, #tpu.memory_space<vmem>>) offsets(%dma_start3A_26 : memref<125xi32, #tpu.memory_space<vmem>>) semaphore(%arg11 : memref<!tpu.dma_semaphore, #tpu.memory_space<semaphore_mem>>)
      %dma_wait3A = arith.constant 0 : i32
      %dma_wait3A_30 = tpu.memref_slice %arg7[%scan3A_23, %dma_wait3A] : memref<80x125xi32, #tpu.memory_space<vmem>> -> memref<1x125xi32, #tpu.memory_space<vmem>>
      %dma_wait3A_31 = tpu.memref_squeeze %dma_wait3A_30 : memref<1x125xi32, #tpu.memory_space<vmem>> -> memref<125xi32, #tpu.memory_space<vmem>>
      %dma_wait3A_32 = arith.constant 0 : i32
      %dma_wait3A_33 = arith.constant 0 : i32
      %dma_wait3A_34 = tpu.memref_slice %arg2[%dma_wait3A_32, %dma_wait3A_33] : memref<10000x128xf32, #tpu.memory_space<hbm>> -> memref<10000x128xf32, #tpu.memory_space<hbm>>
      tpu.wait_indirect_dma semaphore(%arg11 : memref<!tpu.dma_semaphore, #tpu.memory_space<semaphore_mem>>) src(%dma_wait3A_34 : memref<10000x128xf32, #tpu.memory_space<hbm>>) dst(%arg9 : memref<125x128xf32, #tpu.memory_space<vmem>>)
      "tpu.region"() ({
        %run_scoped3A = tpu.sem_alloc : memref<!tpu.dma_semaphore, #tpu.memory_space<semaphore_mem>>
        %dma_start3A_36 = arith.constant 0 : i32
        %dma_start3A_37 = tpu.memref_slice %arg8[%scan3A_23, %dma_start3A_36] : memref<80x125xi32, #tpu.memory_space<vmem>> -> memref<1x125xi32, #tpu.memory_space<vmem>>
        %dma_start3A_38 = tpu.memref_squeeze %dma_start3A_37 : memref<1x125xi32, #tpu.memory_space<vmem>> -> memref<125xi32, #tpu.memory_space<vmem>>
        %dma_start3A_39 = arith.constant 0 : i32
        %dma_start3A_40 = arith.constant 0 : i32
        %dma_start3A_41 = tpu.memref_slice %arg10[%dma_start3A_39, %dma_start3A_40] : memref<10000x128xf32, #tpu.memory_space<vmem_shared>> -> memref<10000x128xf32, #tpu.memory_space<vmem_shared>>
        tpu.enqueue_indirect_dma source(%arg9 : memref<125x128xf32, #tpu.memory_space<vmem>>) target(%dma_start3A_41 : memref<10000x128xf32, #tpu.memory_space<vmem_shared>>) offsets(%dma_start3A_38 : memref<125xi32, #tpu.memory_space<vmem>>) semaphore(%run_scoped3A : memref<!tpu.dma_semaphore, #tpu.memory_space<semaphore_mem>>) {add = true}
        %dma_wait3A_42 = arith.constant 0 : i32
        %dma_wait3A_43 = tpu.memref_slice %arg8[%scan3A_23, %dma_wait3A_42] : memref<80x125xi32, #tpu.memory_space<vmem>> -> memref<1x125xi32, #tpu.memory_space<vmem>>
        %dma_wait3A_44 = tpu.memref_squeeze %dma_wait3A_43 : memref<1x125xi32, #tpu.memory_space<vmem>> -> memref<125xi32, #tpu.memory_space<vmem>>
        %dma_wait3A_45 = arith.constant 0 : i32
        %dma_wait3A_46 = arith.constant 0 : i32
        %dma_wait3A_47 = tpu.memref_slice %arg10[%dma_wait3A_45, %dma_wait3A_46] : memref<10000x128xf32, #tpu.memory_space<vmem_shared>> -> memref<10000x128xf32, #tpu.memory_space<vmem_shared>>
        tpu.wait_indirect_dma semaphore(%run_scoped3A : memref<!tpu.dma_semaphore, #tpu.memory_space<semaphore_mem>>) src(%arg9 : memref<125x128xf32, #tpu.memory_space<vmem>>) dst(%dma_wait3A_47 : memref<10000x128xf32, #tpu.memory_space<vmem_shared>>)
        tpu.yield
      }) : () -> ()
      %scan3A_35 = arith.constant 0 : i32
      scf.yield %scan3A_35 : i32
    }
    %scan3A_12 = arith.constant 80 : i32
    %barrier3A_13 = arith.constant 0 : index
    tpu.barrier barrier_id(%barrier3A_13)
    %mul3A_14 = arith.constant 624 : i32
    %mul3A_15 = arith.muli %arg1, %mul3A_14 : i32
    %mul3A_16 = arith.constant 624 : i32
    %mul3A_17 = arith.muli %arg1, %mul3A_16 : i32
    "tpu.region"() ({
      %run_scoped3A = tpu.sem_alloc : memref<!tpu.dma_semaphore, #tpu.memory_space<semaphore_mem>>
      %dma_start3A = arith.constant 0 : i32
      %dma_start3A_23 = arith.constant 0 : i32
      %dma_start3A_24 = tpu.memref_slice %arg6[%arg0, %dma_start3A, %dma_start3A_23] : memref<2x10000x128xf32, #tpu.memory_space<hbm>> -> memref<1x10000x128xf32, #tpu.memory_space<hbm>>
      %dma_start3A_25 = tpu.memref_squeeze %dma_start3A_24 : memref<1x10000x128xf32, #tpu.memory_space<hbm>> -> memref<10000x128xf32, #tpu.memory_space<hbm>>
      %dma_start3A_26 = arith.constant 0 : i32
      %dma_start3A_27 = tpu.memref_slice %dma_start3A_25[%mul3A_17, %dma_start3A_26] : memref<10000x128xf32, #tpu.memory_space<hbm>> -> memref<624x128xf32, #tpu.memory_space<hbm>>
      %dma_start3A_28 = arith.constant 0 : i32
      %dma_start3A_29 = tpu.memref_slice %arg10[%mul3A_15, %dma_start3A_28] : memref<10000x128xf32, #tpu.memory_space<vmem_shared>> -> memref<624x128xf32, #tpu.memory_space<vmem_shared>>
      tpu.enqueue_dma source(%dma_start3A_29 : memref<624x128xf32, #tpu.memory_space<vmem_shared>>) target(%dma_start3A_27 : memref<624x128xf32, #tpu.memory_space<hbm>>) target_semaphore(%run_scoped3A : memref<!tpu.dma_semaphore, #tpu.memory_space<semaphore_mem>>)
      %dma_wait3A = arith.constant 0 : i32
      %dma_wait3A_30 = arith.constant 0 : i32
      %dma_wait3A_31 = tpu.memref_slice %arg6[%arg0, %dma_wait3A, %dma_wait3A_30] : memref<2x10000x128xf32, #tpu.memory_space<hbm>> -> memref<1x10000x128xf32, #tpu.memory_space<hbm>>
      %dma_wait3A_32 = tpu.memref_squeeze %dma_wait3A_31 : memref<1x10000x128xf32, #tpu.memory_space<hbm>> -> memref<10000x128xf32, #tpu.memory_space<hbm>>
      %dma_wait3A_33 = arith.constant 0 : i32
      %dma_wait3A_34 = tpu.memref_slice %dma_wait3A_32[%mul3A_17, %dma_wait3A_33] : memref<10000x128xf32, #tpu.memory_space<hbm>> -> memref<624x128xf32, #tpu.memory_space<hbm>>
      %dma_wait3A_35 = arith.constant 0 : i32
      %dma_wait3A_36 = tpu.memref_slice %arg10[%mul3A_15, %dma_wait3A_35] : memref<10000x128xf32, #tpu.memory_space<vmem_shared>> -> memref<624x128xf32, #tpu.memory_space<vmem_shared>>
      tpu.wait_dma2 semaphore(%run_scoped3A : memref<!tpu.dma_semaphore, #tpu.memory_space<semaphore_mem>>) src(%dma_wait3A_36 : memref<624x128xf32, #tpu.memory_space<vmem_shared>>) dst(%dma_wait3A_34 : memref<624x128xf32, #tpu.memory_space<hbm>>)
      tpu.yield
    }) : () -> ()
    %eq3A_18 = arith.constant 15 : i32
    %eq3A_19 = arith.cmpi eq, %arg1, %eq3A_18 : i32
    %convert_element_type3A_20 = arith.extui %eq3A_19 : i1 to i32
    %cond3A_21 = arith.constant 0 : i32
    %cond3A_22 = arith.cmpi ne, %convert_element_type3A_20, %cond3A_21 : i32
    scf.if %cond3A_22 {
      "tpu.region"() ({
        %run_scoped3A = tpu.sem_alloc : memref<!tpu.dma_semaphore, #tpu.memory_space<semaphore_mem>>
        %dma_start3A = arith.constant 0 : i32
        %dma_start3A_23 = arith.constant 0 : i32
        %dma_start3A_24 = tpu.memref_slice %arg6[%arg0, %dma_start3A, %dma_start3A_23] : memref<2x10000x128xf32, #tpu.memory_space<hbm>> -> memref<1x10000x128xf32, #tpu.memory_space<hbm>>
        %dma_start3A_25 = tpu.memref_squeeze %dma_start3A_24 : memref<1x10000x128xf32, #tpu.memory_space<hbm>> -> memref<10000x128xf32, #tpu.memory_space<hbm>>
        %dma_start3A_26 = arith.constant 9984 : i32
        %dma_start3A_27 = arith.constant 0 : i32
        %dma_start3A_28 = tpu.memref_slice %dma_start3A_25[%dma_start3A_26, %dma_start3A_27] : memref<10000x128xf32, #tpu.memory_space<hbm>> -> memref<16x128xf32, #tpu.memory_space<hbm>>
        %dma_start3A_29 = arith.constant 9984 : i32
        %dma_start3A_30 = arith.constant 0 : i32
        %dma_start3A_31 = tpu.memref_slice %arg10[%dma_start3A_29, %dma_start3A_30] : memref<10000x128xf32, #tpu.memory_space<vmem_shared>> -> memref<16x128xf32, #tpu.memory_space<vmem_shared>>
        tpu.enqueue_dma source(%dma_start3A_31 : memref<16x128xf32, #tpu.memory_space<vmem_shared>>) target(%dma_start3A_28 : memref<16x128xf32, #tpu.memory_space<hbm>>) target_semaphore(%run_scoped3A : memref<!tpu.dma_semaphore, #tpu.memory_space<semaphore_mem>>)
        %dma_wait3A = arith.constant 0 : i32
        %dma_wait3A_32 = arith.constant 0 : i32
        %dma_wait3A_33 = tpu.memref_slice %arg6[%arg0, %dma_wait3A, %dma_wait3A_32] : memref<2x10000x128xf32, #tpu.memory_space<hbm>> -> memref<1x10000x128xf32, #tpu.memory_space<hbm>>
        %dma_wait3A_34 = tpu.memref_squeeze %dma_wait3A_33 : memref<1x10000x128xf32, #tpu.memory_space<hbm>> -> memref<10000x128xf32, #tpu.memory_space<hbm>>
        %dma_wait3A_35 = arith.constant 9984 : i32
        %dma_wait3A_36 = arith.constant 0 : i32
        %dma_wait3A_37 = tpu.memref_slice %dma_wait3A_34[%dma_wait3A_35, %dma_wait3A_36] : memref<10000x128xf32, #tpu.memory_space<hbm>> -> memref<16x128xf32, #tpu.memory_space<hbm>>
        %dma_wait3A_38 = arith.constant 9984 : i32
        %dma_wait3A_39 = arith.constant 0 : i32
        %dma_wait3A_40 = tpu.memref_slice %arg10[%dma_wait3A_38, %dma_wait3A_39] : memref<10000x128xf32, #tpu.memory_space<vmem_shared>> -> memref<16x128xf32, #tpu.memory_space<vmem_shared>>
        tpu.wait_dma2 semaphore(%run_scoped3A : memref<!tpu.dma_semaphore, #tpu.memory_space<semaphore_mem>>) src(%dma_wait3A_40 : memref<16x128xf32, #tpu.memory_space<vmem_shared>>) dst(%dma_wait3A_37 : memref<16x128xf32, #tpu.memory_space<hbm>>)
        tpu.yield
      }) : () -> ()
    } else {
    }
    return
  }
}

#map = affine_map<(d0, d1) -> (0, 0, 0)>
#map1 = affine_map<(d0, d1) -> (0, 0)>
module attributes {stable_mosaic.version = 14 : i64} {
  func.func @_deg_kernel(%arg0: i32, %arg1: i32, %arg2: memref<32x80x125xi32, #tpu.memory_space<hbm>>, %arg3: memref<125x128xf32, #tpu.memory_space<hbm>>, %arg4: memref<10000x128xf32, #tpu.memory_space<hbm>>, %arg5: memref<2x10000x128xf32, #tpu.memory_space<hbm>>, %arg6: memref<80x125xi32, #tpu.memory_space<vmem>>, %arg7: memref<125x128xf32, #tpu.memory_space<vmem>>, %arg8: memref<10000x128xf32, #tpu.memory_space<vmem_shared>>) attributes {dimension_semantics = [#tpu.dimension_semantics<core_parallel>, #tpu.dimension_semantics<subcore_parallel>], iteration_bounds = array<i64: 2, 16>, scalar_prefetch = 0 : i64, scratch_operands = 3 : i64, tpu.core_type = #tpu.core_type<sc_vector_subcore>, window_params = [{transform_indices = #map}, {transform_indices = #map1}, {transform_indices = #map1}, {transform_indices = #map}]} {
    %mul3A = arith.constant 2 : i32
    %mul3A_0 = arith.muli %arg1, %mul3A : i32
    %add3A = arith.addi %mul3A_0, %arg0 : i32
    %mul3A_1 = arith.constant 624 : i32
    %mul3A_2 = arith.muli %arg1, %mul3A_1 : i32
    %mul3A_3 = arith.constant 624 : i32
    %mul3A_4 = arith.muli %arg1, %mul3A_3 : i32
    "tpu.region"() ({
      %run_scoped3A = tpu.sem_alloc : memref<!tpu.dma_semaphore, #tpu.memory_space<semaphore_mem>>
      %dma_start3A = arith.constant 0 : i32
      %dma_start3A_23 = tpu.memref_slice %arg8[%mul3A_4, %dma_start3A] : memref<10000x128xf32, #tpu.memory_space<vmem_shared>> -> memref<624x128xf32, #tpu.memory_space<vmem_shared>>
      %dma_start3A_24 = arith.constant 0 : i32
      %dma_start3A_25 = tpu.memref_slice %arg4[%mul3A_2, %dma_start3A_24] : memref<10000x128xf32, #tpu.memory_space<hbm>> -> memref<624x128xf32, #tpu.memory_space<hbm>>
      tpu.enqueue_dma source(%dma_start3A_25 : memref<624x128xf32, #tpu.memory_space<hbm>>) target(%dma_start3A_23 : memref<624x128xf32, #tpu.memory_space<vmem_shared>>) target_semaphore(%run_scoped3A : memref<!tpu.dma_semaphore, #tpu.memory_space<semaphore_mem>>)
      %dma_wait3A = arith.constant 0 : i32
      %dma_wait3A_26 = tpu.memref_slice %arg8[%mul3A_4, %dma_wait3A] : memref<10000x128xf32, #tpu.memory_space<vmem_shared>> -> memref<624x128xf32, #tpu.memory_space<vmem_shared>>
      %dma_wait3A_27 = arith.constant 0 : i32
      %dma_wait3A_28 = tpu.memref_slice %arg4[%mul3A_2, %dma_wait3A_27] : memref<10000x128xf32, #tpu.memory_space<hbm>> -> memref<624x128xf32, #tpu.memory_space<hbm>>
      tpu.wait_dma2 semaphore(%run_scoped3A : memref<!tpu.dma_semaphore, #tpu.memory_space<semaphore_mem>>) src(%dma_wait3A_28 : memref<624x128xf32, #tpu.memory_space<hbm>>) dst(%dma_wait3A_26 : memref<624x128xf32, #tpu.memory_space<vmem_shared>>)
      tpu.yield
    }) : () -> ()
    %eq3A = arith.constant 15 : i32
    %eq3A_5 = arith.cmpi eq, %arg1, %eq3A : i32
    %convert_element_type3A = arith.extui %eq3A_5 : i1 to i32
    %cond3A = arith.constant 0 : i32
    %cond3A_6 = arith.cmpi ne, %convert_element_type3A, %cond3A : i32
    scf.if %cond3A_6 {
      "tpu.region"() ({
        %run_scoped3A = tpu.sem_alloc : memref<!tpu.dma_semaphore, #tpu.memory_space<semaphore_mem>>
        %dma_start3A = arith.constant 9984 : i32
        %dma_start3A_23 = arith.constant 0 : i32
        %dma_start3A_24 = tpu.memref_slice %arg8[%dma_start3A, %dma_start3A_23] : memref<10000x128xf32, #tpu.memory_space<vmem_shared>> -> memref<16x128xf32, #tpu.memory_space<vmem_shared>>
        %dma_start3A_25 = arith.constant 9984 : i32
        %dma_start3A_26 = arith.constant 0 : i32
        %dma_start3A_27 = tpu.memref_slice %arg4[%dma_start3A_25, %dma_start3A_26] : memref<10000x128xf32, #tpu.memory_space<hbm>> -> memref<16x128xf32, #tpu.memory_space<hbm>>
        tpu.enqueue_dma source(%dma_start3A_27 : memref<16x128xf32, #tpu.memory_space<hbm>>) target(%dma_start3A_24 : memref<16x128xf32, #tpu.memory_space<vmem_shared>>) target_semaphore(%run_scoped3A : memref<!tpu.dma_semaphore, #tpu.memory_space<semaphore_mem>>)
        %dma_wait3A = arith.constant 9984 : i32
        %dma_wait3A_28 = arith.constant 0 : i32
        %dma_wait3A_29 = tpu.memref_slice %arg8[%dma_wait3A, %dma_wait3A_28] : memref<10000x128xf32, #tpu.memory_space<vmem_shared>> -> memref<16x128xf32, #tpu.memory_space<vmem_shared>>
        %dma_wait3A_30 = arith.constant 9984 : i32
        %dma_wait3A_31 = arith.constant 0 : i32
        %dma_wait3A_32 = tpu.memref_slice %arg4[%dma_wait3A_30, %dma_wait3A_31] : memref<10000x128xf32, #tpu.memory_space<hbm>> -> memref<16x128xf32, #tpu.memory_space<hbm>>
        tpu.wait_dma2 semaphore(%run_scoped3A : memref<!tpu.dma_semaphore, #tpu.memory_space<semaphore_mem>>) src(%dma_wait3A_32 : memref<16x128xf32, #tpu.memory_space<hbm>>) dst(%dma_wait3A_29 : memref<16x128xf32, #tpu.memory_space<vmem_shared>>)
        tpu.yield
      }) : () -> ()
    } else {
    }
    "tpu.region"() ({
      %run_scoped3A = tpu.sem_alloc : memref<!tpu.dma_semaphore, #tpu.memory_space<semaphore_mem>>
      tpu.enqueue_dma source(%arg3 : memref<125x128xf32, #tpu.memory_space<hbm>>) target(%arg7 : memref<125x128xf32, #tpu.memory_space<vmem>>) target_semaphore(%run_scoped3A : memref<!tpu.dma_semaphore, #tpu.memory_space<semaphore_mem>>)
      tpu.wait_dma2 semaphore(%run_scoped3A : memref<!tpu.dma_semaphore, #tpu.memory_space<semaphore_mem>>) src(%arg3 : memref<125x128xf32, #tpu.memory_space<hbm>>) dst(%arg7 : memref<125x128xf32, #tpu.memory_space<vmem>>)
      tpu.yield
    }) : () -> ()
    "tpu.region"() ({
      %run_scoped3A = tpu.sem_alloc : memref<!tpu.dma_semaphore, #tpu.memory_space<semaphore_mem>>
      %dma_start3A = arith.constant 0 : i32
      %dma_start3A_23 = arith.constant 0 : i32
      %dma_start3A_24 = tpu.memref_slice %arg2[%add3A, %dma_start3A, %dma_start3A_23] : memref<32x80x125xi32, #tpu.memory_space<hbm>> -> memref<1x80x125xi32, #tpu.memory_space<hbm>>
      %dma_start3A_25 = tpu.memref_squeeze %dma_start3A_24 : memref<1x80x125xi32, #tpu.memory_space<hbm>> -> memref<80x125xi32, #tpu.memory_space<hbm>>
      %dma_start3A_26 = arith.constant 0 : i32
      %dma_start3A_27 = arith.constant 0 : i32
      %dma_start3A_28 = tpu.memref_slice %arg2[%add3A, %dma_start3A_26, %dma_start3A_27] : memref<32x80x125xi32, #tpu.memory_space<hbm>> -> memref<1x80x125xi32, #tpu.memory_space<hbm>>
      %dma_start3A_29 = tpu.memref_squeeze %dma_start3A_28 : memref<1x80x125xi32, #tpu.memory_space<hbm>> -> memref<80x125xi32, #tpu.memory_space<hbm>>
      tpu.enqueue_dma source(%dma_start3A_29 : memref<80x125xi32, #tpu.memory_space<hbm>>) target(%arg6 : memref<80x125xi32, #tpu.memory_space<vmem>>) target_semaphore(%run_scoped3A : memref<!tpu.dma_semaphore, #tpu.memory_space<semaphore_mem>>)
      %dma_wait3A = arith.constant 0 : i32
      %dma_wait3A_30 = arith.constant 0 : i32
      %dma_wait3A_31 = tpu.memref_slice %arg2[%add3A, %dma_wait3A, %dma_wait3A_30] : memref<32x80x125xi32, #tpu.memory_space<hbm>> -> memref<1x80x125xi32, #tpu.memory_space<hbm>>
      %dma_wait3A_32 = tpu.memref_squeeze %dma_wait3A_31 : memref<1x80x125xi32, #tpu.memory_space<hbm>> -> memref<80x125xi32, #tpu.memory_space<hbm>>
      %dma_wait3A_33 = arith.constant 0 : i32
      %dma_wait3A_34 = arith.constant 0 : i32
      %dma_wait3A_35 = tpu.memref_slice %arg2[%add3A, %dma_wait3A_33, %dma_wait3A_34] : memref<32x80x125xi32, #tpu.memory_space<hbm>> -> memref<1x80x125xi32, #tpu.memory_space<hbm>>
      %dma_wait3A_36 = tpu.memref_squeeze %dma_wait3A_35 : memref<1x80x125xi32, #tpu.memory_space<hbm>> -> memref<80x125xi32, #tpu.memory_space<hbm>>
      tpu.wait_dma2 semaphore(%run_scoped3A : memref<!tpu.dma_semaphore, #tpu.memory_space<semaphore_mem>>) src(%dma_wait3A_36 : memref<80x125xi32, #tpu.memory_space<hbm>>) dst(%arg6 : memref<80x125xi32, #tpu.memory_space<vmem>>)
      tpu.yield
    }) : () -> ()
    %barrier3A = arith.constant 0 : index
    tpu.barrier barrier_id(%barrier3A)
    %scan3A = arith.constant 0 : i32
    %scan3A_7 = arith.constant 0 : i32
    %scan3A_8 = arith.constant 80 : i32
    %scan3A_9 = arith.addi %scan3A_7, %scan3A_8 : i32
    %scan3A_10 = arith.constant 1 : i32
    %scan3A_11 = scf.for %scan3A_23 = %scan3A_7 to %scan3A_9 step %scan3A_10 iter_args(%scan3A_24 = %scan3A) -> (i32)  : i32 {
      "tpu.region"() ({
        %run_scoped3A = tpu.sem_alloc : memref<!tpu.dma_semaphore, #tpu.memory_space<semaphore_mem>>
        %dma_start3A = arith.constant 0 : i32
        %dma_start3A_26 = tpu.memref_slice %arg6[%scan3A_23, %dma_start3A] : memref<80x125xi32, #tpu.memory_space<vmem>> -> memref<1x125xi32, #tpu.memory_space<vmem>>
        %dma_start3A_27 = tpu.memref_squeeze %dma_start3A_26 : memref<1x125xi32, #tpu.memory_space<vmem>> -> memref<125xi32, #tpu.memory_space<vmem>>
        %dma_start3A_28 = arith.constant 0 : i32
        %dma_start3A_29 = arith.constant 0 : i32
        %dma_start3A_30 = tpu.memref_slice %arg8[%dma_start3A_28, %dma_start3A_29] : memref<10000x128xf32, #tpu.memory_space<vmem_shared>> -> memref<10000x128xf32, #tpu.memory_space<vmem_shared>>
        tpu.enqueue_indirect_dma source(%arg7 : memref<125x128xf32, #tpu.memory_space<vmem>>) target(%dma_start3A_30 : memref<10000x128xf32, #tpu.memory_space<vmem_shared>>) offsets(%dma_start3A_27 : memref<125xi32, #tpu.memory_space<vmem>>) semaphore(%run_scoped3A : memref<!tpu.dma_semaphore, #tpu.memory_space<semaphore_mem>>) {add = true}
        %dma_wait3A = arith.constant 0 : i32
        %dma_wait3A_31 = tpu.memref_slice %arg6[%scan3A_23, %dma_wait3A] : memref<80x125xi32, #tpu.memory_space<vmem>> -> memref<1x125xi32, #tpu.memory_space<vmem>>
        %dma_wait3A_32 = tpu.memref_squeeze %dma_wait3A_31 : memref<1x125xi32, #tpu.memory_space<vmem>> -> memref<125xi32, #tpu.memory_space<vmem>>
        %dma_wait3A_33 = arith.constant 0 : i32
        %dma_wait3A_34 = arith.constant 0 : i32
        %dma_wait3A_35 = tpu.memref_slice %arg8[%dma_wait3A_33, %dma_wait3A_34] : memref<10000x128xf32, #tpu.memory_space<vmem_shared>> -> memref<10000x128xf32, #tpu.memory_space<vmem_shared>>
        tpu.wait_indirect_dma semaphore(%run_scoped3A : memref<!tpu.dma_semaphore, #tpu.memory_space<semaphore_mem>>) src(%arg7 : memref<125x128xf32, #tpu.memory_space<vmem>>) dst(%dma_wait3A_35 : memref<10000x128xf32, #tpu.memory_space<vmem_shared>>)
        tpu.yield
      }) : () -> ()
      %scan3A_25 = arith.constant 0 : i32
      scf.yield %scan3A_25 : i32
    }
    %scan3A_12 = arith.constant 80 : i32
    %barrier3A_13 = arith.constant 0 : index
    tpu.barrier barrier_id(%barrier3A_13)
    %mul3A_14 = arith.constant 624 : i32
    %mul3A_15 = arith.muli %arg1, %mul3A_14 : i32
    %mul3A_16 = arith.constant 624 : i32
    %mul3A_17 = arith.muli %arg1, %mul3A_16 : i32
    "tpu.region"() ({
      %run_scoped3A = tpu.sem_alloc : memref<!tpu.dma_semaphore, #tpu.memory_space<semaphore_mem>>
      %dma_start3A = arith.constant 0 : i32
      %dma_start3A_23 = arith.constant 0 : i32
      %dma_start3A_24 = tpu.memref_slice %arg5[%arg0, %dma_start3A, %dma_start3A_23] : memref<2x10000x128xf32, #tpu.memory_space<hbm>> -> memref<1x10000x128xf32, #tpu.memory_space<hbm>>
      %dma_start3A_25 = tpu.memref_squeeze %dma_start3A_24 : memref<1x10000x128xf32, #tpu.memory_space<hbm>> -> memref<10000x128xf32, #tpu.memory_space<hbm>>
      %dma_start3A_26 = arith.constant 0 : i32
      %dma_start3A_27 = tpu.memref_slice %dma_start3A_25[%mul3A_17, %dma_start3A_26] : memref<10000x128xf32, #tpu.memory_space<hbm>> -> memref<624x128xf32, #tpu.memory_space<hbm>>
      %dma_start3A_28 = arith.constant 0 : i32
      %dma_start3A_29 = tpu.memref_slice %arg8[%mul3A_15, %dma_start3A_28] : memref<10000x128xf32, #tpu.memory_space<vmem_shared>> -> memref<624x128xf32, #tpu.memory_space<vmem_shared>>
      tpu.enqueue_dma source(%dma_start3A_29 : memref<624x128xf32, #tpu.memory_space<vmem_shared>>) target(%dma_start3A_27 : memref<624x128xf32, #tpu.memory_space<hbm>>) target_semaphore(%run_scoped3A : memref<!tpu.dma_semaphore, #tpu.memory_space<semaphore_mem>>)
      %dma_wait3A = arith.constant 0 : i32
      %dma_wait3A_30 = arith.constant 0 : i32
      %dma_wait3A_31 = tpu.memref_slice %arg5[%arg0, %dma_wait3A, %dma_wait3A_30] : memref<2x10000x128xf32, #tpu.memory_space<hbm>> -> memref<1x10000x128xf32, #tpu.memory_space<hbm>>
      %dma_wait3A_32 = tpu.memref_squeeze %dma_wait3A_31 : memref<1x10000x128xf32, #tpu.memory_space<hbm>> -> memref<10000x128xf32, #tpu.memory_space<hbm>>
      %dma_wait3A_33 = arith.constant 0 : i32
      %dma_wait3A_34 = tpu.memref_slice %dma_wait3A_32[%mul3A_17, %dma_wait3A_33] : memref<10000x128xf32, #tpu.memory_space<hbm>> -> memref<624x128xf32, #tpu.memory_space<hbm>>
      %dma_wait3A_35 = arith.constant 0 : i32
      %dma_wait3A_36 = tpu.memref_slice %arg8[%mul3A_15, %dma_wait3A_35] : memref<10000x128xf32, #tpu.memory_space<vmem_shared>> -> memref<624x128xf32, #tpu.memory_space<vmem_shared>>
      tpu.wait_dma2 semaphore(%run_scoped3A : memref<!tpu.dma_semaphore, #tpu.memory_space<semaphore_mem>>) src(%dma_wait3A_36 : memref<624x128xf32, #tpu.memory_space<vmem_shared>>) dst(%dma_wait3A_34 : memref<624x128xf32, #tpu.memory_space<hbm>>)
      tpu.yield
    }) : () -> ()
    %eq3A_18 = arith.constant 15 : i32
    %eq3A_19 = arith.cmpi eq, %arg1, %eq3A_18 : i32
    %convert_element_type3A_20 = arith.extui %eq3A_19 : i1 to i32
    %cond3A_21 = arith.constant 0 : i32
    %cond3A_22 = arith.cmpi ne, %convert_element_type3A_20, %cond3A_21 : i32
    scf.if %cond3A_22 {
      "tpu.region"() ({
        %run_scoped3A = tpu.sem_alloc : memref<!tpu.dma_semaphore, #tpu.memory_space<semaphore_mem>>
        %dma_start3A = arith.constant 0 : i32
        %dma_start3A_23 = arith.constant 0 : i32
        %dma_start3A_24 = tpu.memref_slice %arg5[%arg0, %dma_start3A, %dma_start3A_23] : memref<2x10000x128xf32, #tpu.memory_space<hbm>> -> memref<1x10000x128xf32, #tpu.memory_space<hbm>>
        %dma_start3A_25 = tpu.memref_squeeze %dma_start3A_24 : memref<1x10000x128xf32, #tpu.memory_space<hbm>> -> memref<10000x128xf32, #tpu.memory_space<hbm>>
        %dma_start3A_26 = arith.constant 9984 : i32
        %dma_start3A_27 = arith.constant 0 : i32
        %dma_start3A_28 = tpu.memref_slice %dma_start3A_25[%dma_start3A_26, %dma_start3A_27] : memref<10000x128xf32, #tpu.memory_space<hbm>> -> memref<16x128xf32, #tpu.memory_space<hbm>>
        %dma_start3A_29 = arith.constant 9984 : i32
        %dma_start3A_30 = arith.constant 0 : i32
        %dma_start3A_31 = tpu.memref_slice %arg8[%dma_start3A_29, %dma_start3A_30] : memref<10000x128xf32, #tpu.memory_space<vmem_shared>> -> memref<16x128xf32, #tpu.memory_space<vmem_shared>>
        tpu.enqueue_dma source(%dma_start3A_31 : memref<16x128xf32, #tpu.memory_space<vmem_shared>>) target(%dma_start3A_28 : memref<16x128xf32, #tpu.memory_space<hbm>>) target_semaphore(%run_scoped3A : memref<!tpu.dma_semaphore, #tpu.memory_space<semaphore_mem>>)
        %dma_wait3A = arith.constant 0 : i32
        %dma_wait3A_32 = arith.constant 0 : i32
        %dma_wait3A_33 = tpu.memref_slice %arg5[%arg0, %dma_wait3A, %dma_wait3A_32] : memref<2x10000x128xf32, #tpu.memory_space<hbm>> -> memref<1x10000x128xf32, #tpu.memory_space<hbm>>
        %dma_wait3A_34 = tpu.memref_squeeze %dma_wait3A_33 : memref<1x10000x128xf32, #tpu.memory_space<hbm>> -> memref<10000x128xf32, #tpu.memory_space<hbm>>
        %dma_wait3A_35 = arith.constant 9984 : i32
        %dma_wait3A_36 = arith.constant 0 : i32
        %dma_wait3A_37 = tpu.memref_slice %dma_wait3A_34[%dma_wait3A_35, %dma_wait3A_36] : memref<10000x128xf32, #tpu.memory_space<hbm>> -> memref<16x128xf32, #tpu.memory_space<hbm>>
        %dma_wait3A_38 = arith.constant 9984 : i32
        %dma_wait3A_39 = arith.constant 0 : i32
        %dma_wait3A_40 = tpu.memref_slice %arg8[%dma_wait3A_38, %dma_wait3A_39] : memref<10000x128xf32, #tpu.memory_space<vmem_shared>> -> memref<16x128xf32, #tpu.memory_space<vmem_shared>>
        tpu.wait_dma2 semaphore(%run_scoped3A : memref<!tpu.dma_semaphore, #tpu.memory_space<semaphore_mem>>) src(%dma_wait3A_40 : memref<16x128xf32, #tpu.memory_space<vmem_shared>>) dst(%dma_wait3A_37 : memref<16x128xf32, #tpu.memory_space<hbm>>)
        tpu.yield
      }) : () -> ()
    } else {
    }
    return
  }
}

#map = affine_map<(d0, d1) -> (0, 0)>
#map1 = affine_map<(d0, d1) -> (0, 0, 0)>
module attributes {stable_mosaic.version = 14 : i64} {
  func.func @_spmm_kernel(%arg0: i32, %arg1: i32, %arg2: memref<10000x128xf32, #tpu.memory_space<hbm>>, %arg3: memref<32x80x125xi32, #tpu.memory_space<hbm>>, %arg4: memref<32x80x125xi32, #tpu.memory_space<hbm>>, %arg5: memref<10000x128xf32, #tpu.memory_space<hbm>>, %arg6: memref<2x10000x128xf32, #tpu.memory_space<hbm>>, %arg7: memref<80x125xi32, #tpu.memory_space<vmem>>, %arg8: memref<80x125xi32, #tpu.memory_space<vmem>>, %arg9: memref<125x128xf32, #tpu.memory_space<vmem>>, %arg10: memref<10000x128xf32, #tpu.memory_space<vmem_shared>>, %arg11: memref<!tpu.dma_semaphore, #tpu.memory_space<semaphore_mem>>) attributes {dimension_semantics = [#tpu.dimension_semantics<core_parallel>, #tpu.dimension_semantics<subcore_parallel>], iteration_bounds = array<i64: 2, 16>, scalar_prefetch = 0 : i64, scratch_operands = 5 : i64, tpu.core_type = #tpu.core_type<sc_vector_subcore>, window_params = [{transform_indices = #map}, {transform_indices = #map1}, {transform_indices = #map1}, {transform_indices = #map}, {transform_indices = #map1}]} {
    %mul3A = arith.constant 2 : i32
    %mul3A_0 = arith.muli %arg1, %mul3A : i32
    %add3A = arith.addi %mul3A_0, %arg0 : i32
    %mul3A_1 = arith.constant 624 : i32
    %mul3A_2 = arith.muli %arg1, %mul3A_1 : i32
    %mul3A_3 = arith.constant 624 : i32
    %mul3A_4 = arith.muli %arg1, %mul3A_3 : i32
    "tpu.region"() ({
      %run_scoped3A = tpu.sem_alloc : memref<!tpu.dma_semaphore, #tpu.memory_space<semaphore_mem>>
      %dma_start3A = arith.constant 0 : i32
      %dma_start3A_23 = tpu.memref_slice %arg10[%mul3A_4, %dma_start3A] : memref<10000x128xf32, #tpu.memory_space<vmem_shared>> -> memref<624x128xf32, #tpu.memory_space<vmem_shared>>
      %dma_start3A_24 = arith.constant 0 : i32
      %dma_start3A_25 = tpu.memref_slice %arg5[%mul3A_2, %dma_start3A_24] : memref<10000x128xf32, #tpu.memory_space<hbm>> -> memref<624x128xf32, #tpu.memory_space<hbm>>
      tpu.enqueue_dma source(%dma_start3A_25 : memref<624x128xf32, #tpu.memory_space<hbm>>) target(%dma_start3A_23 : memref<624x128xf32, #tpu.memory_space<vmem_shared>>) target_semaphore(%run_scoped3A : memref<!tpu.dma_semaphore, #tpu.memory_space<semaphore_mem>>)
      %dma_wait3A = arith.constant 0 : i32
      %dma_wait3A_26 = tpu.memref_slice %arg10[%mul3A_4, %dma_wait3A] : memref<10000x128xf32, #tpu.memory_space<vmem_shared>> -> memref<624x128xf32, #tpu.memory_space<vmem_shared>>
      %dma_wait3A_27 = arith.constant 0 : i32
      %dma_wait3A_28 = tpu.memref_slice %arg5[%mul3A_2, %dma_wait3A_27] : memref<10000x128xf32, #tpu.memory_space<hbm>> -> memref<624x128xf32, #tpu.memory_space<hbm>>
      tpu.wait_dma2 semaphore(%run_scoped3A : memref<!tpu.dma_semaphore, #tpu.memory_space<semaphore_mem>>) src(%dma_wait3A_28 : memref<624x128xf32, #tpu.memory_space<hbm>>) dst(%dma_wait3A_26 : memref<624x128xf32, #tpu.memory_space<vmem_shared>>)
      tpu.yield
    }) : () -> ()
    %eq3A = arith.constant 15 : i32
    %eq3A_5 = arith.cmpi eq, %arg1, %eq3A : i32
    %convert_element_type3A = arith.extui %eq3A_5 : i1 to i32
    %cond3A = arith.constant 0 : i32
    %cond3A_6 = arith.cmpi ne, %convert_element_type3A, %cond3A : i32
    scf.if %cond3A_6 {
      "tpu.region"() ({
        %run_scoped3A = tpu.sem_alloc : memref<!tpu.dma_semaphore, #tpu.memory_space<semaphore_mem>>
        %dma_start3A = arith.constant 9984 : i32
        %dma_start3A_23 = arith.constant 0 : i32
        %dma_start3A_24 = tpu.memref_slice %arg10[%dma_start3A, %dma_start3A_23] : memref<10000x128xf32, #tpu.memory_space<vmem_shared>> -> memref<16x128xf32, #tpu.memory_space<vmem_shared>>
        %dma_start3A_25 = arith.constant 9984 : i32
        %dma_start3A_26 = arith.constant 0 : i32
        %dma_start3A_27 = tpu.memref_slice %arg5[%dma_start3A_25, %dma_start3A_26] : memref<10000x128xf32, #tpu.memory_space<hbm>> -> memref<16x128xf32, #tpu.memory_space<hbm>>
        tpu.enqueue_dma source(%dma_start3A_27 : memref<16x128xf32, #tpu.memory_space<hbm>>) target(%dma_start3A_24 : memref<16x128xf32, #tpu.memory_space<vmem_shared>>) target_semaphore(%run_scoped3A : memref<!tpu.dma_semaphore, #tpu.memory_space<semaphore_mem>>)
        %dma_wait3A = arith.constant 9984 : i32
        %dma_wait3A_28 = arith.constant 0 : i32
        %dma_wait3A_29 = tpu.memref_slice %arg10[%dma_wait3A, %dma_wait3A_28] : memref<10000x128xf32, #tpu.memory_space<vmem_shared>> -> memref<16x128xf32, #tpu.memory_space<vmem_shared>>
        %dma_wait3A_30 = arith.constant 9984 : i32
        %dma_wait3A_31 = arith.constant 0 : i32
        %dma_wait3A_32 = tpu.memref_slice %arg5[%dma_wait3A_30, %dma_wait3A_31] : memref<10000x128xf32, #tpu.memory_space<hbm>> -> memref<16x128xf32, #tpu.memory_space<hbm>>
        tpu.wait_dma2 semaphore(%run_scoped3A : memref<!tpu.dma_semaphore, #tpu.memory_space<semaphore_mem>>) src(%dma_wait3A_32 : memref<16x128xf32, #tpu.memory_space<hbm>>) dst(%dma_wait3A_29 : memref<16x128xf32, #tpu.memory_space<vmem_shared>>)
        tpu.yield
      }) : () -> ()
    } else {
    }
    "tpu.region"() ({
      %run_scoped3A = tpu.sem_alloc : memref<!tpu.dma_semaphore, #tpu.memory_space<semaphore_mem>>
      %dma_start3A = arith.constant 0 : i32
      %dma_start3A_23 = arith.constant 0 : i32
      %dma_start3A_24 = tpu.memref_slice %arg3[%add3A, %dma_start3A, %dma_start3A_23] : memref<32x80x125xi32, #tpu.memory_space<hbm>> -> memref<1x80x125xi32, #tpu.memory_space<hbm>>
      %dma_start3A_25 = tpu.memref_squeeze %dma_start3A_24 : memref<1x80x125xi32, #tpu.memory_space<hbm>> -> memref<80x125xi32, #tpu.memory_space<hbm>>
      %dma_start3A_26 = arith.constant 0 : i32
      %dma_start3A_27 = arith.constant 0 : i32
      %dma_start3A_28 = tpu.memref_slice %arg3[%add3A, %dma_start3A_26, %dma_start3A_27] : memref<32x80x125xi32, #tpu.memory_space<hbm>> -> memref<1x80x125xi32, #tpu.memory_space<hbm>>
      %dma_start3A_29 = tpu.memref_squeeze %dma_start3A_28 : memref<1x80x125xi32, #tpu.memory_space<hbm>> -> memref<80x125xi32, #tpu.memory_space<hbm>>
      tpu.enqueue_dma source(%dma_start3A_29 : memref<80x125xi32, #tpu.memory_space<hbm>>) target(%arg7 : memref<80x125xi32, #tpu.memory_space<vmem>>) target_semaphore(%run_scoped3A : memref<!tpu.dma_semaphore, #tpu.memory_space<semaphore_mem>>)
      %dma_wait3A = arith.constant 0 : i32
      %dma_wait3A_30 = arith.constant 0 : i32
      %dma_wait3A_31 = tpu.memref_slice %arg3[%add3A, %dma_wait3A, %dma_wait3A_30] : memref<32x80x125xi32, #tpu.memory_space<hbm>> -> memref<1x80x125xi32, #tpu.memory_space<hbm>>
      %dma_wait3A_32 = tpu.memref_squeeze %dma_wait3A_31 : memref<1x80x125xi32, #tpu.memory_space<hbm>> -> memref<80x125xi32, #tpu.memory_space<hbm>>
      %dma_wait3A_33 = arith.constant 0 : i32
      %dma_wait3A_34 = arith.constant 0 : i32
      %dma_wait3A_35 = tpu.memref_slice %arg3[%add3A, %dma_wait3A_33, %dma_wait3A_34] : memref<32x80x125xi32, #tpu.memory_space<hbm>> -> memref<1x80x125xi32, #tpu.memory_space<hbm>>
      %dma_wait3A_36 = tpu.memref_squeeze %dma_wait3A_35 : memref<1x80x125xi32, #tpu.memory_space<hbm>> -> memref<80x125xi32, #tpu.memory_space<hbm>>
      tpu.wait_dma2 semaphore(%run_scoped3A : memref<!tpu.dma_semaphore, #tpu.memory_space<semaphore_mem>>) src(%dma_wait3A_36 : memref<80x125xi32, #tpu.memory_space<hbm>>) dst(%arg7 : memref<80x125xi32, #tpu.memory_space<vmem>>)
      tpu.yield
    }) : () -> ()
    "tpu.region"() ({
      %run_scoped3A = tpu.sem_alloc : memref<!tpu.dma_semaphore, #tpu.memory_space<semaphore_mem>>
      %dma_start3A = arith.constant 0 : i32
      %dma_start3A_23 = arith.constant 0 : i32
      %dma_start3A_24 = tpu.memref_slice %arg4[%add3A, %dma_start3A, %dma_start3A_23] : memref<32x80x125xi32, #tpu.memory_space<hbm>> -> memref<1x80x125xi32, #tpu.memory_space<hbm>>
      %dma_start3A_25 = tpu.memref_squeeze %dma_start3A_24 : memref<1x80x125xi32, #tpu.memory_space<hbm>> -> memref<80x125xi32, #tpu.memory_space<hbm>>
      %dma_start3A_26 = arith.constant 0 : i32
      %dma_start3A_27 = arith.constant 0 : i32
      %dma_start3A_28 = tpu.memref_slice %arg4[%add3A, %dma_start3A_26, %dma_start3A_27] : memref<32x80x125xi32, #tpu.memory_space<hbm>> -> memref<1x80x125xi32, #tpu.memory_space<hbm>>
      %dma_start3A_29 = tpu.memref_squeeze %dma_start3A_28 : memref<1x80x125xi32, #tpu.memory_space<hbm>> -> memref<80x125xi32, #tpu.memory_space<hbm>>
      tpu.enqueue_dma source(%dma_start3A_29 : memref<80x125xi32, #tpu.memory_space<hbm>>) target(%arg8 : memref<80x125xi32, #tpu.memory_space<vmem>>) target_semaphore(%run_scoped3A : memref<!tpu.dma_semaphore, #tpu.memory_space<semaphore_mem>>)
      %dma_wait3A = arith.constant 0 : i32
      %dma_wait3A_30 = arith.constant 0 : i32
      %dma_wait3A_31 = tpu.memref_slice %arg4[%add3A, %dma_wait3A, %dma_wait3A_30] : memref<32x80x125xi32, #tpu.memory_space<hbm>> -> memref<1x80x125xi32, #tpu.memory_space<hbm>>
      %dma_wait3A_32 = tpu.memref_squeeze %dma_wait3A_31 : memref<1x80x125xi32, #tpu.memory_space<hbm>> -> memref<80x125xi32, #tpu.memory_space<hbm>>
      %dma_wait3A_33 = arith.constant 0 : i32
      %dma_wait3A_34 = arith.constant 0 : i32
      %dma_wait3A_35 = tpu.memref_slice %arg4[%add3A, %dma_wait3A_33, %dma_wait3A_34] : memref<32x80x125xi32, #tpu.memory_space<hbm>> -> memref<1x80x125xi32, #tpu.memory_space<hbm>>
      %dma_wait3A_36 = tpu.memref_squeeze %dma_wait3A_35 : memref<1x80x125xi32, #tpu.memory_space<hbm>> -> memref<80x125xi32, #tpu.memory_space<hbm>>
      tpu.wait_dma2 semaphore(%run_scoped3A : memref<!tpu.dma_semaphore, #tpu.memory_space<semaphore_mem>>) src(%dma_wait3A_36 : memref<80x125xi32, #tpu.memory_space<hbm>>) dst(%arg8 : memref<80x125xi32, #tpu.memory_space<vmem>>)
      tpu.yield
    }) : () -> ()
    %barrier3A = arith.constant 0 : index
    tpu.barrier barrier_id(%barrier3A)
    %scan3A = arith.constant 0 : i32
    %scan3A_7 = arith.constant 0 : i32
    %scan3A_8 = arith.constant 80 : i32
    %scan3A_9 = arith.addi %scan3A_7, %scan3A_8 : i32
    %scan3A_10 = arith.constant 1 : i32
    %scan3A_11 = scf.for %scan3A_23 = %scan3A_7 to %scan3A_9 step %scan3A_10 iter_args(%scan3A_24 = %scan3A) -> (i32)  : i32 {
      %dma_start3A = arith.constant 0 : i32
      %dma_start3A_25 = tpu.memref_slice %arg7[%scan3A_23, %dma_start3A] : memref<80x125xi32, #tpu.memory_space<vmem>> -> memref<1x125xi32, #tpu.memory_space<vmem>>
      %dma_start3A_26 = tpu.memref_squeeze %dma_start3A_25 : memref<1x125xi32, #tpu.memory_space<vmem>> -> memref<125xi32, #tpu.memory_space<vmem>>
      %dma_start3A_27 = arith.constant 0 : i32
      %dma_start3A_28 = arith.constant 0 : i32
      %dma_start3A_29 = tpu.memref_slice %arg2[%dma_start3A_27, %dma_start3A_28] : memref<10000x128xf32, #tpu.memory_space<hbm>> -> memref<10000x128xf32, #tpu.memory_space<hbm>>
      tpu.enqueue_indirect_dma source(%dma_start3A_29 : memref<10000x128xf32, #tpu.memory_space<hbm>>) target(%arg9 : memref<125x128xf32, #tpu.memory_space<vmem>>) offsets(%dma_start3A_26 : memref<125xi32, #tpu.memory_space<vmem>>) semaphore(%arg11 : memref<!tpu.dma_semaphore, #tpu.memory_space<semaphore_mem>>)
      %dma_wait3A = arith.constant 0 : i32
      %dma_wait3A_30 = tpu.memref_slice %arg7[%scan3A_23, %dma_wait3A] : memref<80x125xi32, #tpu.memory_space<vmem>> -> memref<1x125xi32, #tpu.memory_space<vmem>>
      %dma_wait3A_31 = tpu.memref_squeeze %dma_wait3A_30 : memref<1x125xi32, #tpu.memory_space<vmem>> -> memref<125xi32, #tpu.memory_space<vmem>>
      %dma_wait3A_32 = arith.constant 0 : i32
      %dma_wait3A_33 = arith.constant 0 : i32
      %dma_wait3A_34 = tpu.memref_slice %arg2[%dma_wait3A_32, %dma_wait3A_33] : memref<10000x128xf32, #tpu.memory_space<hbm>> -> memref<10000x128xf32, #tpu.memory_space<hbm>>
      tpu.wait_indirect_dma semaphore(%arg11 : memref<!tpu.dma_semaphore, #tpu.memory_space<semaphore_mem>>) src(%dma_wait3A_34 : memref<10000x128xf32, #tpu.memory_space<hbm>>) dst(%arg9 : memref<125x128xf32, #tpu.memory_space<vmem>>)
      "tpu.region"() ({
        %run_scoped3A = tpu.sem_alloc : memref<!tpu.dma_semaphore, #tpu.memory_space<semaphore_mem>>
        %dma_start3A_36 = arith.constant 0 : i32
        %dma_start3A_37 = tpu.memref_slice %arg8[%scan3A_23, %dma_start3A_36] : memref<80x125xi32, #tpu.memory_space<vmem>> -> memref<1x125xi32, #tpu.memory_space<vmem>>
        %dma_start3A_38 = tpu.memref_squeeze %dma_start3A_37 : memref<1x125xi32, #tpu.memory_space<vmem>> -> memref<125xi32, #tpu.memory_space<vmem>>
        %dma_start3A_39 = arith.constant 0 : i32
        %dma_start3A_40 = arith.constant 0 : i32
        %dma_start3A_41 = tpu.memref_slice %arg10[%dma_start3A_39, %dma_start3A_40] : memref<10000x128xf32, #tpu.memory_space<vmem_shared>> -> memref<10000x128xf32, #tpu.memory_space<vmem_shared>>
        tpu.enqueue_indirect_dma source(%arg9 : memref<125x128xf32, #tpu.memory_space<vmem>>) target(%dma_start3A_41 : memref<10000x128xf32, #tpu.memory_space<vmem_shared>>) offsets(%dma_start3A_38 : memref<125xi32, #tpu.memory_space<vmem>>) semaphore(%run_scoped3A : memref<!tpu.dma_semaphore, #tpu.memory_space<semaphore_mem>>) {add = true}
        %dma_wait3A_42 = arith.constant 0 : i32
        %dma_wait3A_43 = tpu.memref_slice %arg8[%scan3A_23, %dma_wait3A_42] : memref<80x125xi32, #tpu.memory_space<vmem>> -> memref<1x125xi32, #tpu.memory_space<vmem>>
        %dma_wait3A_44 = tpu.memref_squeeze %dma_wait3A_43 : memref<1x125xi32, #tpu.memory_space<vmem>> -> memref<125xi32, #tpu.memory_space<vmem>>
        %dma_wait3A_45 = arith.constant 0 : i32
        %dma_wait3A_46 = arith.constant 0 : i32
        %dma_wait3A_47 = tpu.memref_slice %arg10[%dma_wait3A_45, %dma_wait3A_46] : memref<10000x128xf32, #tpu.memory_space<vmem_shared>> -> memref<10000x128xf32, #tpu.memory_space<vmem_shared>>
        tpu.wait_indirect_dma semaphore(%run_scoped3A : memref<!tpu.dma_semaphore, #tpu.memory_space<semaphore_mem>>) src(%arg9 : memref<125x128xf32, #tpu.memory_space<vmem>>) dst(%dma_wait3A_47 : memref<10000x128xf32, #tpu.memory_space<vmem_shared>>)
        tpu.yield
      }) : () -> ()
      %scan3A_35 = arith.constant 0 : i32
      scf.yield %scan3A_35 : i32
    }
    %scan3A_12 = arith.constant 80 : i32
    %barrier3A_13 = arith.constant 0 : index
    tpu.barrier barrier_id(%barrier3A_13)
    %mul3A_14 = arith.constant 624 : i32
    %mul3A_15 = arith.muli %arg1, %mul3A_14 : i32
    %mul3A_16 = arith.constant 624 : i32
    %mul3A_17 = arith.muli %arg1, %mul3A_16 : i32
    "tpu.region"() ({
      %run_scoped3A = tpu.sem_alloc : memref<!tpu.dma_semaphore, #tpu.memory_space<semaphore_mem>>
      %dma_start3A = arith.constant 0 : i32
      %dma_start3A_23 = arith.constant 0 : i32
      %dma_start3A_24 = tpu.memref_slice %arg6[%arg0, %dma_start3A, %dma_start3A_23] : memref<2x10000x128xf32, #tpu.memory_space<hbm>> -> memref<1x10000x128xf32, #tpu.memory_space<hbm>>
      %dma_start3A_25 = tpu.memref_squeeze %dma_start3A_24 : memref<1x10000x128xf32, #tpu.memory_space<hbm>> -> memref<10000x128xf32, #tpu.memory_space<hbm>>
      %dma_start3A_26 = arith.constant 0 : i32
      %dma_start3A_27 = tpu.memref_slice %dma_start3A_25[%mul3A_17, %dma_start3A_26] : memref<10000x128xf32, #tpu.memory_space<hbm>> -> memref<624x128xf32, #tpu.memory_space<hbm>>
      %dma_start3A_28 = arith.constant 0 : i32
      %dma_start3A_29 = tpu.memref_slice %arg10[%mul3A_15, %dma_start3A_28] : memref<10000x128xf32, #tpu.memory_space<vmem_shared>> -> memref<624x128xf32, #tpu.memory_space<vmem_shared>>
      tpu.enqueue_dma source(%dma_start3A_29 : memref<624x128xf32, #tpu.memory_space<vmem_shared>>) target(%dma_start3A_27 : memref<624x128xf32, #tpu.memory_space<hbm>>) target_semaphore(%run_scoped3A : memref<!tpu.dma_semaphore, #tpu.memory_space<semaphore_mem>>)
      %dma_wait3A = arith.constant 0 : i32
      %dma_wait3A_30 = arith.constant 0 : i32
      %dma_wait3A_31 = tpu.memref_slice %arg6[%arg0, %dma_wait3A, %dma_wait3A_30] : memref<2x10000x128xf32, #tpu.memory_space<hbm>> -> memref<1x10000x128xf32, #tpu.memory_space<hbm>>
      %dma_wait3A_32 = tpu.memref_squeeze %dma_wait3A_31 : memref<1x10000x128xf32, #tpu.memory_space<hbm>> -> memref<10000x128xf32, #tpu.memory_space<hbm>>
      %dma_wait3A_33 = arith.constant 0 : i32
      %dma_wait3A_34 = tpu.memref_slice %dma_wait3A_32[%mul3A_17, %dma_wait3A_33] : memref<10000x128xf32, #tpu.memory_space<hbm>> -> memref<624x128xf32, #tpu.memory_space<hbm>>
      %dma_wait3A_35 = arith.constant 0 : i32
      %dma_wait3A_36 = tpu.memref_slice %arg10[%mul3A_15, %dma_wait3A_35] : memref<10000x128xf32, #tpu.memory_space<vmem_shared>> -> memref<624x128xf32, #tpu.memory_space<vmem_shared>>
      tpu.wait_dma2 semaphore(%run_scoped3A : memref<!tpu.dma_semaphore, #tpu.memory_space<semaphore_mem>>) src(%dma_wait3A_36 : memref<624x128xf32, #tpu.memory_space<vmem_shared>>) dst(%dma_wait3A_34 : memref<624x128xf32, #tpu.memory_space<hbm>>)
      tpu.yield
    }) : () -> ()
    %eq3A_18 = arith.constant 15 : i32
    %eq3A_19 = arith.cmpi eq, %arg1, %eq3A_18 : i32
    %convert_element_type3A_20 = arith.extui %eq3A_19 : i1 to i32
    %cond3A_21 = arith.constant 0 : i32
    %cond3A_22 = arith.cmpi ne, %convert_element_type3A_20, %cond3A_21 : i32
    scf.if %cond3A_22 {
      "tpu.region"() ({
        %run_scoped3A = tpu.sem_alloc : memref<!tpu.dma_semaphore, #tpu.memory_space<semaphore_mem>>
        %dma_start3A = arith.constant 0 : i32
        %dma_start3A_23 = arith.constant 0 : i32
        %dma_start3A_24 = tpu.memref_slice %arg6[%arg0, %dma_start3A, %dma_start3A_23] : memref<2x10000x128xf32, #tpu.memory_space<hbm>> -> memref<1x10000x128xf32, #tpu.memory_space<hbm>>
        %dma_start3A_25 = tpu.memref_squeeze %dma_start3A_24 : memref<1x10000x128xf32, #tpu.memory_space<hbm>> -> memref<10000x128xf32, #tpu.memory_space<hbm>>
        %dma_start3A_26 = arith.constant 9984 : i32
        %dma_start3A_27 = arith.constant 0 : i32
        %dma_start3A_28 = tpu.memref_slice %dma_start3A_25[%dma_start3A_26, %dma_start3A_27] : memref<10000x128xf32, #tpu.memory_space<hbm>> -> memref<16x128xf32, #tpu.memory_space<hbm>>
        %dma_start3A_29 = arith.constant 9984 : i32
        %dma_start3A_30 = arith.constant 0 : i32
        %dma_start3A_31 = tpu.memref_slice %arg10[%dma_start3A_29, %dma_start3A_30] : memref<10000x128xf32, #tpu.memory_space<vmem_shared>> -> memref<16x128xf32, #tpu.memory_space<vmem_shared>>
        tpu.enqueue_dma source(%dma_start3A_31 : memref<16x128xf32, #tpu.memory_space<vmem_shared>>) target(%dma_start3A_28 : memref<16x128xf32, #tpu.memory_space<hbm>>) target_semaphore(%run_scoped3A : memref<!tpu.dma_semaphore, #tpu.memory_space<semaphore_mem>>)
        %dma_wait3A = arith.constant 0 : i32
        %dma_wait3A_32 = arith.constant 0 : i32
        %dma_wait3A_33 = tpu.memref_slice %arg6[%arg0, %dma_wait3A, %dma_wait3A_32] : memref<2x10000x128xf32, #tpu.memory_space<hbm>> -> memref<1x10000x128xf32, #tpu.memory_space<hbm>>
        %dma_wait3A_34 = tpu.memref_squeeze %dma_wait3A_33 : memref<1x10000x128xf32, #tpu.memory_space<hbm>> -> memref<10000x128xf32, #tpu.memory_space<hbm>>
        %dma_wait3A_35 = arith.constant 9984 : i32
        %dma_wait3A_36 = arith.constant 0 : i32
        %dma_wait3A_37 = tpu.memref_slice %dma_wait3A_34[%dma_wait3A_35, %dma_wait3A_36] : memref<10000x128xf32, #tpu.memory_space<hbm>> -> memref<16x128xf32, #tpu.memory_space<hbm>>
        %dma_wait3A_38 = arith.constant 9984 : i32
        %dma_wait3A_39 = arith.constant 0 : i32
        %dma_wait3A_40 = tpu.memref_slice %arg10[%dma_wait3A_38, %dma_wait3A_39] : memref<10000x128xf32, #tpu.memory_space<vmem_shared>> -> memref<16x128xf32, #tpu.memory_space<vmem_shared>>
        tpu.wait_dma2 semaphore(%run_scoped3A : memref<!tpu.dma_semaphore, #tpu.memory_space<semaphore_mem>>) src(%dma_wait3A_40 : memref<16x128xf32, #tpu.memory_space<vmem_shared>>) dst(%dma_wait3A_37 : memref<16x128xf32, #tpu.memory_space<hbm>>)
        tpu.yield
      }) : () -> ()
    } else {
    }
    return
  }
}

#map = affine_map<(d0, d1) -> (0, 0)>
#map1 = affine_map<(d0, d1) -> (0, 0, 0)>
module attributes {stable_mosaic.version = 14 : i64} {
  func.func @_spmm_kernel(%arg0: i32, %arg1: i32, %arg2: memref<10000x128xf32, #tpu.memory_space<hbm>>, %arg3: memref<32x80x125xi32, #tpu.memory_space<hbm>>, %arg4: memref<32x80x125xi32, #tpu.memory_space<hbm>>, %arg5: memref<10000x128xf32, #tpu.memory_space<hbm>>, %arg6: memref<2x10000x128xf32, #tpu.memory_space<hbm>>, %arg7: memref<80x125xi32, #tpu.memory_space<vmem>>, %arg8: memref<80x125xi32, #tpu.memory_space<vmem>>, %arg9: memref<125x128xf32, #tpu.memory_space<vmem>>, %arg10: memref<10000x128xf32, #tpu.memory_space<vmem_shared>>, %arg11: memref<!tpu.dma_semaphore, #tpu.memory_space<semaphore_mem>>) attributes {dimension_semantics = [#tpu.dimension_semantics<core_parallel>, #tpu.dimension_semantics<subcore_parallel>], iteration_bounds = array<i64: 2, 16>, scalar_prefetch = 0 : i64, scratch_operands = 5 : i64, tpu.core_type = #tpu.core_type<sc_vector_subcore>, window_params = [{transform_indices = #map}, {transform_indices = #map1}, {transform_indices = #map1}, {transform_indices = #map}, {transform_indices = #map1}]} {
    %mul3A = arith.constant 2 : i32
    %mul3A_0 = arith.muli %arg1, %mul3A : i32
    %add3A = arith.addi %mul3A_0, %arg0 : i32
    %mul3A_1 = arith.constant 624 : i32
    %mul3A_2 = arith.muli %arg1, %mul3A_1 : i32
    %mul3A_3 = arith.constant 624 : i32
    %mul3A_4 = arith.muli %arg1, %mul3A_3 : i32
    "tpu.region"() ({
      %run_scoped3A = tpu.sem_alloc : memref<!tpu.dma_semaphore, #tpu.memory_space<semaphore_mem>>
      %dma_start3A = arith.constant 0 : i32
      %dma_start3A_23 = tpu.memref_slice %arg10[%mul3A_4, %dma_start3A] : memref<10000x128xf32, #tpu.memory_space<vmem_shared>> -> memref<624x128xf32, #tpu.memory_space<vmem_shared>>
      %dma_start3A_24 = arith.constant 0 : i32
      %dma_start3A_25 = tpu.memref_slice %arg5[%mul3A_2, %dma_start3A_24] : memref<10000x128xf32, #tpu.memory_space<hbm>> -> memref<624x128xf32, #tpu.memory_space<hbm>>
      tpu.enqueue_dma source(%dma_start3A_25 : memref<624x128xf32, #tpu.memory_space<hbm>>) target(%dma_start3A_23 : memref<624x128xf32, #tpu.memory_space<vmem_shared>>) target_semaphore(%run_scoped3A : memref<!tpu.dma_semaphore, #tpu.memory_space<semaphore_mem>>)
      %dma_wait3A = arith.constant 0 : i32
      %dma_wait3A_26 = tpu.memref_slice %arg10[%mul3A_4, %dma_wait3A] : memref<10000x128xf32, #tpu.memory_space<vmem_shared>> -> memref<624x128xf32, #tpu.memory_space<vmem_shared>>
      %dma_wait3A_27 = arith.constant 0 : i32
      %dma_wait3A_28 = tpu.memref_slice %arg5[%mul3A_2, %dma_wait3A_27] : memref<10000x128xf32, #tpu.memory_space<hbm>> -> memref<624x128xf32, #tpu.memory_space<hbm>>
      tpu.wait_dma2 semaphore(%run_scoped3A : memref<!tpu.dma_semaphore, #tpu.memory_space<semaphore_mem>>) src(%dma_wait3A_28 : memref<624x128xf32, #tpu.memory_space<hbm>>) dst(%dma_wait3A_26 : memref<624x128xf32, #tpu.memory_space<vmem_shared>>)
      tpu.yield
    }) : () -> ()
    %eq3A = arith.constant 15 : i32
    %eq3A_5 = arith.cmpi eq, %arg1, %eq3A : i32
    %convert_element_type3A = arith.extui %eq3A_5 : i1 to i32
    %cond3A = arith.constant 0 : i32
    %cond3A_6 = arith.cmpi ne, %convert_element_type3A, %cond3A : i32
    scf.if %cond3A_6 {
      "tpu.region"() ({
        %run_scoped3A = tpu.sem_alloc : memref<!tpu.dma_semaphore, #tpu.memory_space<semaphore_mem>>
        %dma_start3A = arith.constant 9984 : i32
        %dma_start3A_23 = arith.constant 0 : i32
        %dma_start3A_24 = tpu.memref_slice %arg10[%dma_start3A, %dma_start3A_23] : memref<10000x128xf32, #tpu.memory_space<vmem_shared>> -> memref<16x128xf32, #tpu.memory_space<vmem_shared>>
        %dma_start3A_25 = arith.constant 9984 : i32
        %dma_start3A_26 = arith.constant 0 : i32
        %dma_start3A_27 = tpu.memref_slice %arg5[%dma_start3A_25, %dma_start3A_26] : memref<10000x128xf32, #tpu.memory_space<hbm>> -> memref<16x128xf32, #tpu.memory_space<hbm>>
        tpu.enqueue_dma source(%dma_start3A_27 : memref<16x128xf32, #tpu.memory_space<hbm>>) target(%dma_start3A_24 : memref<16x128xf32, #tpu.memory_space<vmem_shared>>) target_semaphore(%run_scoped3A : memref<!tpu.dma_semaphore, #tpu.memory_space<semaphore_mem>>)
        %dma_wait3A = arith.constant 9984 : i32
        %dma_wait3A_28 = arith.constant 0 : i32
        %dma_wait3A_29 = tpu.memref_slice %arg10[%dma_wait3A, %dma_wait3A_28] : memref<10000x128xf32, #tpu.memory_space<vmem_shared>> -> memref<16x128xf32, #tpu.memory_space<vmem_shared>>
        %dma_wait3A_30 = arith.constant 9984 : i32
        %dma_wait3A_31 = arith.constant 0 : i32
        %dma_wait3A_32 = tpu.memref_slice %arg5[%dma_wait3A_30, %dma_wait3A_31] : memref<10000x128xf32, #tpu.memory_space<hbm>> -> memref<16x128xf32, #tpu.memory_space<hbm>>
        tpu.wait_dma2 semaphore(%run_scoped3A : memref<!tpu.dma_semaphore, #tpu.memory_space<semaphore_mem>>) src(%dma_wait3A_32 : memref<16x128xf32, #tpu.memory_space<hbm>>) dst(%dma_wait3A_29 : memref<16x128xf32, #tpu.memory_space<vmem_shared>>)
        tpu.yield
      }) : () -> ()
    } else {
    }
    "tpu.region"() ({
      %run_scoped3A = tpu.sem_alloc : memref<!tpu.dma_semaphore, #tpu.memory_space<semaphore_mem>>
      %dma_start3A = arith.constant 0 : i32
      %dma_start3A_23 = arith.constant 0 : i32
      %dma_start3A_24 = tpu.memref_slice %arg3[%add3A, %dma_start3A, %dma_start3A_23] : memref<32x80x125xi32, #tpu.memory_space<hbm>> -> memref<1x80x125xi32, #tpu.memory_space<hbm>>
      %dma_start3A_25 = tpu.memref_squeeze %dma_start3A_24 : memref<1x80x125xi32, #tpu.memory_space<hbm>> -> memref<80x125xi32, #tpu.memory_space<hbm>>
      %dma_start3A_26 = arith.constant 0 : i32
      %dma_start3A_27 = arith.constant 0 : i32
      %dma_start3A_28 = tpu.memref_slice %arg3[%add3A, %dma_start3A_26, %dma_start3A_27] : memref<32x80x125xi32, #tpu.memory_space<hbm>> -> memref<1x80x125xi32, #tpu.memory_space<hbm>>
      %dma_start3A_29 = tpu.memref_squeeze %dma_start3A_28 : memref<1x80x125xi32, #tpu.memory_space<hbm>> -> memref<80x125xi32, #tpu.memory_space<hbm>>
      tpu.enqueue_dma source(%dma_start3A_29 : memref<80x125xi32, #tpu.memory_space<hbm>>) target(%arg7 : memref<80x125xi32, #tpu.memory_space<vmem>>) target_semaphore(%run_scoped3A : memref<!tpu.dma_semaphore, #tpu.memory_space<semaphore_mem>>)
      %dma_wait3A = arith.constant 0 : i32
      %dma_wait3A_30 = arith.constant 0 : i32
      %dma_wait3A_31 = tpu.memref_slice %arg3[%add3A, %dma_wait3A, %dma_wait3A_30] : memref<32x80x125xi32, #tpu.memory_space<hbm>> -> memref<1x80x125xi32, #tpu.memory_space<hbm>>
      %dma_wait3A_32 = tpu.memref_squeeze %dma_wait3A_31 : memref<1x80x125xi32, #tpu.memory_space<hbm>> -> memref<80x125xi32, #tpu.memory_space<hbm>>
      %dma_wait3A_33 = arith.constant 0 : i32
      %dma_wait3A_34 = arith.constant 0 : i32
      %dma_wait3A_35 = tpu.memref_slice %arg3[%add3A, %dma_wait3A_33, %dma_wait3A_34] : memref<32x80x125xi32, #tpu.memory_space<hbm>> -> memref<1x80x125xi32, #tpu.memory_space<hbm>>
      %dma_wait3A_36 = tpu.memref_squeeze %dma_wait3A_35 : memref<1x80x125xi32, #tpu.memory_space<hbm>> -> memref<80x125xi32, #tpu.memory_space<hbm>>
      tpu.wait_dma2 semaphore(%run_scoped3A : memref<!tpu.dma_semaphore, #tpu.memory_space<semaphore_mem>>) src(%dma_wait3A_36 : memref<80x125xi32, #tpu.memory_space<hbm>>) dst(%arg7 : memref<80x125xi32, #tpu.memory_space<vmem>>)
      tpu.yield
    }) : () -> ()
    "tpu.region"() ({
      %run_scoped3A = tpu.sem_alloc : memref<!tpu.dma_semaphore, #tpu.memory_space<semaphore_mem>>
      %dma_start3A = arith.constant 0 : i32
      %dma_start3A_23 = arith.constant 0 : i32
      %dma_start3A_24 = tpu.memref_slice %arg4[%add3A, %dma_start3A, %dma_start3A_23] : memref<32x80x125xi32, #tpu.memory_space<hbm>> -> memref<1x80x125xi32, #tpu.memory_space<hbm>>
      %dma_start3A_25 = tpu.memref_squeeze %dma_start3A_24 : memref<1x80x125xi32, #tpu.memory_space<hbm>> -> memref<80x125xi32, #tpu.memory_space<hbm>>
      %dma_start3A_26 = arith.constant 0 : i32
      %dma_start3A_27 = arith.constant 0 : i32
      %dma_start3A_28 = tpu.memref_slice %arg4[%add3A, %dma_start3A_26, %dma_start3A_27] : memref<32x80x125xi32, #tpu.memory_space<hbm>> -> memref<1x80x125xi32, #tpu.memory_space<hbm>>
      %dma_start3A_29 = tpu.memref_squeeze %dma_start3A_28 : memref<1x80x125xi32, #tpu.memory_space<hbm>> -> memref<80x125xi32, #tpu.memory_space<hbm>>
      tpu.enqueue_dma source(%dma_start3A_29 : memref<80x125xi32, #tpu.memory_space<hbm>>) target(%arg8 : memref<80x125xi32, #tpu.memory_space<vmem>>) target_semaphore(%run_scoped3A : memref<!tpu.dma_semaphore, #tpu.memory_space<semaphore_mem>>)
      %dma_wait3A = arith.constant 0 : i32
      %dma_wait3A_30 = arith.constant 0 : i32
      %dma_wait3A_31 = tpu.memref_slice %arg4[%add3A, %dma_wait3A, %dma_wait3A_30] : memref<32x80x125xi32, #tpu.memory_space<hbm>> -> memref<1x80x125xi32, #tpu.memory_space<hbm>>
      %dma_wait3A_32 = tpu.memref_squeeze %dma_wait3A_31 : memref<1x80x125xi32, #tpu.memory_space<hbm>> -> memref<80x125xi32, #tpu.memory_space<hbm>>
      %dma_wait3A_33 = arith.constant 0 : i32
      %dma_wait3A_34 = arith.constant 0 : i32
      %dma_wait3A_35 = tpu.memref_slice %arg4[%add3A, %dma_wait3A_33, %dma_wait3A_34] : memref<32x80x125xi32, #tpu.memory_space<hbm>> -> memref<1x80x125xi32, #tpu.memory_space<hbm>>
      %dma_wait3A_36 = tpu.memref_squeeze %dma_wait3A_35 : memref<1x80x125xi32, #tpu.memory_space<hbm>> -> memref<80x125xi32, #tpu.memory_space<hbm>>
      tpu.wait_dma2 semaphore(%run_scoped3A : memref<!tpu.dma_semaphore, #tpu.memory_space<semaphore_mem>>) src(%dma_wait3A_36 : memref<80x125xi32, #tpu.memory_space<hbm>>) dst(%arg8 : memref<80x125xi32, #tpu.memory_space<vmem>>)
      tpu.yield
    }) : () -> ()
    %barrier3A = arith.constant 0 : index
    tpu.barrier barrier_id(%barrier3A)
    %scan3A = arith.constant 0 : i32
    %scan3A_7 = arith.constant 0 : i32
    %scan3A_8 = arith.constant 80 : i32
    %scan3A_9 = arith.addi %scan3A_7, %scan3A_8 : i32
    %scan3A_10 = arith.constant 1 : i32
    %scan3A_11 = scf.for %scan3A_23 = %scan3A_7 to %scan3A_9 step %scan3A_10 iter_args(%scan3A_24 = %scan3A) -> (i32)  : i32 {
      %dma_start3A = arith.constant 0 : i32
      %dma_start3A_25 = tpu.memref_slice %arg7[%scan3A_23, %dma_start3A] : memref<80x125xi32, #tpu.memory_space<vmem>> -> memref<1x125xi32, #tpu.memory_space<vmem>>
      %dma_start3A_26 = tpu.memref_squeeze %dma_start3A_25 : memref<1x125xi32, #tpu.memory_space<vmem>> -> memref<125xi32, #tpu.memory_space<vmem>>
      %dma_start3A_27 = arith.constant 0 : i32
      %dma_start3A_28 = arith.constant 0 : i32
      %dma_start3A_29 = tpu.memref_slice %arg2[%dma_start3A_27, %dma_start3A_28] : memref<10000x128xf32, #tpu.memory_space<hbm>> -> memref<10000x128xf32, #tpu.memory_space<hbm>>
      tpu.enqueue_indirect_dma source(%dma_start3A_29 : memref<10000x128xf32, #tpu.memory_space<hbm>>) target(%arg9 : memref<125x128xf32, #tpu.memory_space<vmem>>) offsets(%dma_start3A_26 : memref<125xi32, #tpu.memory_space<vmem>>) semaphore(%arg11 : memref<!tpu.dma_semaphore, #tpu.memory_space<semaphore_mem>>)
      %dma_wait3A = arith.constant 0 : i32
      %dma_wait3A_30 = tpu.memref_slice %arg7[%scan3A_23, %dma_wait3A] : memref<80x125xi32, #tpu.memory_space<vmem>> -> memref<1x125xi32, #tpu.memory_space<vmem>>
      %dma_wait3A_31 = tpu.memref_squeeze %dma_wait3A_30 : memref<1x125xi32, #tpu.memory_space<vmem>> -> memref<125xi32, #tpu.memory_space<vmem>>
      %dma_wait3A_32 = arith.constant 0 : i32
      %dma_wait3A_33 = arith.constant 0 : i32
      %dma_wait3A_34 = tpu.memref_slice %arg2[%dma_wait3A_32, %dma_wait3A_33] : memref<10000x128xf32, #tpu.memory_space<hbm>> -> memref<10000x128xf32, #tpu.memory_space<hbm>>
      tpu.wait_indirect_dma semaphore(%arg11 : memref<!tpu.dma_semaphore, #tpu.memory_space<semaphore_mem>>) src(%dma_wait3A_34 : memref<10000x128xf32, #tpu.memory_space<hbm>>) dst(%arg9 : memref<125x128xf32, #tpu.memory_space<vmem>>)
      "tpu.region"() ({
        %run_scoped3A = tpu.sem_alloc : memref<!tpu.dma_semaphore, #tpu.memory_space<semaphore_mem>>
        %dma_start3A_36 = arith.constant 0 : i32
        %dma_start3A_37 = tpu.memref_slice %arg8[%scan3A_23, %dma_start3A_36] : memref<80x125xi32, #tpu.memory_space<vmem>> -> memref<1x125xi32, #tpu.memory_space<vmem>>
        %dma_start3A_38 = tpu.memref_squeeze %dma_start3A_37 : memref<1x125xi32, #tpu.memory_space<vmem>> -> memref<125xi32, #tpu.memory_space<vmem>>
        %dma_start3A_39 = arith.constant 0 : i32
        %dma_start3A_40 = arith.constant 0 : i32
        %dma_start3A_41 = tpu.memref_slice %arg10[%dma_start3A_39, %dma_start3A_40] : memref<10000x128xf32, #tpu.memory_space<vmem_shared>> -> memref<10000x128xf32, #tpu.memory_space<vmem_shared>>
        tpu.enqueue_indirect_dma source(%arg9 : memref<125x128xf32, #tpu.memory_space<vmem>>) target(%dma_start3A_41 : memref<10000x128xf32, #tpu.memory_space<vmem_shared>>) offsets(%dma_start3A_38 : memref<125xi32, #tpu.memory_space<vmem>>) semaphore(%run_scoped3A : memref<!tpu.dma_semaphore, #tpu.memory_space<semaphore_mem>>) {add = true}
        %dma_wait3A_42 = arith.constant 0 : i32
        %dma_wait3A_43 = tpu.memref_slice %arg8[%scan3A_23, %dma_wait3A_42] : memref<80x125xi32, #tpu.memory_space<vmem>> -> memref<1x125xi32, #tpu.memory_space<vmem>>
        %dma_wait3A_44 = tpu.memref_squeeze %dma_wait3A_43 : memref<1x125xi32, #tpu.memory_space<vmem>> -> memref<125xi32, #tpu.memory_space<vmem>>
        %dma_wait3A_45 = arith.constant 0 : i32
        %dma_wait3A_46 = arith.constant 0 : i32
        %dma_wait3A_47 = tpu.memref_slice %arg10[%dma_wait3A_45, %dma_wait3A_46] : memref<10000x128xf32, #tpu.memory_space<vmem_shared>> -> memref<10000x128xf32, #tpu.memory_space<vmem_shared>>
        tpu.wait_indirect_dma semaphore(%run_scoped3A : memref<!tpu.dma_semaphore, #tpu.memory_space<semaphore_mem>>) src(%arg9 : memref<125x128xf32, #tpu.memory_space<vmem>>) dst(%dma_wait3A_47 : memref<10000x128xf32, #tpu.memory_space<vmem_shared>>)
        tpu.yield
      }) : () -> ()
      %scan3A_35 = arith.constant 0 : i32
      scf.yield %scan3A_35 : i32
    }
    %scan3A_12 = arith.constant 80 : i32
    %barrier3A_13 = arith.constant 0 : index
    tpu.barrier barrier_id(%barrier3A_13)
    %mul3A_14 = arith.constant 624 : i32
    %mul3A_15 = arith.muli %arg1, %mul3A_14 : i32
    %mul3A_16 = arith.constant 624 : i32
    %mul3A_17 = arith.muli %arg1, %mul3A_16 : i32
    "tpu.region"() ({
      %run_scoped3A = tpu.sem_alloc : memref<!tpu.dma_semaphore, #tpu.memory_space<semaphore_mem>>
      %dma_start3A = arith.constant 0 : i32
      %dma_start3A_23 = arith.constant 0 : i32
      %dma_start3A_24 = tpu.memref_slice %arg6[%arg0, %dma_start3A, %dma_start3A_23] : memref<2x10000x128xf32, #tpu.memory_space<hbm>> -> memref<1x10000x128xf32, #tpu.memory_space<hbm>>
      %dma_start3A_25 = tpu.memref_squeeze %dma_start3A_24 : memref<1x10000x128xf32, #tpu.memory_space<hbm>> -> memref<10000x128xf32, #tpu.memory_space<hbm>>
      %dma_start3A_26 = arith.constant 0 : i32
      %dma_start3A_27 = tpu.memref_slice %dma_start3A_25[%mul3A_17, %dma_start3A_26] : memref<10000x128xf32, #tpu.memory_space<hbm>> -> memref<624x128xf32, #tpu.memory_space<hbm>>
      %dma_start3A_28 = arith.constant 0 : i32
      %dma_start3A_29 = tpu.memref_slice %arg10[%mul3A_15, %dma_start3A_28] : memref<10000x128xf32, #tpu.memory_space<vmem_shared>> -> memref<624x128xf32, #tpu.memory_space<vmem_shared>>
      tpu.enqueue_dma source(%dma_start3A_29 : memref<624x128xf32, #tpu.memory_space<vmem_shared>>) target(%dma_start3A_27 : memref<624x128xf32, #tpu.memory_space<hbm>>) target_semaphore(%run_scoped3A : memref<!tpu.dma_semaphore, #tpu.memory_space<semaphore_mem>>)
      %dma_wait3A = arith.constant 0 : i32
      %dma_wait3A_30 = arith.constant 0 : i32
      %dma_wait3A_31 = tpu.memref_slice %arg6[%arg0, %dma_wait3A, %dma_wait3A_30] : memref<2x10000x128xf32, #tpu.memory_space<hbm>> -> memref<1x10000x128xf32, #tpu.memory_space<hbm>>
      %dma_wait3A_32 = tpu.memref_squeeze %dma_wait3A_31 : memref<1x10000x128xf32, #tpu.memory_space<hbm>> -> memref<10000x128xf32, #tpu.memory_space<hbm>>
      %dma_wait3A_33 = arith.constant 0 : i32
      %dma_wait3A_34 = tpu.memref_slice %dma_wait3A_32[%mul3A_17, %dma_wait3A_33] : memref<10000x128xf32, #tpu.memory_space<hbm>> -> memref<624x128xf32, #tpu.memory_space<hbm>>
      %dma_wait3A_35 = arith.constant 0 : i32
      %dma_wait3A_36 = tpu.memref_slice %arg10[%mul3A_15, %dma_wait3A_35] : memref<10000x128xf32, #tpu.memory_space<vmem_shared>> -> memref<624x128xf32, #tpu.memory_space<vmem_shared>>
      tpu.wait_dma2 semaphore(%run_scoped3A : memref<!tpu.dma_semaphore, #tpu.memory_space<semaphore_mem>>) src(%dma_wait3A_36 : memref<624x128xf32, #tpu.memory_space<vmem_shared>>) dst(%dma_wait3A_34 : memref<624x128xf32, #tpu.memory_space<hbm>>)
      tpu.yield
    }) : () -> ()
    %eq3A_18 = arith.constant 15 : i32
    %eq3A_19 = arith.cmpi eq, %arg1, %eq3A_18 : i32
    %convert_element_type3A_20 = arith.extui %eq3A_19 : i1 to i32
    %cond3A_21 = arith.constant 0 : i32
    %cond3A_22 = arith.cmpi ne, %convert_element_type3A_20, %cond3A_21 : i32
    scf.if %cond3A_22 {
      "tpu.region"() ({
        %run_scoped3A = tpu.sem_alloc : memref<!tpu.dma_semaphore, #tpu.memory_space<semaphore_mem>>
        %dma_start3A = arith.constant 0 : i32
        %dma_start3A_23 = arith.constant 0 : i32
        %dma_start3A_24 = tpu.memref_slice %arg6[%arg0, %dma_start3A, %dma_start3A_23] : memref<2x10000x128xf32, #tpu.memory_space<hbm>> -> memref<1x10000x128xf32, #tpu.memory_space<hbm>>
        %dma_start3A_25 = tpu.memref_squeeze %dma_start3A_24 : memref<1x10000x128xf32, #tpu.memory_space<hbm>> -> memref<10000x128xf32, #tpu.memory_space<hbm>>
        %dma_start3A_26 = arith.constant 9984 : i32
        %dma_start3A_27 = arith.constant 0 : i32
        %dma_start3A_28 = tpu.memref_slice %dma_start3A_25[%dma_start3A_26, %dma_start3A_27] : memref<10000x128xf32, #tpu.memory_space<hbm>> -> memref<16x128xf32, #tpu.memory_space<hbm>>
        %dma_start3A_29 = arith.constant 9984 : i32
        %dma_start3A_30 = arith.constant 0 : i32
        %dma_start3A_31 = tpu.memref_slice %arg10[%dma_start3A_29, %dma_start3A_30] : memref<10000x128xf32, #tpu.memory_space<vmem_shared>> -> memref<16x128xf32, #tpu.memory_space<vmem_shared>>
        tpu.enqueue_dma source(%dma_start3A_31 : memref<16x128xf32, #tpu.memory_space<vmem_shared>>) target(%dma_start3A_28 : memref<16x128xf32, #tpu.memory_space<hbm>>) target_semaphore(%run_scoped3A : memref<!tpu.dma_semaphore, #tpu.memory_space<semaphore_mem>>)
        %dma_wait3A = arith.constant 0 : i32
        %dma_wait3A_32 = arith.constant 0 : i32
        %dma_wait3A_33 = tpu.memref_slice %arg6[%arg0, %dma_wait3A, %dma_wait3A_32] : memref<2x10000x128xf32, #tpu.memory_space<hbm>> -> memref<1x10000x128xf32, #tpu.memory_space<hbm>>
        %dma_wait3A_34 = tpu.memref_squeeze %dma_wait3A_33 : memref<1x10000x128xf32, #tpu.memory_space<hbm>> -> memref<10000x128xf32, #tpu.memory_space<hbm>>
        %dma_wait3A_35 = arith.constant 9984 : i32
        %dma_wait3A_36 = arith.constant 0 : i32
        %dma_wait3A_37 = tpu.memref_slice %dma_wait3A_34[%dma_wait3A_35, %dma_wait3A_36] : memref<10000x128xf32, #tpu.memory_space<hbm>> -> memref<16x128xf32, #tpu.memory_space<hbm>>
        %dma_wait3A_38 = arith.constant 9984 : i32
        %dma_wait3A_39 = arith.constant 0 : i32
        %dma_wait3A_40 = tpu.memref_slice %arg10[%dma_wait3A_38, %dma_wait3A_39] : memref<10000x128xf32, #tpu.memory_space<vmem_shared>> -> memref<16x128xf32, #tpu.memory_space<vmem_shared>>
        tpu.wait_dma2 semaphore(%run_scoped3A : memref<!tpu.dma_semaphore, #tpu.memory_space<semaphore_mem>>) src(%dma_wait3A_40 : memref<16x128xf32, #tpu.memory_space<vmem_shared>>) dst(%dma_wait3A_37 : memref<16x128xf32, #tpu.memory_space<hbm>>)
        tpu.yield
      }) : () -> ()
    } else {
    }
    return
  }
}

#map = affine_map<(d0, d1) -> (0, 0)>
#map1 = affine_map<(d0, d1) -> (0, 0, 0)>
module attributes {stable_mosaic.version = 14 : i64} {
  func.func @_spmm_kernel(%arg0: i32, %arg1: i32, %arg2: memref<10000x128xf32, #tpu.memory_space<hbm>>, %arg3: memref<32x80x125xi32, #tpu.memory_space<hbm>>, %arg4: memref<32x80x125xi32, #tpu.memory_space<hbm>>, %arg5: memref<10000x128xf32, #tpu.memory_space<hbm>>, %arg6: memref<2x10000x128xf32, #tpu.memory_space<hbm>>, %arg7: memref<80x125xi32, #tpu.memory_space<vmem>>, %arg8: memref<80x125xi32, #tpu.memory_space<vmem>>, %arg9: memref<125x128xf32, #tpu.memory_space<vmem>>, %arg10: memref<10000x128xf32, #tpu.memory_space<vmem_shared>>, %arg11: memref<!tpu.dma_semaphore, #tpu.memory_space<semaphore_mem>>) attributes {dimension_semantics = [#tpu.dimension_semantics<core_parallel>, #tpu.dimension_semantics<subcore_parallel>], iteration_bounds = array<i64: 2, 16>, scalar_prefetch = 0 : i64, scratch_operands = 5 : i64, tpu.core_type = #tpu.core_type<sc_vector_subcore>, window_params = [{transform_indices = #map}, {transform_indices = #map1}, {transform_indices = #map1}, {transform_indices = #map}, {transform_indices = #map1}]} {
    %mul3A = arith.constant 2 : i32
    %mul3A_0 = arith.muli %arg1, %mul3A : i32
    %add3A = arith.addi %mul3A_0, %arg0 : i32
    %mul3A_1 = arith.constant 624 : i32
    %mul3A_2 = arith.muli %arg1, %mul3A_1 : i32
    %mul3A_3 = arith.constant 624 : i32
    %mul3A_4 = arith.muli %arg1, %mul3A_3 : i32
    "tpu.region"() ({
      %run_scoped3A = tpu.sem_alloc : memref<!tpu.dma_semaphore, #tpu.memory_space<semaphore_mem>>
      %dma_start3A = arith.constant 0 : i32
      %dma_start3A_23 = tpu.memref_slice %arg10[%mul3A_4, %dma_start3A] : memref<10000x128xf32, #tpu.memory_space<vmem_shared>> -> memref<624x128xf32, #tpu.memory_space<vmem_shared>>
      %dma_start3A_24 = arith.constant 0 : i32
      %dma_start3A_25 = tpu.memref_slice %arg5[%mul3A_2, %dma_start3A_24] : memref<10000x128xf32, #tpu.memory_space<hbm>> -> memref<624x128xf32, #tpu.memory_space<hbm>>
      tpu.enqueue_dma source(%dma_start3A_25 : memref<624x128xf32, #tpu.memory_space<hbm>>) target(%dma_start3A_23 : memref<624x128xf32, #tpu.memory_space<vmem_shared>>) target_semaphore(%run_scoped3A : memref<!tpu.dma_semaphore, #tpu.memory_space<semaphore_mem>>)
      %dma_wait3A = arith.constant 0 : i32
      %dma_wait3A_26 = tpu.memref_slice %arg10[%mul3A_4, %dma_wait3A] : memref<10000x128xf32, #tpu.memory_space<vmem_shared>> -> memref<624x128xf32, #tpu.memory_space<vmem_shared>>
      %dma_wait3A_27 = arith.constant 0 : i32
      %dma_wait3A_28 = tpu.memref_slice %arg5[%mul3A_2, %dma_wait3A_27] : memref<10000x128xf32, #tpu.memory_space<hbm>> -> memref<624x128xf32, #tpu.memory_space<hbm>>
      tpu.wait_dma2 semaphore(%run_scoped3A : memref<!tpu.dma_semaphore, #tpu.memory_space<semaphore_mem>>) src(%dma_wait3A_28 : memref<624x128xf32, #tpu.memory_space<hbm>>) dst(%dma_wait3A_26 : memref<624x128xf32, #tpu.memory_space<vmem_shared>>)
      tpu.yield
    }) : () -> ()
    %eq3A = arith.constant 15 : i32
    %eq3A_5 = arith.cmpi eq, %arg1, %eq3A : i32
    %convert_element_type3A = arith.extui %eq3A_5 : i1 to i32
    %cond3A = arith.constant 0 : i32
    %cond3A_6 = arith.cmpi ne, %convert_element_type3A, %cond3A : i32
    scf.if %cond3A_6 {
      "tpu.region"() ({
        %run_scoped3A = tpu.sem_alloc : memref<!tpu.dma_semaphore, #tpu.memory_space<semaphore_mem>>
        %dma_start3A = arith.constant 9984 : i32
        %dma_start3A_23 = arith.constant 0 : i32
        %dma_start3A_24 = tpu.memref_slice %arg10[%dma_start3A, %dma_start3A_23] : memref<10000x128xf32, #tpu.memory_space<vmem_shared>> -> memref<16x128xf32, #tpu.memory_space<vmem_shared>>
        %dma_start3A_25 = arith.constant 9984 : i32
        %dma_start3A_26 = arith.constant 0 : i32
        %dma_start3A_27 = tpu.memref_slice %arg5[%dma_start3A_25, %dma_start3A_26] : memref<10000x128xf32, #tpu.memory_space<hbm>> -> memref<16x128xf32, #tpu.memory_space<hbm>>
        tpu.enqueue_dma source(%dma_start3A_27 : memref<16x128xf32, #tpu.memory_space<hbm>>) target(%dma_start3A_24 : memref<16x128xf32, #tpu.memory_space<vmem_shared>>) target_semaphore(%run_scoped3A : memref<!tpu.dma_semaphore, #tpu.memory_space<semaphore_mem>>)
        %dma_wait3A = arith.constant 9984 : i32
        %dma_wait3A_28 = arith.constant 0 : i32
        %dma_wait3A_29 = tpu.memref_slice %arg10[%dma_wait3A, %dma_wait3A_28] : memref<10000x128xf32, #tpu.memory_space<vmem_shared>> -> memref<16x128xf32, #tpu.memory_space<vmem_shared>>
        %dma_wait3A_30 = arith.constant 9984 : i32
        %dma_wait3A_31 = arith.constant 0 : i32
        %dma_wait3A_32 = tpu.memref_slice %arg5[%dma_wait3A_30, %dma_wait3A_31] : memref<10000x128xf32, #tpu.memory_space<hbm>> -> memref<16x128xf32, #tpu.memory_space<hbm>>
        tpu.wait_dma2 semaphore(%run_scoped3A : memref<!tpu.dma_semaphore, #tpu.memory_space<semaphore_mem>>) src(%dma_wait3A_32 : memref<16x128xf32, #tpu.memory_space<hbm>>) dst(%dma_wait3A_29 : memref<16x128xf32, #tpu.memory_space<vmem_shared>>)
        tpu.yield
      }) : () -> ()
    } else {
    }
    "tpu.region"() ({
      %run_scoped3A = tpu.sem_alloc : memref<!tpu.dma_semaphore, #tpu.memory_space<semaphore_mem>>
      %dma_start3A = arith.constant 0 : i32
      %dma_start3A_23 = arith.constant 0 : i32
      %dma_start3A_24 = tpu.memref_slice %arg3[%add3A, %dma_start3A, %dma_start3A_23] : memref<32x80x125xi32, #tpu.memory_space<hbm>> -> memref<1x80x125xi32, #tpu.memory_space<hbm>>
      %dma_start3A_25 = tpu.memref_squeeze %dma_start3A_24 : memref<1x80x125xi32, #tpu.memory_space<hbm>> -> memref<80x125xi32, #tpu.memory_space<hbm>>
      %dma_start3A_26 = arith.constant 0 : i32
      %dma_start3A_27 = arith.constant 0 : i32
      %dma_start3A_28 = tpu.memref_slice %arg3[%add3A, %dma_start3A_26, %dma_start3A_27] : memref<32x80x125xi32, #tpu.memory_space<hbm>> -> memref<1x80x125xi32, #tpu.memory_space<hbm>>
      %dma_start3A_29 = tpu.memref_squeeze %dma_start3A_28 : memref<1x80x125xi32, #tpu.memory_space<hbm>> -> memref<80x125xi32, #tpu.memory_space<hbm>>
      tpu.enqueue_dma source(%dma_start3A_29 : memref<80x125xi32, #tpu.memory_space<hbm>>) target(%arg7 : memref<80x125xi32, #tpu.memory_space<vmem>>) target_semaphore(%run_scoped3A : memref<!tpu.dma_semaphore, #tpu.memory_space<semaphore_mem>>)
      %dma_wait3A = arith.constant 0 : i32
      %dma_wait3A_30 = arith.constant 0 : i32
      %dma_wait3A_31 = tpu.memref_slice %arg3[%add3A, %dma_wait3A, %dma_wait3A_30] : memref<32x80x125xi32, #tpu.memory_space<hbm>> -> memref<1x80x125xi32, #tpu.memory_space<hbm>>
      %dma_wait3A_32 = tpu.memref_squeeze %dma_wait3A_31 : memref<1x80x125xi32, #tpu.memory_space<hbm>> -> memref<80x125xi32, #tpu.memory_space<hbm>>
      %dma_wait3A_33 = arith.constant 0 : i32
      %dma_wait3A_34 = arith.constant 0 : i32
      %dma_wait3A_35 = tpu.memref_slice %arg3[%add3A, %dma_wait3A_33, %dma_wait3A_34] : memref<32x80x125xi32, #tpu.memory_space<hbm>> -> memref<1x80x125xi32, #tpu.memory_space<hbm>>
      %dma_wait3A_36 = tpu.memref_squeeze %dma_wait3A_35 : memref<1x80x125xi32, #tpu.memory_space<hbm>> -> memref<80x125xi32, #tpu.memory_space<hbm>>
      tpu.wait_dma2 semaphore(%run_scoped3A : memref<!tpu.dma_semaphore, #tpu.memory_space<semaphore_mem>>) src(%dma_wait3A_36 : memref<80x125xi32, #tpu.memory_space<hbm>>) dst(%arg7 : memref<80x125xi32, #tpu.memory_space<vmem>>)
      tpu.yield
    }) : () -> ()
    "tpu.region"() ({
      %run_scoped3A = tpu.sem_alloc : memref<!tpu.dma_semaphore, #tpu.memory_space<semaphore_mem>>
      %dma_start3A = arith.constant 0 : i32
      %dma_start3A_23 = arith.constant 0 : i32
      %dma_start3A_24 = tpu.memref_slice %arg4[%add3A, %dma_start3A, %dma_start3A_23] : memref<32x80x125xi32, #tpu.memory_space<hbm>> -> memref<1x80x125xi32, #tpu.memory_space<hbm>>
      %dma_start3A_25 = tpu.memref_squeeze %dma_start3A_24 : memref<1x80x125xi32, #tpu.memory_space<hbm>> -> memref<80x125xi32, #tpu.memory_space<hbm>>
      %dma_start3A_26 = arith.constant 0 : i32
      %dma_start3A_27 = arith.constant 0 : i32
      %dma_start3A_28 = tpu.memref_slice %arg4[%add3A, %dma_start3A_26, %dma_start3A_27] : memref<32x80x125xi32, #tpu.memory_space<hbm>> -> memref<1x80x125xi32, #tpu.memory_space<hbm>>
      %dma_start3A_29 = tpu.memref_squeeze %dma_start3A_28 : memref<1x80x125xi32, #tpu.memory_space<hbm>> -> memref<80x125xi32, #tpu.memory_space<hbm>>
      tpu.enqueue_dma source(%dma_start3A_29 : memref<80x125xi32, #tpu.memory_space<hbm>>) target(%arg8 : memref<80x125xi32, #tpu.memory_space<vmem>>) target_semaphore(%run_scoped3A : memref<!tpu.dma_semaphore, #tpu.memory_space<semaphore_mem>>)
      %dma_wait3A = arith.constant 0 : i32
      %dma_wait3A_30 = arith.constant 0 : i32
      %dma_wait3A_31 = tpu.memref_slice %arg4[%add3A, %dma_wait3A, %dma_wait3A_30] : memref<32x80x125xi32, #tpu.memory_space<hbm>> -> memref<1x80x125xi32, #tpu.memory_space<hbm>>
      %dma_wait3A_32 = tpu.memref_squeeze %dma_wait3A_31 : memref<1x80x125xi32, #tpu.memory_space<hbm>> -> memref<80x125xi32, #tpu.memory_space<hbm>>
      %dma_wait3A_33 = arith.constant 0 : i32
      %dma_wait3A_34 = arith.constant 0 : i32
      %dma_wait3A_35 = tpu.memref_slice %arg4[%add3A, %dma_wait3A_33, %dma_wait3A_34] : memref<32x80x125xi32, #tpu.memory_space<hbm>> -> memref<1x80x125xi32, #tpu.memory_space<hbm>>
      %dma_wait3A_36 = tpu.memref_squeeze %dma_wait3A_35 : memref<1x80x125xi32, #tpu.memory_space<hbm>> -> memref<80x125xi32, #tpu.memory_space<hbm>>
      tpu.wait_dma2 semaphore(%run_scoped3A : memref<!tpu.dma_semaphore, #tpu.memory_space<semaphore_mem>>) src(%dma_wait3A_36 : memref<80x125xi32, #tpu.memory_space<hbm>>) dst(%arg8 : memref<80x125xi32, #tpu.memory_space<vmem>>)
      tpu.yield
    }) : () -> ()
    %barrier3A = arith.constant 0 : index
    tpu.barrier barrier_id(%barrier3A)
    %scan3A = arith.constant 0 : i32
    %scan3A_7 = arith.constant 0 : i32
    %scan3A_8 = arith.constant 80 : i32
    %scan3A_9 = arith.addi %scan3A_7, %scan3A_8 : i32
    %scan3A_10 = arith.constant 1 : i32
    %scan3A_11 = scf.for %scan3A_23 = %scan3A_7 to %scan3A_9 step %scan3A_10 iter_args(%scan3A_24 = %scan3A) -> (i32)  : i32 {
      %dma_start3A = arith.constant 0 : i32
      %dma_start3A_25 = tpu.memref_slice %arg7[%scan3A_23, %dma_start3A] : memref<80x125xi32, #tpu.memory_space<vmem>> -> memref<1x125xi32, #tpu.memory_space<vmem>>
      %dma_start3A_26 = tpu.memref_squeeze %dma_start3A_25 : memref<1x125xi32, #tpu.memory_space<vmem>> -> memref<125xi32, #tpu.memory_space<vmem>>
      %dma_start3A_27 = arith.constant 0 : i32
      %dma_start3A_28 = arith.constant 0 : i32
      %dma_start3A_29 = tpu.memref_slice %arg2[%dma_start3A_27, %dma_start3A_28] : memref<10000x128xf32, #tpu.memory_space<hbm>> -> memref<10000x128xf32, #tpu.memory_space<hbm>>
      tpu.enqueue_indirect_dma source(%dma_start3A_29 : memref<10000x128xf32, #tpu.memory_space<hbm>>) target(%arg9 : memref<125x128xf32, #tpu.memory_space<vmem>>) offsets(%dma_start3A_26 : memref<125xi32, #tpu.memory_space<vmem>>) semaphore(%arg11 : memref<!tpu.dma_semaphore, #tpu.memory_space<semaphore_mem>>)
      %dma_wait3A = arith.constant 0 : i32
      %dma_wait3A_30 = tpu.memref_slice %arg7[%scan3A_23, %dma_wait3A] : memref<80x125xi32, #tpu.memory_space<vmem>> -> memref<1x125xi32, #tpu.memory_space<vmem>>
      %dma_wait3A_31 = tpu.memref_squeeze %dma_wait3A_30 : memref<1x125xi32, #tpu.memory_space<vmem>> -> memref<125xi32, #tpu.memory_space<vmem>>
      %dma_wait3A_32 = arith.constant 0 : i32
      %dma_wait3A_33 = arith.constant 0 : i32
      %dma_wait3A_34 = tpu.memref_slice %arg2[%dma_wait3A_32, %dma_wait3A_33] : memref<10000x128xf32, #tpu.memory_space<hbm>> -> memref<10000x128xf32, #tpu.memory_space<hbm>>
      tpu.wait_indirect_dma semaphore(%arg11 : memref<!tpu.dma_semaphore, #tpu.memory_space<semaphore_mem>>) src(%dma_wait3A_34 : memref<10000x128xf32, #tpu.memory_space<hbm>>) dst(%arg9 : memref<125x128xf32, #tpu.memory_space<vmem>>)
      "tpu.region"() ({
        %run_scoped3A = tpu.sem_alloc : memref<!tpu.dma_semaphore, #tpu.memory_space<semaphore_mem>>
        %dma_start3A_36 = arith.constant 0 : i32
        %dma_start3A_37 = tpu.memref_slice %arg8[%scan3A_23, %dma_start3A_36] : memref<80x125xi32, #tpu.memory_space<vmem>> -> memref<1x125xi32, #tpu.memory_space<vmem>>
        %dma_start3A_38 = tpu.memref_squeeze %dma_start3A_37 : memref<1x125xi32, #tpu.memory_space<vmem>> -> memref<125xi32, #tpu.memory_space<vmem>>
        %dma_start3A_39 = arith.constant 0 : i32
        %dma_start3A_40 = arith.constant 0 : i32
        %dma_start3A_41 = tpu.memref_slice %arg10[%dma_start3A_39, %dma_start3A_40] : memref<10000x128xf32, #tpu.memory_space<vmem_shared>> -> memref<10000x128xf32, #tpu.memory_space<vmem_shared>>
        tpu.enqueue_indirect_dma source(%arg9 : memref<125x128xf32, #tpu.memory_space<vmem>>) target(%dma_start3A_41 : memref<10000x128xf32, #tpu.memory_space<vmem_shared>>) offsets(%dma_start3A_38 : memref<125xi32, #tpu.memory_space<vmem>>) semaphore(%run_scoped3A : memref<!tpu.dma_semaphore, #tpu.memory_space<semaphore_mem>>) {add = true}
        %dma_wait3A_42 = arith.constant 0 : i32
        %dma_wait3A_43 = tpu.memref_slice %arg8[%scan3A_23, %dma_wait3A_42] : memref<80x125xi32, #tpu.memory_space<vmem>> -> memref<1x125xi32, #tpu.memory_space<vmem>>
        %dma_wait3A_44 = tpu.memref_squeeze %dma_wait3A_43 : memref<1x125xi32, #tpu.memory_space<vmem>> -> memref<125xi32, #tpu.memory_space<vmem>>
        %dma_wait3A_45 = arith.constant 0 : i32
        %dma_wait3A_46 = arith.constant 0 : i32
        %dma_wait3A_47 = tpu.memref_slice %arg10[%dma_wait3A_45, %dma_wait3A_46] : memref<10000x128xf32, #tpu.memory_space<vmem_shared>> -> memref<10000x128xf32, #tpu.memory_space<vmem_shared>>
        tpu.wait_indirect_dma semaphore(%run_scoped3A : memref<!tpu.dma_semaphore, #tpu.memory_space<semaphore_mem>>) src(%arg9 : memref<125x128xf32, #tpu.memory_space<vmem>>) dst(%dma_wait3A_47 : memref<10000x128xf32, #tpu.memory_space<vmem_shared>>)
        tpu.yield
      }) : () -> ()
      %scan3A_35 = arith.constant 0 : i32
      scf.yield %scan3A_35 : i32
    }
    %scan3A_12 = arith.constant 80 : i32
    %barrier3A_13 = arith.constant 0 : index
    tpu.barrier barrier_id(%barrier3A_13)
    %mul3A_14 = arith.constant 624 : i32
    %mul3A_15 = arith.muli %arg1, %mul3A_14 : i32
    %mul3A_16 = arith.constant 624 : i32
    %mul3A_17 = arith.muli %arg1, %mul3A_16 : i32
    "tpu.region"() ({
      %run_scoped3A = tpu.sem_alloc : memref<!tpu.dma_semaphore, #tpu.memory_space<semaphore_mem>>
      %dma_start3A = arith.constant 0 : i32
      %dma_start3A_23 = arith.constant 0 : i32
      %dma_start3A_24 = tpu.memref_slice %arg6[%arg0, %dma_start3A, %dma_start3A_23] : memref<2x10000x128xf32, #tpu.memory_space<hbm>> -> memref<1x10000x128xf32, #tpu.memory_space<hbm>>
      %dma_start3A_25 = tpu.memref_squeeze %dma_start3A_24 : memref<1x10000x128xf32, #tpu.memory_space<hbm>> -> memref<10000x128xf32, #tpu.memory_space<hbm>>
      %dma_start3A_26 = arith.constant 0 : i32
      %dma_start3A_27 = tpu.memref_slice %dma_start3A_25[%mul3A_17, %dma_start3A_26] : memref<10000x128xf32, #tpu.memory_space<hbm>> -> memref<624x128xf32, #tpu.memory_space<hbm>>
      %dma_start3A_28 = arith.constant 0 : i32
      %dma_start3A_29 = tpu.memref_slice %arg10[%mul3A_15, %dma_start3A_28] : memref<10000x128xf32, #tpu.memory_space<vmem_shared>> -> memref<624x128xf32, #tpu.memory_space<vmem_shared>>
      tpu.enqueue_dma source(%dma_start3A_29 : memref<624x128xf32, #tpu.memory_space<vmem_shared>>) target(%dma_start3A_27 : memref<624x128xf32, #tpu.memory_space<hbm>>) target_semaphore(%run_scoped3A : memref<!tpu.dma_semaphore, #tpu.memory_space<semaphore_mem>>)
      %dma_wait3A = arith.constant 0 : i32
      %dma_wait3A_30 = arith.constant 0 : i32
      %dma_wait3A_31 = tpu.memref_slice %arg6[%arg0, %dma_wait3A, %dma_wait3A_30] : memref<2x10000x128xf32, #tpu.memory_space<hbm>> -> memref<1x10000x128xf32, #tpu.memory_space<hbm>>
      %dma_wait3A_32 = tpu.memref_squeeze %dma_wait3A_31 : memref<1x10000x128xf32, #tpu.memory_space<hbm>> -> memref<10000x128xf32, #tpu.memory_space<hbm>>
      %dma_wait3A_33 = arith.constant 0 : i32
      %dma_wait3A_34 = tpu.memref_slice %dma_wait3A_32[%mul3A_17, %dma_wait3A_33] : memref<10000x128xf32, #tpu.memory_space<hbm>> -> memref<624x128xf32, #tpu.memory_space<hbm>>
      %dma_wait3A_35 = arith.constant 0 : i32
      %dma_wait3A_36 = tpu.memref_slice %arg10[%mul3A_15, %dma_wait3A_35] : memref<10000x128xf32, #tpu.memory_space<vmem_shared>> -> memref<624x128xf32, #tpu.memory_space<vmem_shared>>
      tpu.wait_dma2 semaphore(%run_scoped3A : memref<!tpu.dma_semaphore, #tpu.memory_space<semaphore_mem>>) src(%dma_wait3A_36 : memref<624x128xf32, #tpu.memory_space<vmem_shared>>) dst(%dma_wait3A_34 : memref<624x128xf32, #tpu.memory_space<hbm>>)
      tpu.yield
    }) : () -> ()
    %eq3A_18 = arith.constant 15 : i32
    %eq3A_19 = arith.cmpi eq, %arg1, %eq3A_18 : i32
    %convert_element_type3A_20 = arith.extui %eq3A_19 : i1 to i32
    %cond3A_21 = arith.constant 0 : i32
    %cond3A_22 = arith.cmpi ne, %convert_element_type3A_20, %cond3A_21 : i32
    scf.if %cond3A_22 {
      "tpu.region"() ({
        %run_scoped3A = tpu.sem_alloc : memref<!tpu.dma_semaphore, #tpu.memory_space<semaphore_mem>>
        %dma_start3A = arith.constant 0 : i32
        %dma_start3A_23 = arith.constant 0 : i32
        %dma_start3A_24 = tpu.memref_slice %arg6[%arg0, %dma_start3A, %dma_start3A_23] : memref<2x10000x128xf32, #tpu.memory_space<hbm>> -> memref<1x10000x128xf32, #tpu.memory_space<hbm>>
        %dma_start3A_25 = tpu.memref_squeeze %dma_start3A_24 : memref<1x10000x128xf32, #tpu.memory_space<hbm>> -> memref<10000x128xf32, #tpu.memory_space<hbm>>
        %dma_start3A_26 = arith.constant 9984 : i32
        %dma_start3A_27 = arith.constant 0 : i32
        %dma_start3A_28 = tpu.memref_slice %dma_start3A_25[%dma_start3A_26, %dma_start3A_27] : memref<10000x128xf32, #tpu.memory_space<hbm>> -> memref<16x128xf32, #tpu.memory_space<hbm>>
        %dma_start3A_29 = arith.constant 9984 : i32
        %dma_start3A_30 = arith.constant 0 : i32
        %dma_start3A_31 = tpu.memref_slice %arg10[%dma_start3A_29, %dma_start3A_30] : memref<10000x128xf32, #tpu.memory_space<vmem_shared>> -> memref<16x128xf32, #tpu.memory_space<vmem_shared>>
        tpu.enqueue_dma source(%dma_start3A_31 : memref<16x128xf32, #tpu.memory_space<vmem_shared>>) target(%dma_start3A_28 : memref<16x128xf32, #tpu.memory_space<hbm>>) target_semaphore(%run_scoped3A : memref<!tpu.dma_semaphore, #tpu.memory_space<semaphore_mem>>)
        %dma_wait3A = arith.constant 0 : i32
        %dma_wait3A_32 = arith.constant 0 : i32
        %dma_wait3A_33 = tpu.memref_slice %arg6[%arg0, %dma_wait3A, %dma_wait3A_32] : memref<2x10000x128xf32, #tpu.memory_space<hbm>> -> memref<1x10000x128xf32, #tpu.memory_space<hbm>>
        %dma_wait3A_34 = tpu.memref_squeeze %dma_wait3A_33 : memref<1x10000x128xf32, #tpu.memory_space<hbm>> -> memref<10000x128xf32, #tpu.memory_space<hbm>>
        %dma_wait3A_35 = arith.constant 9984 : i32
        %dma_wait3A_36 = arith.constant 0 : i32
        %dma_wait3A_37 = tpu.memref_slice %dma_wait3A_34[%dma_wait3A_35, %dma_wait3A_36] : memref<10000x128xf32, #tpu.memory_space<hbm>> -> memref<16x128xf32, #tpu.memory_space<hbm>>
        %dma_wait3A_38 = arith.constant 9984 : i32
        %dma_wait3A_39 = arith.constant 0 : i32
        %dma_wait3A_40 = tpu.memref_slice %arg10[%dma_wait3A_38, %dma_wait3A_39] : memref<10000x128xf32, #tpu.memory_space<vmem_shared>> -> memref<16x128xf32, #tpu.memory_space<vmem_shared>>
        tpu.wait_dma2 semaphore(%run_scoped3A : memref<!tpu.dma_semaphore, #tpu.memory_space<semaphore_mem>>) src(%dma_wait3A_40 : memref<16x128xf32, #tpu.memory_space<vmem_shared>>) dst(%dma_wait3A_37 : memref<16x128xf32, #tpu.memory_space<hbm>>)
        tpu.yield
      }) : () -> ()
    } else {
    }
    return
  }
}

module attributes {stable_mosaic.version = 14 : i64} {
  func.func @_mid_body(%arg0: i32, %arg1: memref<2x2000x128xf32, #tpu.memory_space<vmem>>, %arg2: memref<2000x128xf32, #tpu.memory_space<vmem>>, %arg3: memref<2000x1xf32, #tpu.memory_space<vmem>>, %arg4: memref<2000x1xf32, #tpu.memory_space<vmem>>, %arg5: memref<2000x1xf32, #tpu.memory_space<vmem>>, %arg6: memref<2000x128xf32, #tpu.memory_space<vmem>>) attributes {dimension_semantics = [#tpu.dimension_semantics<arbitrary>], iteration_bounds = array<i64: 5>, scalar_prefetch = 0 : i64, scratch_operands = 0 : i64, tpu.core_type = #tpu.core_type<tc>, window_params = [{transform_indices = @transform_0, window_bounds = array<i64: 2, 2000, 128>}, {transform_indices = @transform_1, window_bounds = array<i64: 2000, 128>}, {transform_indices = @transform_2, window_bounds = array<i64: 2000, 1>}, {transform_indices = @transform_3, window_bounds = array<i64: 2000, 1>}, {transform_indices = @transform_4, window_bounds = array<i64: 2000, 1>}, {transform_indices = @transform_5, window_bounds = array<i64: 2000, 128>}]} {
    %get3A = arith.constant 0 : index
    %get3A_0 = arith.constant 0 : index
    %get3A_1 = vector.load %arg3[%get3A, %get3A_0] : memref<2000x1xf32, #tpu.memory_space<vmem>>, vector<2000x1xf32>
    %get3A_2 = arith.constant 0 : index
    %get3A_3 = arith.constant 0 : index
    %get3A_4 = arith.constant 0 : index
    %get3A_5 = vector.load %arg1[%get3A_2, %get3A_3, %get3A_4] : memref<2x2000x128xf32, #tpu.memory_space<vmem>>, vector<1x2000x128xf32>
    %get3A_6 = vector.shape_cast %get3A_5 : vector<1x2000x128xf32> to vector<2000x128xf32>
    %get3A_7 = arith.constant 1 : index
    %get3A_8 = arith.constant 0 : index
    %get3A_9 = arith.constant 0 : index
    %get3A_10 = vector.load %arg1[%get3A_7, %get3A_8, %get3A_9] : memref<2x2000x128xf32, #tpu.memory_space<vmem>>, vector<1x2000x128xf32>
    %get3A_11 = vector.shape_cast %get3A_10 : vector<1x2000x128xf32> to vector<2000x128xf32>
    %add3A = arith.addf %get3A_6, %get3A_11 : vector<2000x128xf32>
    %mul3A = vector.broadcast %get3A_1 : vector<2000x1xf32> to vector<2000x128xf32>
    %mul3A_12 = arith.mulf %mul3A, %add3A : vector<2000x128xf32>
    %get3A_13 = arith.constant 0 : index
    %get3A_14 = arith.constant 0 : index
    %get3A_15 = vector.load %arg4[%get3A_13, %get3A_14] : memref<2000x1xf32, #tpu.memory_space<vmem>>, vector<2000x1xf32>
    %get3A_16 = arith.constant 0 : index
    %get3A_17 = arith.constant 0 : index
    %get3A_18 = vector.load %arg2[%get3A_16, %get3A_17] : memref<2000x128xf32, #tpu.memory_space<vmem>>, vector<2000x128xf32>
    %mul3A_19 = vector.broadcast %get3A_15 : vector<2000x1xf32> to vector<2000x128xf32>
    %mul3A_20 = arith.mulf %mul3A_19, %get3A_18 : vector<2000x128xf32>
    %add3A_21 = arith.addf %mul3A_12, %mul3A_20 : vector<2000x128xf32>
    %get3A_22 = arith.constant 0 : index
    %get3A_23 = arith.constant 0 : index
    %get3A_24 = vector.load %arg5[%get3A_22, %get3A_23] : memref<2000x1xf32, #tpu.memory_space<vmem>>, vector<2000x1xf32>
    %mul3A_25 = vector.broadcast %get3A_24 : vector<2000x1xf32> to vector<2000x128xf32>
    %mul3A_26 = arith.mulf %add3A_21, %mul3A_25 : vector<2000x128xf32>
    %swap3A = arith.constant 0 : index
    %swap3A_27 = arith.constant 0 : index
    %swap3A_28 = vector.load %arg6[%swap3A, %swap3A_27] : memref<2000x128xf32, #tpu.memory_space<vmem>>, vector<2000x128xf32>
    tpu.vector_store %arg6[%swap3A, %swap3A_27], %mul3A_26 {strides = array<i32>} : memref<2000x128xf32, #tpu.memory_space<vmem>>, vector<2000x128xf32>,
    return
  }
  func.func @transform_0(%arg0: i32) -> (i32, i32, i32) {
    %c0_i32 = arith.constant 0 : i32
    %c0_i32_0 = arith.constant 0 : i32
    %c0_i32_1 = arith.constant 0 : i32
    return %c0_i32, %arg0, %c0_i32_0 : i32, i32, i32
  }
  func.func @transform_1(%arg0: i32) -> (i32, i32) {
    %c0_i32 = arith.constant 0 : i32
    %c0_i32_0 = arith.constant 0 : i32
    return %arg0, %c0_i32 : i32, i32
  }
  func.func @transform_2(%arg0: i32) -> (i32, i32) {
    %c0_i32 = arith.constant 0 : i32
    %c0_i32_0 = arith.constant 0 : i32
    return %arg0, %c0_i32 : i32, i32
  }
  func.func @transform_3(%arg0: i32) -> (i32, i32) {
    %c0_i32 = arith.constant 0 : i32
    %c0_i32_0 = arith.constant 0 : i32
    return %arg0, %c0_i32 : i32, i32
  }
  func.func @transform_4(%arg0: i32) -> (i32, i32) {
    %c0_i32 = arith.constant 0 : i32
    %c0_i32_0 = arith.constant 0 : i32
    return %arg0, %c0_i32 : i32, i32
  }
  func.func @transform_5(%arg0: i32) -> (i32, i32) {
    %c0_i32 = arith.constant 0 : i32
    %c0_i32_0 = arith.constant 0 : i32
    return %arg0, %c0_i32 : i32, i32
  }
}

module attributes {stable_mosaic.version = 14 : i64} {
  func.func @_front_body(%arg0: i32, %arg1: memref<2x2000x128xf32, #tpu.memory_space<vmem>>, %arg2: memref<2000x128xf32, #tpu.memory_space<vmem>>, %arg3: memref<128x128xf32, #tpu.memory_space<vmem>>, %arg4: memref<1x128xf32, #tpu.memory_space<vmem>>, %arg5: memref<1x128xf32, #tpu.memory_space<vmem>>, %arg6: memref<128x128xf32, #tpu.memory_space<vmem>>, %arg7: memref<1x128xf32, #tpu.memory_space<vmem>>, %arg8: memref<2000x1xf32, #tpu.memory_space<vmem>>, %arg9: memref<2000x1xf32, #tpu.memory_space<vmem>>, %arg10: memref<2000x1xf32, #tpu.memory_space<vmem>>, %arg11: memref<2000x128xf32, #tpu.memory_space<vmem>>, %arg12: memref<2000x128xf32, #tpu.memory_space<vmem>>) attributes {dimension_semantics = [#tpu.dimension_semantics<arbitrary>], iteration_bounds = array<i64: 5>, scalar_prefetch = 0 : i64, scratch_operands = 0 : i64, tpu.core_type = #tpu.core_type<tc>, window_params = [{transform_indices = @transform_0, window_bounds = array<i64: 2, 2000, 128>}, {transform_indices = @transform_1, window_bounds = array<i64: 2000, 128>}, {pipeline_mode = #tpu.pipeline_mode<synchronous>, transform_indices = @transform_2, window_bounds = array<i64: 128, 128>}, {pipeline_mode = #tpu.pipeline_mode<synchronous>, transform_indices = @transform_3, window_bounds = array<i64: 1, 128>}, {pipeline_mode = #tpu.pipeline_mode<synchronous>, transform_indices = @transform_4, window_bounds = array<i64: 1, 128>}, {pipeline_mode = #tpu.pipeline_mode<synchronous>, transform_indices = @transform_5, window_bounds = array<i64: 128, 128>}, {pipeline_mode = #tpu.pipeline_mode<synchronous>, transform_indices = @transform_6, window_bounds = array<i64: 1, 128>}, {transform_indices = @transform_7, window_bounds = array<i64: 2000, 1>}, {transform_indices = @transform_8, window_bounds = array<i64: 2000, 1>}, {transform_indices = @transform_9, window_bounds = array<i64: 2000, 1>}, {transform_indices = @transform_10, window_bounds = array<i64: 2000, 128>}, {transform_indices = @transform_11, window_bounds = array<i64: 2000, 128>}]} {
    %get3A = arith.constant 0 : index
    %get3A_0 = arith.constant 0 : index
    %get3A_1 = arith.constant 0 : index
    %get3A_2 = vector.load %arg1[%get3A, %get3A_0, %get3A_1] : memref<2x2000x128xf32, #tpu.memory_space<vmem>>, vector<2x2000x128xf32>
    %slice3A = vector.extract_strided_slice %get3A_2 {offsets = [0, 0, 0], sizes = [1, 2000, 1], strides = [1, 1, 1]} : vector<2x2000x128xf32> to vector<1x2000x1xf32>
    %squeeze3A = vector.shape_cast %slice3A : vector<1x2000x1xf32> to vector<2000x1xf32>
    %slice3A_3 = vector.extract_strided_slice %get3A_2 {offsets = [1, 0, 0], sizes = [1, 2000, 1], strides = [1, 1, 1]} : vector<2x2000x128xf32> to vector<1x2000x1xf32>
    %squeeze3A_4 = vector.shape_cast %slice3A_3 : vector<1x2000x1xf32> to vector<2000x1xf32>
    %add3A = arith.addf %squeeze3A, %squeeze3A_4 : vector<2000x1xf32>
    %max3A = arith.constant 9.99999997E-7 : f32
    %max3A_5 = vector.broadcast %max3A : f32 to vector<2000x1xf32>
    %max3A_6 = arith.maximumf %add3A, %max3A_5 : vector<2000x1xf32>
    %rsqrt3A = math.rsqrt %max3A_6 : vector<2000x1xf32>
    %div3A = arith.divf %add3A, %max3A_6 : vector<2000x1xf32>
    %add3A_7 = arith.constant 1.000000e-01 : f32
    %add3A_8 = vector.broadcast %add3A_7 : f32 to vector<2000x1xf32>
    %add3A_9 = arith.addf %div3A, %add3A_8 : vector<2000x1xf32>
    %div3A_10 = arith.constant 1.000000e+00 : f32
    %div3A_11 = vector.broadcast %div3A_10 : f32 to vector<2000x1xf32>
    %div3A_12 = arith.divf %div3A_11, %add3A_9 : vector<2000x1xf32>
    %swap3A = arith.constant 0 : index
    %swap3A_13 = arith.constant 0 : index
    %swap3A_14 = vector.load %arg8[%swap3A, %swap3A_13] : memref<2000x1xf32, #tpu.memory_space<vmem>>, vector<2000x1xf32>
    tpu.vector_store %arg8[%swap3A, %swap3A_13], %rsqrt3A {strides = array<i32>} : memref<2000x1xf32, #tpu.memory_space<vmem>>, vector<2000x1xf32>,
    %mul3A = arith.mulf %div3A_12, %rsqrt3A : vector<2000x1xf32>
    %swap3A_15 = arith.constant 0 : index
    %swap3A_16 = arith.constant 0 : index
    %swap3A_17 = vector.load %arg9[%swap3A_15, %swap3A_16] : memref<2000x1xf32, #tpu.memory_space<vmem>>, vector<2000x1xf32>
    tpu.vector_store %arg9[%swap3A_15, %swap3A_16], %mul3A {strides = array<i32>} : memref<2000x1xf32, #tpu.memory_space<vmem>>, vector<2000x1xf32>,
    %mul3A_18 = arith.constant 1.000000e-01 : f32
    %mul3A_19 = vector.broadcast %mul3A_18 : f32 to vector<2000x1xf32>
    %mul3A_20 = arith.mulf %mul3A_19, %div3A_12 : vector<2000x1xf32>
    %swap3A_21 = arith.constant 0 : index
    %swap3A_22 = arith.constant 0 : index
    %swap3A_23 = vector.load %arg10[%swap3A_21, %swap3A_22] : memref<2000x1xf32, #tpu.memory_space<vmem>>, vector<2000x1xf32>
    tpu.vector_store %arg10[%swap3A_21, %swap3A_22], %mul3A_20 {strides = array<i32>} : memref<2000x1xf32, #tpu.memory_space<vmem>>, vector<2000x1xf32>,
    %get3A_24 = arith.constant 0 : index
    %get3A_25 = arith.constant 0 : index
    %get3A_26 = vector.load %arg2[%get3A_24, %get3A_25] : memref<2000x128xf32, #tpu.memory_space<vmem>>, vector<2000x128xf32>
    %get3A_27 = arith.constant 0 : index
    %get3A_28 = arith.constant 0 : index
    %get3A_29 = vector.load %arg3[%get3A_27, %get3A_28] : memref<128x128xf32, #tpu.memory_space<vmem>>, vector<128x128xf32>
    %dot_general3A = arith.constant dense<0.000000e+00> : vector<2000x128xf32>
    %dot_general3A_30 = tpu.matmul %get3A_26, %get3A_29, %dot_general3A {dimension_numbers = #tpu.dot_dimension_numbers<[1], [0], [0], [1], [0, 0, 1, 1], [], []>, transpose_lhs_hint = false} : vector<2000x128xf32>, vector<128x128xf32>, vector<2000x128xf32> -> vector<2000x128xf32>
    %get3A_31 = arith.constant 0 : index
    %get3A_32 = arith.constant 0 : index
    %get3A_33 = vector.load %arg4[%get3A_31, %get3A_32] : memref<1x128xf32, #tpu.memory_space<vmem>>, vector<1x128xf32>
    %mul3A_34 = vector.broadcast %get3A_33 : vector<1x128xf32> to vector<2000x128xf32>
    %mul3A_35 = arith.mulf %dot_general3A_30, %mul3A_34 : vector<2000x128xf32>
    %get3A_36 = arith.constant 0 : index
    %get3A_37 = arith.constant 0 : index
    %get3A_38 = vector.load %arg5[%get3A_36, %get3A_37] : memref<1x128xf32, #tpu.memory_space<vmem>>, vector<1x128xf32>
    %add3A_39 = vector.broadcast %get3A_38 : vector<1x128xf32> to vector<2000x128xf32>
    %add3A_40 = arith.addf %mul3A_35, %add3A_39 : vector<2000x128xf32>
    %max3A_41 = arith.constant 0.000000e+00 : f32
    %max3A_42 = vector.broadcast %max3A_41 : f32 to vector<2000x128xf32>
    %max3A_43 = arith.maximumf %add3A_40, %max3A_42 : vector<2000x128xf32>
    %get3A_44 = arith.constant 0 : index
    %get3A_45 = arith.constant 0 : index
    %get3A_46 = vector.load %arg6[%get3A_44, %get3A_45] : memref<128x128xf32, #tpu.memory_space<vmem>>, vector<128x128xf32>
    %dot_general3A_47 = arith.constant dense<0.000000e+00> : vector<2000x128xf32>
    %dot_general3A_48 = tpu.matmul %max3A_43, %get3A_46, %dot_general3A_47 {dimension_numbers = #tpu.dot_dimension_numbers<[1], [0], [0], [1], [0, 0, 1, 1], [], []>, transpose_lhs_hint = false} : vector<2000x128xf32>, vector<128x128xf32>, vector<2000x128xf32> -> vector<2000x128xf32>
    %get3A_49 = arith.constant 0 : index
    %get3A_50 = arith.constant 0 : index
    %get3A_51 = vector.load %arg7[%get3A_49, %get3A_50] : memref<1x128xf32, #tpu.memory_space<vmem>>, vector<1x128xf32>
    %add3A_52 = vector.broadcast %get3A_51 : vector<1x128xf32> to vector<2000x128xf32>
    %add3A_53 = arith.addf %dot_general3A_48, %add3A_52 : vector<2000x128xf32>
    %swap3A_54 = arith.constant 0 : index
    %swap3A_55 = arith.constant 0 : index
    %swap3A_56 = vector.load %arg11[%swap3A_54, %swap3A_55] : memref<2000x128xf32, #tpu.memory_space<vmem>>, vector<2000x128xf32>
    tpu.vector_store %arg11[%swap3A_54, %swap3A_55], %add3A_53 {strides = array<i32>} : memref<2000x128xf32, #tpu.memory_space<vmem>>, vector<2000x128xf32>,
    %mul3A_57 = vector.broadcast %rsqrt3A : vector<2000x1xf32> to vector<2000x128xf32>
    %mul3A_58 = arith.mulf %add3A_53, %mul3A_57 : vector<2000x128xf32>
    %swap3A_59 = arith.constant 0 : index
    %swap3A_60 = arith.constant 0 : index
    %swap3A_61 = vector.load %arg12[%swap3A_59, %swap3A_60] : memref<2000x128xf32, #tpu.memory_space<vmem>>, vector<2000x128xf32>
    tpu.vector_store %arg12[%swap3A_59, %swap3A_60], %mul3A_58 {strides = array<i32>} : memref<2000x128xf32, #tpu.memory_space<vmem>>, vector<2000x128xf32>,
    return
  }
  func.func @transform_0(%arg0: i32) -> (i32, i32, i32) {
    %c0_i32 = arith.constant 0 : i32
    %c0_i32_0 = arith.constant 0 : i32
    %c0_i32_1 = arith.constant 0 : i32
    return %c0_i32, %arg0, %c0_i32_0 : i32, i32, i32
  }
  func.func @transform_1(%arg0: i32) -> (i32, i32) {
    %c0_i32 = arith.constant 0 : i32
    %c0_i32_0 = arith.constant 0 : i32
    return %arg0, %c0_i32 : i32, i32
  }
  func.func @transform_2(%arg0: i32) -> (i32, i32) {
    %c0_i32 = arith.constant 0 : i32
    %c0_i32_0 = arith.constant 0 : i32
    %c0_i32_1 = arith.constant 0 : i32
    return %c0_i32, %c0_i32_0 : i32, i32
  }
  func.func @transform_3(%arg0: i32) -> (i32, i32) {
    %c0_i32 = arith.constant 0 : i32
    %c0_i32_0 = arith.constant 0 : i32
    %c0_i32_1 = arith.constant 0 : i32
    return %c0_i32, %c0_i32_0 : i32, i32
  }
  func.func @transform_4(%arg0: i32) -> (i32, i32) {
    %c0_i32 = arith.constant 0 : i32
    %c0_i32_0 = arith.constant 0 : i32
    %c0_i32_1 = arith.constant 0 : i32
    return %c0_i32, %c0_i32_0 : i32, i32
  }
  func.func @transform_5(%arg0: i32) -> (i32, i32) {
    %c0_i32 = arith.constant 0 : i32
    %c0_i32_0 = arith.constant 0 : i32
    %c0_i32_1 = arith.constant 0 : i32
    return %c0_i32, %c0_i32_0 : i32, i32
  }
  func.func @transform_6(%arg0: i32) -> (i32, i32) {
    %c0_i32 = arith.constant 0 : i32
    %c0_i32_0 = arith.constant 0 : i32
    %c0_i32_1 = arith.constant 0 : i32
    return %c0_i32, %c0_i32_0 : i32, i32
  }
  func.func @transform_7(%arg0: i32) -> (i32, i32) {
    %c0_i32 = arith.constant 0 : i32
    %c0_i32_0 = arith.constant 0 : i32
    return %arg0, %c0_i32 : i32, i32
  }
  func.func @transform_8(%arg0: i32) -> (i32, i32) {
    %c0_i32 = arith.constant 0 : i32
    %c0_i32_0 = arith.constant 0 : i32
    return %arg0, %c0_i32 : i32, i32
  }
  func.func @transform_9(%arg0: i32) -> (i32, i32) {
    %c0_i32 = arith.constant 0 : i32
    %c0_i32_0 = arith.constant 0 : i32
    return %arg0, %c0_i32 : i32, i32
  }
  func.func @transform_10(%arg0: i32) -> (i32, i32) {
    %c0_i32 = arith.constant 0 : i32
    %c0_i32_0 = arith.constant 0 : i32
    return %arg0, %c0_i32 : i32, i32
  }
  func.func @transform_11(%arg0: i32) -> (i32, i32) {
    %c0_i32 = arith.constant 0 : i32
    %c0_i32_0 = arith.constant 0 : i32
    return %arg0, %c0_i32 : i32, i32
  }
}

module attributes {stable_mosaic.version = 14 : i64} {
  func.func @_final_body(%arg0: i32, %arg1: memref<2x2000x128xf32, #tpu.memory_space<vmem>>, %arg2: memref<2000x128xf32, #tpu.memory_space<vmem>>, %arg3: memref<2000x1xf32, #tpu.memory_space<vmem>>, %arg4: memref<2000x1xf32, #tpu.memory_space<vmem>>, %arg5: memref<2000x128xf32, #tpu.memory_space<vmem>>) attributes {dimension_semantics = [#tpu.dimension_semantics<arbitrary>], iteration_bounds = array<i64: 5>, scalar_prefetch = 0 : i64, scratch_operands = 0 : i64, tpu.core_type = #tpu.core_type<tc>, window_params = [{transform_indices = @transform_0, window_bounds = array<i64: 2, 2000, 128>}, {transform_indices = @transform_1, window_bounds = array<i64: 2000, 128>}, {transform_indices = @transform_2, window_bounds = array<i64: 2000, 1>}, {transform_indices = @transform_3, window_bounds = array<i64: 2000, 1>}, {transform_indices = @transform_4, window_bounds = array<i64: 2000, 128>}]} {
    %get3A = arith.constant 0 : index
    %get3A_0 = arith.constant 0 : index
    %get3A_1 = vector.load %arg3[%get3A, %get3A_0] : memref<2000x1xf32, #tpu.memory_space<vmem>>, vector<2000x1xf32>
    %get3A_2 = arith.constant 0 : index
    %get3A_3 = arith.constant 0 : index
    %get3A_4 = arith.constant 0 : index
    %get3A_5 = vector.load %arg1[%get3A_2, %get3A_3, %get3A_4] : memref<2x2000x128xf32, #tpu.memory_space<vmem>>, vector<1x2000x128xf32>
    %get3A_6 = vector.shape_cast %get3A_5 : vector<1x2000x128xf32> to vector<2000x128xf32>
    %get3A_7 = arith.constant 1 : index
    %get3A_8 = arith.constant 0 : index
    %get3A_9 = arith.constant 0 : index
    %get3A_10 = vector.load %arg1[%get3A_7, %get3A_8, %get3A_9] : memref<2x2000x128xf32, #tpu.memory_space<vmem>>, vector<1x2000x128xf32>
    %get3A_11 = vector.shape_cast %get3A_10 : vector<1x2000x128xf32> to vector<2000x128xf32>
    %add3A = arith.addf %get3A_6, %get3A_11 : vector<2000x128xf32>
    %mul3A = vector.broadcast %get3A_1 : vector<2000x1xf32> to vector<2000x128xf32>
    %mul3A_12 = arith.mulf %mul3A, %add3A : vector<2000x128xf32>
    %get3A_13 = arith.constant 0 : index
    %get3A_14 = arith.constant 0 : index
    %get3A_15 = vector.load %arg4[%get3A_13, %get3A_14] : memref<2000x1xf32, #tpu.memory_space<vmem>>, vector<2000x1xf32>
    %get3A_16 = arith.constant 0 : index
    %get3A_17 = arith.constant 0 : index
    %get3A_18 = vector.load %arg2[%get3A_16, %get3A_17] : memref<2000x128xf32, #tpu.memory_space<vmem>>, vector<2000x128xf32>
    %mul3A_19 = vector.broadcast %get3A_15 : vector<2000x1xf32> to vector<2000x128xf32>
    %mul3A_20 = arith.mulf %mul3A_19, %get3A_18 : vector<2000x128xf32>
    %add3A_21 = arith.addf %mul3A_12, %mul3A_20 : vector<2000x128xf32>
    %reduce_max3A = arith.constant dense<0xFF800000> : vector<2000xf32>
    %reduce_max3A_22 = vector.multi_reduction <maximumf>, %add3A_21, %reduce_max3A [1] : vector<2000x128xf32> to vector<2000xf32>
    %broadcast_in_dim3A = vector.shape_cast %reduce_max3A_22 : vector<2000xf32> to vector<2000x1xf32>
    %sub3A = vector.broadcast %broadcast_in_dim3A : vector<2000x1xf32> to vector<2000x128xf32>
    %sub3A_23 = arith.subf %add3A_21, %sub3A : vector<2000x128xf32>
    %exp3A = math.exp %sub3A_23 : vector<2000x128xf32>
    %reduce_sum3A = arith.constant dense<0.000000e+00> : vector<2000xf32>
    %reduce_sum3A_24 = vector.multi_reduction <add>, %exp3A, %reduce_sum3A [1] : vector<2000x128xf32> to vector<2000xf32>
    %broadcast_in_dim3A_25 = vector.shape_cast %reduce_sum3A_24 : vector<2000xf32> to vector<2000x1xf32>
    %log3A = math.log %broadcast_in_dim3A_25 : vector<2000x1xf32>
    %add3A_26 = arith.addf %log3A, %broadcast_in_dim3A : vector<2000x1xf32>
    %sub3A_27 = vector.broadcast %add3A_26 : vector<2000x1xf32> to vector<2000x128xf32>
    %sub3A_28 = arith.subf %add3A_21, %sub3A_27 : vector<2000x128xf32>
    %swap3A = arith.constant 0 : index
    %swap3A_29 = arith.constant 0 : index
    %swap3A_30 = vector.load %arg5[%swap3A, %swap3A_29] : memref<2000x128xf32, #tpu.memory_space<vmem>>, vector<2000x128xf32>
    tpu.vector_store %arg5[%swap3A, %swap3A_29], %sub3A_28 {strides = array<i32>} : memref<2000x128xf32, #tpu.memory_space<vmem>>, vector<2000x128xf32>,
    return
  }
  func.func @transform_0(%arg0: i32) -> (i32, i32, i32) {
    %c0_i32 = arith.constant 0 : i32
    %c0_i32_0 = arith.constant 0 : i32
    %c0_i32_1 = arith.constant 0 : i32
    return %c0_i32, %arg0, %c0_i32_0 : i32, i32, i32
  }
  func.func @transform_1(%arg0: i32) -> (i32, i32) {
    %c0_i32 = arith.constant 0 : i32
    %c0_i32_0 = arith.constant 0 : i32
    return %arg0, %c0_i32 : i32, i32
  }
  func.func @transform_2(%arg0: i32) -> (i32, i32) {
    %c0_i32 = arith.constant 0 : i32
    %c0_i32_0 = arith.constant 0 : i32
    return %arg0, %c0_i32 : i32, i32
  }
  func.func @transform_3(%arg0: i32) -> (i32, i32) {
    %c0_i32 = arith.constant 0 : i32
    %c0_i32_0 = arith.constant 0 : i32
    return %arg0, %c0_i32 : i32, i32
  }
  func.func @transform_4(%arg0: i32) -> (i32, i32) {
    %c0_i32 = arith.constant 0 : i32
    %c0_i32_0 = arith.constant 0 : i32
    return %arg0, %c0_i32 : i32, i32
  }
}

module attributes {stable_mosaic.version = 14 : i64} {
  func.func @_bnmm_body(%arg0: i32, %arg1: memref<2x2000x128xf32, #tpu.memory_space<vmem>>, %arg2: memref<2000x128xf32, #tpu.memory_space<vmem>>, %arg3: memref<2000x1xf32, #tpu.memory_space<vmem>>, %arg4: memref<2000x1xf32, #tpu.memory_space<vmem>>, %arg5: memref<1x128xf32, #tpu.memory_space<vmem>>, %arg6: memref<1x128xf32, #tpu.memory_space<vmem>>, %arg7: memref<128x128xf32, #tpu.memory_space<vmem>>, %arg8: memref<1x128xf32, #tpu.memory_space<vmem>>, %arg9: memref<2000x1xf32, #tpu.memory_space<vmem>>, %arg10: memref<2000x128xf32, #tpu.memory_space<vmem>>, %arg11: memref<2000x128xf32, #tpu.memory_space<vmem>>) attributes {dimension_semantics = [#tpu.dimension_semantics<arbitrary>], iteration_bounds = array<i64: 5>, scalar_prefetch = 0 : i64, scratch_operands = 0 : i64, tpu.core_type = #tpu.core_type<tc>, window_params = [{transform_indices = @transform_0, window_bounds = array<i64: 2, 2000, 128>}, {transform_indices = @transform_1, window_bounds = array<i64: 2000, 128>}, {transform_indices = @transform_2, window_bounds = array<i64: 2000, 1>}, {transform_indices = @transform_3, window_bounds = array<i64: 2000, 1>}, {pipeline_mode = #tpu.pipeline_mode<synchronous>, transform_indices = @transform_4, window_bounds = array<i64: 1, 128>}, {pipeline_mode = #tpu.pipeline_mode<synchronous>, transform_indices = @transform_5, window_bounds = array<i64: 1, 128>}, {pipeline_mode = #tpu.pipeline_mode<synchronous>, transform_indices = @transform_6, window_bounds = array<i64: 128, 128>}, {pipeline_mode = #tpu.pipeline_mode<synchronous>, transform_indices = @transform_7, window_bounds = array<i64: 1, 128>}, {transform_indices = @transform_8, window_bounds = array<i64: 2000, 1>}, {transform_indices = @transform_9, window_bounds = array<i64: 2000, 128>}, {transform_indices = @transform_10, window_bounds = array<i64: 2000, 128>}]} {
    %get3A = arith.constant 0 : index
    %get3A_0 = arith.constant 0 : index
    %get3A_1 = vector.load %arg3[%get3A, %get3A_0] : memref<2000x1xf32, #tpu.memory_space<vmem>>, vector<2000x1xf32>
    %get3A_2 = arith.constant 0 : index
    %get3A_3 = arith.constant 0 : index
    %get3A_4 = arith.constant 0 : index
    %get3A_5 = vector.load %arg1[%get3A_2, %get3A_3, %get3A_4] : memref<2x2000x128xf32, #tpu.memory_space<vmem>>, vector<1x2000x128xf32>
    %get3A_6 = vector.shape_cast %get3A_5 : vector<1x2000x128xf32> to vector<2000x128xf32>
    %get3A_7 = arith.constant 1 : index
    %get3A_8 = arith.constant 0 : index
    %get3A_9 = arith.constant 0 : index
    %get3A_10 = vector.load %arg1[%get3A_7, %get3A_8, %get3A_9] : memref<2x2000x128xf32, #tpu.memory_space<vmem>>, vector<1x2000x128xf32>
    %get3A_11 = vector.shape_cast %get3A_10 : vector<1x2000x128xf32> to vector<2000x128xf32>
    %add3A = arith.addf %get3A_6, %get3A_11 : vector<2000x128xf32>
    %mul3A = vector.broadcast %get3A_1 : vector<2000x1xf32> to vector<2000x128xf32>
    %mul3A_12 = arith.mulf %mul3A, %add3A : vector<2000x128xf32>
    %get3A_13 = arith.constant 0 : index
    %get3A_14 = arith.constant 0 : index
    %get3A_15 = vector.load %arg4[%get3A_13, %get3A_14] : memref<2000x1xf32, #tpu.memory_space<vmem>>, vector<2000x1xf32>
    %get3A_16 = arith.constant 0 : index
    %get3A_17 = arith.constant 0 : index
    %get3A_18 = vector.load %arg2[%get3A_16, %get3A_17] : memref<2000x128xf32, #tpu.memory_space<vmem>>, vector<2000x128xf32>
    %mul3A_19 = vector.broadcast %get3A_15 : vector<2000x1xf32> to vector<2000x128xf32>
    %mul3A_20 = arith.mulf %mul3A_19, %get3A_18 : vector<2000x128xf32>
    %add3A_21 = arith.addf %mul3A_12, %mul3A_20 : vector<2000x128xf32>
    %get3A_22 = arith.constant 0 : index
    %get3A_23 = arith.constant 0 : index
    %get3A_24 = vector.load %arg5[%get3A_22, %get3A_23] : memref<1x128xf32, #tpu.memory_space<vmem>>, vector<1x128xf32>
    %mul3A_25 = vector.broadcast %get3A_24 : vector<1x128xf32> to vector<2000x128xf32>
    %mul3A_26 = arith.mulf %add3A_21, %mul3A_25 : vector<2000x128xf32>
    %get3A_27 = arith.constant 0 : index
    %get3A_28 = arith.constant 0 : index
    %get3A_29 = vector.load %arg6[%get3A_27, %get3A_28] : memref<1x128xf32, #tpu.memory_space<vmem>>, vector<1x128xf32>
    %add3A_30 = vector.broadcast %get3A_29 : vector<1x128xf32> to vector<2000x128xf32>
    %add3A_31 = arith.addf %mul3A_26, %add3A_30 : vector<2000x128xf32>
    %max3A = arith.constant 0.000000e+00 : f32
    %max3A_32 = vector.broadcast %max3A : f32 to vector<2000x128xf32>
    %max3A_33 = arith.maximumf %add3A_31, %max3A_32 : vector<2000x128xf32>
    %get3A_34 = arith.constant 0 : index
    %get3A_35 = arith.constant 0 : index
    %get3A_36 = vector.load %arg7[%get3A_34, %get3A_35] : memref<128x128xf32, #tpu.memory_space<vmem>>, vector<128x128xf32>
    %dot_general3A = arith.constant dense<0.000000e+00> : vector<2000x128xf32>
    %dot_general3A_37 = tpu.matmul %max3A_33, %get3A_36, %dot_general3A {dimension_numbers = #tpu.dot_dimension_numbers<[1], [0], [0], [1], [0, 0, 1, 1], [], []>, transpose_lhs_hint = false} : vector<2000x128xf32>, vector<128x128xf32>, vector<2000x128xf32> -> vector<2000x128xf32>
    %get3A_38 = arith.constant 0 : index
    %get3A_39 = arith.constant 0 : index
    %get3A_40 = vector.load %arg8[%get3A_38, %get3A_39] : memref<1x128xf32, #tpu.memory_space<vmem>>, vector<1x128xf32>
    %add3A_41 = vector.broadcast %get3A_40 : vector<1x128xf32> to vector<2000x128xf32>
    %add3A_42 = arith.addf %dot_general3A_37, %add3A_41 : vector<2000x128xf32>
    %swap3A = arith.constant 0 : index
    %swap3A_43 = arith.constant 0 : index
    %swap3A_44 = vector.load %arg10[%swap3A, %swap3A_43] : memref<2000x128xf32, #tpu.memory_space<vmem>>, vector<2000x128xf32>
    tpu.vector_store %arg10[%swap3A, %swap3A_43], %add3A_42 {strides = array<i32>} : memref<2000x128xf32, #tpu.memory_space<vmem>>, vector<2000x128xf32>,
    %get3A_45 = arith.constant 0 : index
    %get3A_46 = arith.constant 0 : index
    %get3A_47 = vector.load %arg9[%get3A_45, %get3A_46] : memref<2000x1xf32, #tpu.memory_space<vmem>>, vector<2000x1xf32>
    %mul3A_48 = vector.broadcast %get3A_47 : vector<2000x1xf32> to vector<2000x128xf32>
    %mul3A_49 = arith.mulf %add3A_42, %mul3A_48 : vector<2000x128xf32>
    %swap3A_50 = arith.constant 0 : index
    %swap3A_51 = arith.constant 0 : index
    %swap3A_52 = vector.load %arg11[%swap3A_50, %swap3A_51] : memref<2000x128xf32, #tpu.memory_space<vmem>>, vector<2000x128xf32>
    tpu.vector_store %arg11[%swap3A_50, %swap3A_51], %mul3A_49 {strides = array<i32>} : memref<2000x128xf32, #tpu.memory_space<vmem>>, vector<2000x128xf32>,
    return
  }
  func.func @transform_0(%arg0: i32) -> (i32, i32, i32) {
    %c0_i32 = arith.constant 0 : i32
    %c0_i32_0 = arith.constant 0 : i32
    %c0_i32_1 = arith.constant 0 : i32
    return %c0_i32, %arg0, %c0_i32_0 : i32, i32, i32
  }
  func.func @transform_1(%arg0: i32) -> (i32, i32) {
    %c0_i32 = arith.constant 0 : i32
    %c0_i32_0 = arith.constant 0 : i32
    return %arg0, %c0_i32 : i32, i32
  }
  func.func @transform_2(%arg0: i32) -> (i32, i32) {
    %c0_i32 = arith.constant 0 : i32
    %c0_i32_0 = arith.constant 0 : i32
    return %arg0, %c0_i32 : i32, i32
  }
  func.func @transform_3(%arg0: i32) -> (i32, i32) {
    %c0_i32 = arith.constant 0 : i32
    %c0_i32_0 = arith.constant 0 : i32
    return %arg0, %c0_i32 : i32, i32
  }
  func.func @transform_4(%arg0: i32) -> (i32, i32) {
    %c0_i32 = arith.constant 0 : i32
    %c0_i32_0 = arith.constant 0 : i32
    %c0_i32_1 = arith.constant 0 : i32
    return %c0_i32, %c0_i32_0 : i32, i32
  }
  func.func @transform_5(%arg0: i32) -> (i32, i32) {
    %c0_i32 = arith.constant 0 : i32
    %c0_i32_0 = arith.constant 0 : i32
    %c0_i32_1 = arith.constant 0 : i32
    return %c0_i32, %c0_i32_0 : i32, i32
  }
  func.func @transform_6(%arg0: i32) -> (i32, i32) {
    %c0_i32 = arith.constant 0 : i32
    %c0_i32_0 = arith.constant 0 : i32
    %c0_i32_1 = arith.constant 0 : i32
    return %c0_i32, %c0_i32_0 : i32, i32
  }
  func.func @transform_7(%arg0: i32) -> (i32, i32) {
    %c0_i32 = arith.constant 0 : i32
    %c0_i32_0 = arith.constant 0 : i32
    %c0_i32_1 = arith.constant 0 : i32
    return %c0_i32, %c0_i32_0 : i32, i32
  }
  func.func @transform_8(%arg0: i32) -> (i32, i32) {
    %c0_i32 = arith.constant 0 : i32
    %c0_i32_0 = arith.constant 0 : i32
    return %arg0, %c0_i32 : i32, i32
  }
  func.func @transform_9(%arg0: i32) -> (i32, i32) {
    %c0_i32 = arith.constant 0 : i32
    %c0_i32_0 = arith.constant 0 : i32
    return %arg0, %c0_i32 : i32, i32
  }
  func.func @transform_10(%arg0: i32) -> (i32, i32) {
    %c0_i32 = arith.constant 0 : i32
    %c0_i32_0 = arith.constant 0 : i32
    return %arg0, %c0_i32 : i32, i32
  }
}

</mosaic_0001>

<sc_bundles>
// kernel: kernel.12.cloned.1.call-start
scs
__scs_entry_jumppad:
0x0: {  	(pc) =	sbr.rel $0x88, $3  }
0x1: {  	(tag) =	ssettag $0x0;
	lr =	simm.s32 $0x1  }
0x2: {  	[smem:$0x3F97] =	sst lr;
	_ =	strace $0xD0000000  }
0x3: {  	_ = 	snop  }
0x4: {  	_ = 	snop  }
0x5: {  	_ = 	snop  }
0x6: {  	_ = 	snop  }
0x7: {  	_ = 	snop  }
__scs_overlays_trampoline_lowered:
0x8: {  	[smem:$0x3FA6] =	sst s0  }
0x9: {  	[smem:$0x3FA7] =	sst s1  }
0xa: {  	[smem:$0x3FA8] =	sst s2  }
0xb: {  	[smem:$0x3FA9] =	sst s3  }
0xc: {  	[smem:$0x3FAA] =	sst s4  }
0xd: {  	[smem:$0x3FAB] =	sst s5  }
0xe: {  	[smem:$0x3FAC] =	sst s6  }
0xf: {  	[smem:$0x3FAD] =	sst s7  }
0x10: {  	[smem:$0x3FAE] =	sst s8  }
0x11: {  	[smem:$0x3FAF] =	sst s9;
	s0 =	simm.s32 @!p0 $0x0  }
0x12: {  	s1 =	sld [smem:$0x3F95];
	s0 =	simm.s32 @p0 $0x1  }
0x13: {  	[smem:$0x3FB0] =	sst s0;
	s0 =	simm.s32 @!p1 $0x0  }
0x14: {  	s2 =	sld [smem:$0x3F94];
	s0 =	simm.s32 @p1 $0x1  }
0x15: {  	[smem:$0x3FB1] =	sst s0;
	s0 =	simm.s32 @!p2 $0x0  }
0x16: {  	s3 =	sld [smem:$0x3FDB];
	s0 =	simm.s32 @p2 $0x1  }
0x17: {  	s4 =	simm.s32 $0x1BF5;
	[smem:$0x3FB3] =	sst s0  }
0x18: {  	s0 =	sld [smem:$0x3F96];
	_ =	swait.ge [sflag:s4], $0x0  }
0x19: {  	s7 =	sld [smem:$0x3F97]  }
0x1a: {  	s8 =	sadd.s32 $0xFFFFE003, lr  }
0x1b: {  	s9 =	sadd.s32 $0xFFFFFEF7, lr;
	s5 =	simm.s32 $0xFFFFFFFF;
	p2 =	slt.u32 s8, $0xFFFFF086  }
0x1c: {  	p1 =	slt.u32 s9, $0xF7A;
	s5 =	simm.s32 @!p2 $0x0  }
0x1d: {  	s5 =	simm.s32 @p1 $0x1;
	p0 =	seq.s32 s7, s2  }
0x1e: {  	s7 =	smul.u32 @!p0 $0xF7A, s2;
	p2 =	seq.s32 @!p0 s5, $0x0  }
0x1f: {  	s9 =	smul.u32 $0xF7A, s1;
	s8 =	simm.s32 @!p0 $0x1BF5;
	p2 =	por !p2, p0  }
0x20: {  	[sflag:s8] =	ssyncset.s32 @!p0 $0xFFFFF086;
	s6 =	sadd.s32 @!p0 s3, s7;
	s7 =	simm.s32 @!p0 $0x108  }
0x21: {  	s3 =	sadd.s32 s3, s9;
	s6 =	sadd.s32 @!p0 $0x88, s6;
	s7 =	simm.s32 @p2 $0x1082  }
0x22: {  	[simem:s7], [sflag:s8] =	dma.local @!p0 [hbm:s6], $0xF7A  }
0x23: {  	s9 =	sor.u32 $0xD0000000, s2;
	s6 =	simm.s32 $0x108;
	_ =	swait.ge @!p0 [sflag:s8], $0x0  }
0x24: {  	s3 =	sadd.s32 $0x88, s3;
	s6 =	simm.s32 @!p1 $0x1082;
	[sflag:s4] =	ssyncset.s32 $0xFFFFF086  }
0x25: {  	[simem:s6], [sflag:s4] =	dma.local [hbm:s3], $0xF7A  }
0x26: {  	[smem:$0x3F97] =	sst s1;
	(tag) =	ssettag s2;
	_ =	strace s9  }
0x27: {  	s1 =	sld [smem:$0x3FA7]  }
0x28: {  	s2 =	sld [smem:$0x3FA8]  }
0x29: {  	s4 =	sld [smem:$0x3FAA]  }
0x2a: {  	p0 =	seq.s32 s5, $0x0;
	s5 =	sld [smem:$0x3FAB]  }
0x2b: {  	s6 =	sld [smem:$0x3FAC]  }
0x2c: {  	s7 =	sld [smem:$0x3FAD]  }
0x2d: {  	s3 =	simm.s32 $0x108;
	s8 =	sld [smem:$0x3FAE]  }
0x2e: {  	s3 =	simm.s32 @!p0 $0x1082;
	s9 =	sld [smem:$0x3FAF]  }
0x2f: {  	lr =	sadd.s32 s0, s3;
	s0 =	sld [smem:$0x3FA6]  }
0x30: {  	s3 =	sld [smem:$0x3FA9]  }
0x31: {  	[smem:$0x3FB2] =	sst s10  }
0x32: {  	s10 =	sld [smem:$0x3FB0];
	_ =	sdelay $0x3  }
0x33: {  	p0 =	seq.s32 s10, $0x1;
	s10 =	sld [smem:$0x3FB2];
	_ =	sdelay $0x3  }
0x34: {  	[smem:$0x3FB2] =	sst s10  }
0x35: {  	s10 =	sld [smem:$0x3FB1];
	_ =	sdelay $0x3  }
0x36: {  	p1 =	seq.s32 s10, $0x1;
	s10 =	sld [smem:$0x3FB2];
	_ =	sdelay $0x3  }
0x37: {  	[smem:$0x3FB2] =	sst s10  }
0x38: {  	s10 =	sld [smem:$0x3FB3]  }
0x39: {  	_ = 	snop;
	(pc) =	sbr.ind lr, $3  }
0x3a: {  	_ = 	snop  }
0x3b: {  	_ = 	snop  }
0x3c: {  	p2 =	seq.s32 s10, $0x1;
	s10 =	sld [smem:$0x3FB2]  }
0x3d: {  	_ =	shalt  }
0x3e: {  	_ =	shalt  }
0x3f: {  	_ =	shalt  }
0x40: {  	_ =	shalt  }
0x41: {  	_ =	shalt  }
0x42: {  	_ =	shalt  }
0x43: {  	_ =	shalt  }
0x44: {  	_ =	shalt  }
0x45: {  	_ =	shalt  }
0x46: {  	_ =	shalt  }
0x47: {  	_ =	shalt  }
0x48: {  	_ =	shalt  }
0x49: {  	_ =	shalt  }
0x4a: {  	_ =	shalt  }
0x4b: {  	_ =	shalt  }
0x4c: {  	_ =	shalt  }
0x4d: {  	_ =	shalt  }
0x4e: {  	_ =	shalt  }
0x4f: {  	_ =	shalt  }
0x50: {  	_ =	shalt  }
0x51: {  	_ =	shalt  }
0x52: {  	_ =	shalt  }
0x53: {  	_ =	shalt  }
0x54: {  	_ =	shalt  }
0x55: {  	_ =	shalt  }
0x56: {  	_ =	shalt  }
0x57: {  	_ =	shalt  }
0x58: {  	_ =	shalt  }
0x59: {  	_ =	shalt  }
0x5a: {  	_ =	shalt  }
0x5b: {  	_ =	shalt  }
0x5c: {  	_ =	shalt  }
0x5d: {  	_ =	shalt  }
0x5e: {  	_ =	shalt  }
0x5f: {  	_ =	shalt  }
0x60: {  	_ =	shalt  }
0x61: {  	_ =	shalt  }
0x62: {  	_ =	shalt  }
0x63: {  	_ =	shalt  }
0x64: {  	_ =	shalt  }
0x65: {  	_ =	shalt  }
0x66: {  	_ =	shalt  }
0x67: {  	_ =	shalt  }
0x68: {  	_ =	shalt  }
0x69: {  	_ =	shalt  }
0x6a: {  	_ =	shalt  }
0x6b: {  	_ =	shalt  }
0x6c: {  	_ =	shalt  }
0x6d: {  	_ =	shalt  }
0x6e: {  	_ =	shalt  }
0x6f: {  	_ =	shalt  }
0x70: {  	_ =	shalt  }
0x71: {  	_ =	shalt  }
0x72: {  	_ =	shalt  }
0x73: {  	_ =	shalt  }
0x74: {  	_ =	shalt  }
0x75: {  	_ =	shalt  }
0x76: {  	_ =	shalt  }
0x77: {  	_ =	shalt  }
0x78: {  	_ =	shalt  }
0x79: {  	_ =	shalt  }
0x7a: {  	_ =	shalt  }
0x7b: {  	_ =	shalt  }
0x7c: {  	_ =	shalt  }
0x7d: {  	_ =	shalt  }
0x7e: {  	_ =	shalt  }
0x7f: {  	_ =	shalt  }
0x80: {  	_ =	shalt  }
0x81: {  	_ =	shalt  }
0x82: {  	_ =	shalt  }
0x83: {  	_ =	shalt  }
0x84: {  	_ =	shalt  }
0x85: {  	_ =	shalt  }
0x86: {  	_ =	shalt  }
0x87: {  	_ =	shalt  }
.Lfunc_end0:
.L_simem_size_0:
called_computation_lowered:
.L_overlay_start_0:
0x88: {  	s2 =	sld [smem:$0x3FD9]  }
0x89: {  	s3 =	sld [smem:$0x3FFE];
	_ =	sdelay $0x1  }
0x8a: {  	s1 =	srdreg.scid  }
0x8b: {  	s0 =	sand.u32 $0x1, s1  }
0x8c: {  	s17 =	sshll.u32 s0, $0xA;
	s2 =	sadd.s32 s3, s2  }
0x8d: {  	s2 =	sadd.s32 s2, s17  }
0x8e: {  	[smem:$0x3FBE] =	sst s2  }
0x8f: {  	_ = 	snop  }
0x90: {  	s2 =	sld [smem:$0x3FD0];
	(tm) =	ssettm $0x1  }
0x91: {  	s18 =	sld [smem:$0x3FFB];
	_ =	sdelay $0x3  }
0x92: {  	_ =	strace s18  }
0x93: {  	s3 =	sld [smem:$0x3FFC];
	_ =	sdelay $0x3  }
0x94: {  	_ =	strace s3  }
0x95: {  	s3 =	sld [smem:$0x3FFD];
	_ =	sdelay $0x3  }
0x96: {  	_ =	strace s3  }
0x97: {  	_ =	strace $0x8FFFFFFF  }
0x98: {  	s19 =	sld [smem:$0x3FDB];
	_ =	sdelay $0x1  }
0x99: {  	s4 =	simm.s32 $_scs_section_size  }
0x9a: {  	s5 =	simm.s32 $_size__tile_overlayer_lowered;
	s6 =	simm.s32 $_tile_overlayer_lowered  }
0x9b: {  	s22 =	simm.s32 $0x1BFF;
	s21 =	sshll.u32 s6, $0x1;
	s3 =	sadd.s32 s4, s19  }
0x9c: {  	s7 =	simm.s32 $0x0;
	s20 =	sshll.u32 s5, $0x1;
	s5 =	sadd.s32 s21, s3  }
0x9d: {  	[timem:s7], [sflag:s22] =	dma.local [hbm:s5], s20  }
0x9e: {  	_ =	swait.ge [sflag:s22], s20  }
0x9f: {  	s4 =	ssub.s32 $0x0, s20;
	[sflag:s22] =	ssyncset.done $0x0  }
0xa0: {  	[sflag:s22] =	ssyncadd.s32 s4;
	_ =	sdelay $0x1  }
0xa1: {  	s23 =	simm.s32 $0x1B8B  }
0xa2: {  	_ =	swait.ge [sflag:s23], $0x1  }
0xa3: {  	[sflag:s23] =	ssyncset.done $0x0  }
0xa4: {  	s25 =	simm.s32 $0x1B8E;
	s24 =	sld [smem:$0x3FFE];
	[sflag:s23] =	ssyncadd.s32 $0xFFFFFFFF  }
0xa5: {  	s26 =	simm.s32 $execute0_lowered;
	[smem:$0x3FD2] =	sst s25  }
0xa6: {  	s5 =	sshll.u32 s26, $0x1;
	_ =	strace $0x80000046;
	[dreg:$0x1] =	wrdreg $0xFFFFFFFF  }
0xa7: {  	s28 =	simm.s32 $_size_execute0_lowered;
	s3 =	sadd.s32 s3, s5;
	[dreg:$0x0] =	wrdreg $0x0  }
0xa8: {  	s5 =	sshll.u32 s28, $0x1;
	[dreg:$0x2] =	wrdreg s3  }
0xa9: {  	[dreg:$0x3] =	wrdreg s5  }
0xaa: {  	[dreg:$0x4] =	wrdreg $0xC0  }
0xab: {  	_ =	task [dreg:s7], $0x5FFFF  }
0xac: {  	[dreg:$0x1] =	wrdreg $0xFFFFFFFF  }
0xad: {  	[dreg:$0x0] =	wrdreg $0x60  }
0xae: {  	[dreg:$0x2] =	wrdreg s24  }
0xaf: {  	[dreg:$0x3] =	wrdreg s2  }
0xb0: {  	[dreg:$0x4] =	wrdreg $0x68000  }
0xb1: {  	[dreg:$0x5] =	wrdreg $0x9  }
0xb2: {  	_ =	task.clear_ibuf [dreg:s7], $0x6FFFF;
	_ =	strace $0x90000046  }
0xb3: {  	s29 =	simm.s32 $0x9;
	_ =	strace $0x80000048  }
0xb4: {  	_ =	swait.ge [sflag:s29], $0x1  }
0xb5: {  	[sflag:s29] =	ssyncadd.s32 $0xFFFFFFFF  }
0xb6: {  	_ =	strace $0x90000048  }
0xb7: {  	_ =	sfence  }
0xb8: {  	s30 =	sld [smem:$0x0];
	_ =	sdelay $0x2  }
0xb9: {  	s31 =	sshll.u32 s1, $0xD;
	s1 =	sshrl.u32 s1, $0x2  }
0xba: {  	s3 =	sand.u32 $0x4000, s31;
	s1 =	sadd.s32 s1, s30  }
0xbb: {  	s0 =	sor.u32 s3, s0;
	s1 =	sshll.u32 s1, $0x11  }
0xbc: {  	s0 =	sor.u32 s1, s0  }
0xbd: {  	s0 =	sadd.s32 $0x8F2B, s0  }
0xbe: {  	[sflag:s0] =	ssyncadd.remote.s32 $0x1  }
0xbf: {  	_ =	sfence.sel $0xFFFF  }
0xc0: {  	[dreg:$0x0] =	wrdreg $0xFFFFFFFF;
	(pc) =	sbr.abs _section_cstart, $3  }
0xc1: {  	[dreg:$0x1] =	wrdreg $0xFFFFFFFF  }
0xc2: {  	_ =	task.clear_ibuf [dreg:s7], $0x2FFFF;
	_ =	strace $0x9FFFFFFF  }
0xc3: {  	(tm) =	ssettm $0x7FFFFFFF  }
tec
execute0_lowered:
.L_overlay_start_1:
0x0: {  	(tag) =	ssettag $0x1  }
0x1: {  	s5 =	rddreg [dreg:$0x0]  }
0x2: {  	s7 =	rddreg [dreg:$0x1];
	s1 =	srdreg.scid  }
0x3: {  	s0 =	stileid.u32;
	s2 =	rddreg [dreg:$0x2]  }
0x4: {  	s3 =	simm.s32 $0x0;
	s14 =	simm.s32 $0x7D;
	s17 =	simm.s32 $0x0  }
0x5: {  	s4 =	sand.u32 $0x1, s1;
	s1 =	rddreg [dreg:$0x3];
	s10 =	smul.u32 $0x4E000, s0  }
0x6: {  	s6 =	sshll.u32 s0, $0x1;
	[smem:$0x7FF] =	sst s3;
	s15 =	smul.u32 $0x2700, s0  }
0x7: {  	s31 =	sshll.u32 s0, $0x6;
	s13 =	sadd.s32 $0x138000, s2;
	p0 =	sne.s32 s0, $0xF  }
0x8: {  	s6 =	sor.u32 s4, s6;
	_ =	strace $0x80000047;
	s8 =	smul.u32 $0x27100, s4  }
0x9: {  	s29 =	ssub.s32 $0x2, s4;
	s4 =	sadd.s32 $0xD400, s5;
	s6 =	smul.u32 $0x500, s6  }
0xa: {  	s11 =	sshrl.u32 s29, $0x1;
	s30 =	sshrl.u32 s10, $0x2;
	s12 =	sadd.s32 s8, s5  }
0xb: {  	s11 =	ssub.s32 s29, s11;
	s10 =	sadd.s32 s30, s2;
	s9 =	sadd.s32 s6, s5  }
0xc: {  	s5 =	sadd.s32 s7, s15;
	s6 =	sor.u32 $0x1C01, s31;
	s7 =	sadd.s32 $0x27000, s7  }
0xd: {  	s16 =	sadd.s32 $0xDC00, s12;
	s10 =	sshrl.u32 s10, $0x3;
	s12 =	sshrl.u32 @!p0 s13, $0x3  }
0xe: {  	s13 =	simm.s32 $0x2800;
	s8 =	sadd.s32 $0x3400, s9;
	s9 =	smax.u32 s11, $0x1  }
0xf: {  	s11 =	simm.s32 $0x1;
	s15 =	sadd.s32 s15, s16;
	s16 =	sadd.s32 @!p0 $0x27000, s16  }
.LBB2_1:
0x10: {  	[spmem:s10], [sflag:s6] =	dma.local [hbm:s5], $0x2700  }
0x11: {  	_ =	swait.ge [sflag:s11], $0x2700  }
0x12: {  	[sflag:s11] =	ssyncset.done $0x0  }
0x13: {  	s18 =	simm.s32 @!p0 $0x1;
	[sflag:s11] =	ssyncadd.s32 $0xFFFFD900  }
0x14: {  	[spmem:s12], [sflag:s6] =	dma.local @!p0 [hbm:s7], $0x100  }
0x15: {  	_ =	swait.ge @!p0 [sflag:s18], $0x100  }
0x16: {  	[sflag:s18] =	ssyncset.done @!p0 $0x0  }
0x17: {  	[sflag:s18] =	ssyncadd.s32 @!p0 $0xFFFFFF00  }
0x18: {  	[tilespmem:s13], [sflag:$0x1] =	stream.linear.gather [hbm4b:s4+s3], $0x3E80, $0x38;
	[tilespmem:$0x1A080] =	vst v63  }
0x19: {  	_ =	swait.ge [sflag:s11], $0x3E80  }
0x1a: {  	[sflag:s11] =	ssyncset.done $0x0  }
0x1b: {  	[sflag:s11] =	ssyncadd.s32 $0xFFFFC180  }
0x1c: {  	[tilespmem:s3], [sflag:$0x1] =	stream.linear.gather [hbm4b:s8+s3], $0x2800, $0x38;
	[tilespmem:$0x1A080] =	vst v63  }
0x1d: {  	_ =	swait.ge [sflag:s11], $0x2800  }
0x1e: {  	[sflag:s11] =	ssyncset.done $0x0  }
0x1f: {  	[sflag:s11] =	ssyncadd.s32 $0xFFFFD800  }
0x20: {  	s31 =	simm.s32 $0x0;
	[bflag:$0x0] =	sbarrier.arrive $0xFFFF  }
0x21: {  	[spmem:s2] =	stream.indirect.scatter.add.f32 [tilespmem:s13], [sflag:$0x1], $0x80, s31, s14, $0xb8;
	[tilespmem:$0x1A080] =	vst v63  }
0x22: {  	_ =	swait.ge [sflag:s11], $0x3E80  }
0x23: {  	s18 =	simm.s32 $0x200;
	[sflag:s11] =	ssyncset.done $0x0  }
.LBB2_2:
0x24: {  	s19 =	sshra.s32 s18, $0x2;
	[sflag:s11] =	ssyncadd.s32 $0xFFFFC180;
	p1 =	sne.s32 s18, $0x9E00  }
0x25: {  	[spmem:s2] =	stream.indirect.scatter.add.f32 [tilespmem:s13], [sflag:$0x1], $0x80, s19, s14, $0xb8;
	[tilespmem:$0x1A080] =	vst v63  }
.Ltmp0:
0x26: {  	_ = 	snop;
	(pc) =	sbr.rel @p1 .LBB2_2-.Ltmp0, $4  }
0x27: {  	_ = 	snop  }
0x28: {  	s18 =	sadd.s32 $0x200, s18  }
0x29: {  	_ =	swait.ge [sflag:s11], $0x3E80  }
0x2a: {  	[sflag:s11] =	ssyncset.done $0x0  }
0x2b: {  	[sflag:s11] =	ssyncadd.s32 $0xFFFFC180  }
0x2c: {  	[bflag:$0x0] =	sbarrier.arrive $0xFFFF  }
0x2d: {  	[hbm:s15], [sflag:s6] =	dma.local [spmem:s10], $0x2700  }
0x2e: {  	s17 =	sadd.s32 $0x1, s17;
	_ =	swait.ge [sflag:s11], $0x2700  }
0x2f: {  	p1 =	sne.s32 s17, s9;
	[sflag:s11] =	ssyncset.done $0x0  }
.Ltmp1:
0x30: {  	s18 =	simm.s32 @!p0 $0x1;
	[sflag:s11] =	ssyncadd.s32 $0xFFFFD900;
	(pc) =	sbr.rel @p1 .LBB2_1-.Ltmp1, $4  }
0x31: {  	[hbm:s16], [sflag:s6] =	dma.local @!p0 [spmem:s12], $0x100  }
0x32: {  	_ =	swait.ge @!p0 [sflag:s18], $0x100  }
0x33: {  	[sflag:s18] =	ssyncset.done @!p0 $0x0  }
0x34: {  	[sflag:s18] =	ssyncadd.s32 @!p0 $0xFFFFFF00  }
0x35: {  	_ =	sfence.sel $0x180000  }
0x36: {  	[bflag:$0x0] =	sbarrier.arrive $0xFFFF  }
0x37: {  	p0 =	sne.s32 s0, $0x0;
	_ =	strace $0x90000047  }
0x38: {  	s0 =	sadd.s32 @!p0 $0x100000, s1;
	[bflag:$0x2] =	sbarrier.arrive $0xFFFF  }
0x39: {  	[sflag:s0] =	ssyncadd.tile.s32 @!p0 $0x1;
	_ =	shalt  }
.Lfunc_end2:
_tile_overlayer_lowered:
.L_overlay_start_2:
0x3a: {  	(tag) =	ssettag $0x2  }
0x3b: {  	s0 =	rddreg [dreg:$0x0];
	s2 =	stileid.u32  }
0x3c: {  	s1 =	rddreg [dreg:$0x1];
	p0 =	sne.s32 s2, $0x0  }
0x3d: {  	s3 =	rddreg [dreg:$0x2];
	[bflag:$0x3] =	sbarrier.arrive $0xFFFF;
	s2 =	simm.s32 @!p0 $0x1C01  }
0x3e: {  	[timem:s3], [sflag:s2] =	dma.local @!p0 [hbm:s0], s1  }
0x3f: {  	s0 =	simm.s32 @!p0 $0x1  }
0x40: {  	_ =	swait.ge @!p0 [sflag:s0], s1  }
0x41: {  	s1 =	ssub.s32 @!p0 $0x0, s1;
	[sflag:s0] =	ssyncset.done @!p0 $0x0  }
0x42: {  	[sflag:s0] =	ssyncadd.s32 @!p0 s1  }
0x43: {  	[bflag:$0x3] =	sbarrier.arrive $0xFFFF  }
0x44: {  	_ =	shalt  }

// kernel: kernel.15.cloned.1.call-start
scs
__scs_entry_jumppad:
0x0: {  	(pc) =	sbr.rel $0x88, $3  }
0x1: {  	(tag) =	ssettag $0x0;
	lr =	simm.s32 $0x1  }
0x2: {  	[smem:$0x3F97] =	sst lr;
	_ =	strace $0xD0000000  }
0x3: {  	_ = 	snop  }
0x4: {  	_ = 	snop  }
0x5: {  	_ = 	snop  }
0x6: {  	_ = 	snop  }
0x7: {  	_ = 	snop  }
__scs_overlays_trampoline_lowered:
0x8: {  	[smem:$0x3FA6] =	sst s0  }
0x9: {  	[smem:$0x3FA7] =	sst s1  }
0xa: {  	[smem:$0x3FA8] =	sst s2  }
0xb: {  	[smem:$0x3FA9] =	sst s3  }
0xc: {  	[smem:$0x3FAA] =	sst s4  }
0xd: {  	[smem:$0x3FAB] =	sst s5  }
0xe: {  	[smem:$0x3FAC] =	sst s6  }
0xf: {  	[smem:$0x3FAD] =	sst s7  }
0x10: {  	[smem:$0x3FAE] =	sst s8  }
0x11: {  	[smem:$0x3FAF] =	sst s9;
	s0 =	simm.s32 @!p0 $0x0  }
0x12: {  	s1 =	sld [smem:$0x3F95];
	s0 =	simm.s32 @p0 $0x1  }
0x13: {  	[smem:$0x3FB0] =	sst s0;
	s0 =	simm.s32 @!p1 $0x0  }
0x14: {  	s2 =	sld [smem:$0x3F94];
	s0 =	simm.s32 @p1 $0x1  }
0x15: {  	[smem:$0x3FB1] =	sst s0;
	s0 =	simm.s32 @!p2 $0x0  }
0x16: {  	s3 =	sld [smem:$0x3FDB];
	s0 =	simm.s32 @p2 $0x1  }
0x17: {  	s4 =	simm.s32 $0x1BF5;
	[smem:$0x3FB3] =	sst s0  }
0x18: {  	s0 =	sld [smem:$0x3F96];
	_ =	swait.ge [sflag:s4], $0x0  }
0x19: {  	s7 =	sld [smem:$0x3F97]  }
0x1a: {  	s8 =	sadd.s32 $0xFFFFE003, lr  }
0x1b: {  	s9 =	sadd.s32 $0xFFFFFEF7, lr;
	s5 =	simm.s32 $0xFFFFFFFF;
	p2 =	slt.u32 s8, $0xFFFFF086  }
0x1c: {  	p1 =	slt.u32 s9, $0xF7A;
	s5 =	simm.s32 @!p2 $0x0  }
0x1d: {  	s5 =	simm.s32 @p1 $0x1;
	p0 =	seq.s32 s7, s2  }
0x1e: {  	s7 =	smul.u32 @!p0 $0xF7A, s2;
	p2 =	seq.s32 @!p0 s5, $0x0  }
0x1f: {  	s9 =	smul.u32 $0xF7A, s1;
	s8 =	simm.s32 @!p0 $0x1BF5;
	p2 =	por !p2, p0  }
0x20: {  	[sflag:s8] =	ssyncset.s32 @!p0 $0xFFFFF086;
	s6 =	sadd.s32 @!p0 s3, s7;
	s7 =	simm.s32 @!p0 $0x108  }
0x21: {  	s3 =	sadd.s32 s3, s9;
	s6 =	sadd.s32 @!p0 $0x88, s6;
	s7 =	simm.s32 @p2 $0x1082  }
0x22: {  	[simem:s7], [sflag:s8] =	dma.local @!p0 [hbm:s6], $0xF7A  }
0x23: {  	s9 =	sor.u32 $0xD0000000, s2;
	s6 =	simm.s32 $0x108;
	_ =	swait.ge @!p0 [sflag:s8], $0x0  }
0x24: {  	s3 =	sadd.s32 $0x88, s3;
	s6 =	simm.s32 @!p1 $0x1082;
	[sflag:s4] =	ssyncset.s32 $0xFFFFF086  }
0x25: {  	[simem:s6], [sflag:s4] =	dma.local [hbm:s3], $0xF7A  }
0x26: {  	[smem:$0x3F97] =	sst s1;
	(tag) =	ssettag s2;
	_ =	strace s9  }
0x27: {  	s1 =	sld [smem:$0x3FA7]  }
0x28: {  	s2 =	sld [smem:$0x3FA8]  }
0x29: {  	s4 =	sld [smem:$0x3FAA]  }
0x2a: {  	p0 =	seq.s32 s5, $0x0;
	s5 =	sld [smem:$0x3FAB]  }
0x2b: {  	s6 =	sld [smem:$0x3FAC]  }
0x2c: {  	s7 =	sld [smem:$0x3FAD]  }
0x2d: {  	s3 =	simm.s32 $0x108;
	s8 =	sld [smem:$0x3FAE]  }
0x2e: {  	s3 =	simm.s32 @!p0 $0x1082;
	s9 =	sld [smem:$0x3FAF]  }
0x2f: {  	lr =	sadd.s32 s0, s3;
	s0 =	sld [smem:$0x3FA6]  }
0x30: {  	s3 =	sld [smem:$0x3FA9]  }
0x31: {  	[smem:$0x3FB2] =	sst s10  }
0x32: {  	s10 =	sld [smem:$0x3FB0];
	_ =	sdelay $0x3  }
0x33: {  	p0 =	seq.s32 s10, $0x1;
	s10 =	sld [smem:$0x3FB2];
	_ =	sdelay $0x3  }
0x34: {  	[smem:$0x3FB2] =	sst s10  }
0x35: {  	s10 =	sld [smem:$0x3FB1];
	_ =	sdelay $0x3  }
0x36: {  	p1 =	seq.s32 s10, $0x1;
	s10 =	sld [smem:$0x3FB2];
	_ =	sdelay $0x3  }
0x37: {  	[smem:$0x3FB2] =	sst s10  }
0x38: {  	s10 =	sld [smem:$0x3FB3]  }
0x39: {  	_ = 	snop;
	(pc) =	sbr.ind lr, $3  }
0x3a: {  	_ = 	snop  }
0x3b: {  	_ = 	snop  }
0x3c: {  	p2 =	seq.s32 s10, $0x1;
	s10 =	sld [smem:$0x3FB2]  }
0x3d: {  	_ =	shalt  }
0x3e: {  	_ =	shalt  }
0x3f: {  	_ =	shalt  }
0x40: {  	_ =	shalt  }
0x41: {  	_ =	shalt  }
0x42: {  	_ =	shalt  }
0x43: {  	_ =	shalt  }
0x44: {  	_ =	shalt  }
0x45: {  	_ =	shalt  }
0x46: {  	_ =	shalt  }
0x47: {  	_ =	shalt  }
0x48: {  	_ =	shalt  }
0x49: {  	_ =	shalt  }
0x4a: {  	_ =	shalt  }
0x4b: {  	_ =	shalt  }
0x4c: {  	_ =	shalt  }
0x4d: {  	_ =	shalt  }
0x4e: {  	_ =	shalt  }
0x4f: {  	_ =	shalt  }
0x50: {  	_ =	shalt  }
0x51: {  	_ =	shalt  }
0x52: {  	_ =	shalt  }
0x53: {  	_ =	shalt  }
0x54: {  	_ =	shalt  }
0x55: {  	_ =	shalt  }
0x56: {  	_ =	shalt  }
0x57: {  	_ =	shalt  }
0x58: {  	_ =	shalt  }
0x59: {  	_ =	shalt  }
0x5a: {  	_ =	shalt  }
0x5b: {  	_ =	shalt  }
0x5c: {  	_ =	shalt  }
0x5d: {  	_ =	shalt  }
0x5e: {  	_ =	shalt  }
0x5f: {  	_ =	shalt  }
0x60: {  	_ =	shalt  }
0x61: {  	_ =	shalt  }
0x62: {  	_ =	shalt  }
0x63: {  	_ =	shalt  }
0x64: {  	_ =	shalt  }
0x65: {  	_ =	shalt  }
0x66: {  	_ =	shalt  }
0x67: {  	_ =	shalt  }
0x68: {  	_ =	shalt  }
0x69: {  	_ =	shalt  }
0x6a: {  	_ =	shalt  }
0x6b: {  	_ =	shalt  }
0x6c: {  	_ =	shalt  }
0x6d: {  	_ =	shalt  }
0x6e: {  	_ =	shalt  }
0x6f: {  	_ =	shalt  }
0x70: {  	_ =	shalt  }
0x71: {  	_ =	shalt  }
0x72: {  	_ =	shalt  }
0x73: {  	_ =	shalt  }
0x74: {  	_ =	shalt  }
0x75: {  	_ =	shalt  }
0x76: {  	_ =	shalt  }
0x77: {  	_ =	shalt  }
0x78: {  	_ =	shalt  }
0x79: {  	_ =	shalt  }
0x7a: {  	_ =	shalt  }
0x7b: {  	_ =	shalt  }
0x7c: {  	_ =	shalt  }
0x7d: {  	_ =	shalt  }
0x7e: {  	_ =	shalt  }
0x7f: {  	_ =	shalt  }
0x80: {  	_ =	shalt  }
0x81: {  	_ =	shalt  }
0x82: {  	_ =	shalt  }
0x83: {  	_ =	shalt  }
0x84: {  	_ =	shalt  }
0x85: {  	_ =	shalt  }
0x86: {  	_ =	shalt  }
0x87: {  	_ =	shalt  }
.Lfunc_end0:
.L_simem_size_0:
called_computation.1_lowered:
.L_overlay_start_0:
0x88: {  	s2 =	sld [smem:$0x3FD9]  }
0x89: {  	s3 =	sld [smem:$0x3FFE];
	_ =	sdelay $0x1  }
0x8a: {  	s1 =	srdreg.scid  }
0x8b: {  	s0 =	sand.u32 $0x1, s1  }
0x8c: {  	s17 =	sshll.u32 s0, $0xA;
	s2 =	sadd.s32 s3, s2  }
0x8d: {  	s2 =	sadd.s32 s2, s17  }
0x8e: {  	[smem:$0x3FBE] =	sst s2  }
0x8f: {  	_ = 	snop  }
0x90: {  	s2 =	sld [smem:$0x3FD0];
	(tm) =	ssettm $0x1  }
0x91: {  	s18 =	sld [smem:$0x3FFB];
	_ =	sdelay $0x3  }
0x92: {  	_ =	strace s18  }
0x93: {  	s3 =	sld [smem:$0x3FFC];
	_ =	sdelay $0x3  }
0x94: {  	_ =	strace s3  }
0x95: {  	s3 =	sld [smem:$0x3FFD];
	_ =	sdelay $0x3  }
0x96: {  	_ =	strace s3  }
0x97: {  	_ =	strace $0x8FFFFFFF  }
0x98: {  	s19 =	sld [smem:$0x3FDB];
	_ =	sdelay $0x1  }
0x99: {  	s4 =	simm.s32 $_scs_section_size  }
0x9a: {  	s5 =	simm.s32 $_size__tile_overlayer_lowered;
	s6 =	simm.s32 $_tile_overlayer_lowered  }
0x9b: {  	s22 =	simm.s32 $0x1BFF;
	s21 =	sshll.u32 s6, $0x1;
	s3 =	sadd.s32 s4, s19  }
0x9c: {  	s7 =	simm.s32 $0x0;
	s20 =	sshll.u32 s5, $0x1;
	s5 =	sadd.s32 s21, s3  }
0x9d: {  	[timem:s7], [sflag:s22] =	dma.local [hbm:s5], s20  }
0x9e: {  	_ =	swait.ge [sflag:s22], s20  }
0x9f: {  	s4 =	ssub.s32 $0x0, s20;
	[sflag:s22] =	ssyncset.done $0x0  }
0xa0: {  	[sflag:s22] =	ssyncadd.s32 s4;
	_ =	sdelay $0x1  }
0xa1: {  	s23 =	simm.s32 $0x1B8B  }
0xa2: {  	_ =	swait.ge [sflag:s23], $0x1  }
0xa3: {  	[sflag:s23] =	ssyncset.done $0x0  }
0xa4: {  	s25 =	simm.s32 $0x1B8E;
	s24 =	sld [smem:$0x3FFE];
	[sflag:s23] =	ssyncadd.s32 $0xFFFFFFFF  }
0xa5: {  	s26 =	simm.s32 $execute0_lowered;
	[smem:$0x3FD2] =	sst s25  }
0xa6: {  	s5 =	sshll.u32 s26, $0x1;
	_ =	strace $0x80000049;
	[dreg:$0x1] =	wrdreg $0xFFFFFFFF  }
0xa7: {  	s28 =	simm.s32 $_size_execute0_lowered;
	s3 =	sadd.s32 s3, s5;
	[dreg:$0x0] =	wrdreg $0x0  }
0xa8: {  	s5 =	sshll.u32 s28, $0x1;
	[dreg:$0x2] =	wrdreg s3  }
0xa9: {  	[dreg:$0x3] =	wrdreg s5  }
0xaa: {  	[dreg:$0x4] =	wrdreg $0xC0  }
0xab: {  	_ =	task [dreg:s7], $0x5FFFF  }
0xac: {  	[dreg:$0x1] =	wrdreg $0xFFFFFFFF  }
0xad: {  	[dreg:$0x0] =	wrdreg $0x60  }
0xae: {  	[dreg:$0x2] =	wrdreg s24  }
0xaf: {  	[dreg:$0x3] =	wrdreg s2  }
0xb0: {  	[dreg:$0x4] =	wrdreg $0x90000  }
0xb1: {  	[dreg:$0x5] =	wrdreg $0x9  }
0xb2: {  	_ =	task.clear_ibuf [dreg:s7], $0x6FFFF;
	_ =	strace $0x90000049  }
0xb3: {  	s29 =	simm.s32 $0x9;
	_ =	strace $0x8000004B  }
0xb4: {  	_ =	swait.ge [sflag:s29], $0x1  }
0xb5: {  	[sflag:s29] =	ssyncadd.s32 $0xFFFFFFFF  }
0xb6: {  	_ =	strace $0x9000004B  }
0xb7: {  	_ =	sfence  }
0xb8: {  	s30 =	sld [smem:$0x0];
	_ =	sdelay $0x2  }
0xb9: {  	s31 =	sshll.u32 s1, $0xD;
	s1 =	sshrl.u32 s1, $0x2  }
0xba: {  	s3 =	sand.u32 $0x4000, s31;
	s1 =	sadd.s32 s1, s30  }
0xbb: {  	s0 =	sor.u32 s3, s0;
	s1 =	sshll.u32 s1, $0x11  }
0xbc: {  	s0 =	sor.u32 s1, s0  }
0xbd: {  	s0 =	sadd.s32 $0x8F2B, s0  }
0xbe: {  	[sflag:s0] =	ssyncadd.remote.s32 $0x1  }
0xbf: {  	_ =	sfence.sel $0xFFFF  }
0xc0: {  	[dreg:$0x0] =	wrdreg $0xFFFFFFFF;
	(pc) =	sbr.abs _section_cstart, $3  }
0xc1: {  	[dreg:$0x1] =	wrdreg $0xFFFFFFFF  }
0xc2: {  	_ =	task.clear_ibuf [dreg:s7], $0x2FFFF;
	_ =	strace $0x9FFFFFFF  }
0xc3: {  	(tm) =	ssettm $0x7FFFFFFF  }
tec
execute0_lowered:
.L_overlay_start_1:
0x0: {  	(tag) =	ssettag $0x1  }
0x1: {  	s5 =	rddreg [dreg:$0x0]  }
0x2: {  	s7 =	rddreg [dreg:$0x1];
	s1 =	srdreg.scid  }
0x3: {  	s0 =	stileid.u32;
	s2 =	rddreg [dreg:$0x2]  }
0x4: {  	s3 =	simm.s32 $0x0;
	s16 =	simm.s32 $0x5000;
	s17 =	simm.s32 $0x1  }
0x5: {  	s20 =	simm.s32 $0x0;
	s6 =	sand.u32 $0x1, s1;
	s1 =	rddreg [dreg:$0x3]  }
0x6: {  	s4 =	sshll.u32 s0, $0x1;
	[smem:$0x7FF] =	sst s3;
	s10 =	smul.u32 $0x4E000, s0  }
0x7: {  	s18 =	smul.u32 $0x2700, s0;
	s31 =	sshll.u32 s0, $0x6;
	s15 =	sadd.s32 $0x138000, s2  }
0x8: {  	p0 =	sne.s32 s0, $0xF;
	s4 =	sor.u32 s6, s4;
	s9 =	smul.u32 $0x27100, s6  }
0x9: {  	_ =	strace $0x8000004A;
	s6 =	ssub.s32 $0x2, s6;
	s8 =	smul.u32 $0x500, s4  }
0xa: {  	s4 =	sadd.s32 $0x65E00, s5;
	s29 =	sshrl.u32 s6, $0x1;
	s30 =	sshrl.u32 s10, $0x2  }
0xb: {  	s12 =	sadd.s32 s9, s5;
	s13 =	ssub.s32 s6, s29;
	s14 =	sadd.s32 s30, s2  }
0xc: {  	s6 =	sor.u32 $0x1C02, s31;
	s11 =	sadd.s32 s8, s5;
	s5 =	sadd.s32 s7, s18  }
0xd: {  	s7 =	sadd.s32 $0x27000, s7;
	s19 =	sadd.s32 $0x8D000, s12;
	s10 =	smax.u32 s13, $0x1  }
0xe: {  	s12 =	simm.s32 $0x2;
	s13 =	sshrl.u32 @!p0 s15, $0x3;
	s15 =	simm.s32 $0x7D  }
0xf: {  	s8 =	sadd.s32 $0x5BE00, s11;
	s9 =	sadd.s32 $0x3400, s11;
	s11 =	sshrl.u32 s14, $0x3  }
0x10: {  	s14 =	simm.s32 $0x2800;
	s18 =	sadd.s32 s18, s19;
	s19 =	sadd.s32 @!p0 $0x27000, s19  }
.LBB2_1:
0x11: {  	[spmem:s11], [sflag:s6] =	dma.local [hbm:s5], $0x2700  }
0x12: {  	_ =	swait.ge [sflag:s12], $0x2700  }
0x13: {  	[sflag:s12] =	ssyncset.done $0x0  }
0x14: {  	s21 =	simm.s32 @!p0 $0x2;
	[sflag:s12] =	ssyncadd.s32 $0xFFFFD900  }
0x15: {  	[spmem:s13], [sflag:s6] =	dma.local @!p0 [hbm:s7], $0x100  }
0x16: {  	_ =	swait.ge @!p0 [sflag:s21], $0x100  }
0x17: {  	[sflag:s21] =	ssyncset.done @!p0 $0x0  }
0x18: {  	[sflag:s21] =	ssyncadd.s32 @!p0 $0xFFFFFF00  }
0x19: {  	[tilespmem:s3], [sflag:$0x2] =	stream.linear.gather [hbm4b:s8+s3], $0x2800, $0x38;
	[tilespmem:$0x1C880] =	vst v63  }
0x1a: {  	_ =	swait.ge [sflag:s12], $0x2800  }
0x1b: {  	[sflag:s12] =	ssyncset.done $0x0  }
0x1c: {  	[sflag:s12] =	ssyncadd.s32 $0xFFFFD800  }
0x1d: {  	[tilespmem:s14], [sflag:$0x2] =	stream.linear.gather [hbm4b:s9+s3], $0x2800, $0x38;
	[tilespmem:$0x1C880] =	vst v63  }
0x1e: {  	_ =	swait.ge [sflag:s12], $0x2800  }
0x1f: {  	[sflag:s12] =	ssyncset.done $0x0  }
0x20: {  	[sflag:s12] =	ssyncadd.s32 $0xFFFFD800  }
0x21: {  	s30 =	simm.s32 $0x0;
	[bflag:$0x0] =	sbarrier.arrive $0xFFFF  }
0x22: {  	[tilespmem:s16], [sflag:$0x1] =	stream.indirect.gather [hbm4b:s4+s15], $0x80, s30, s15, $0xb8;
	[tilespmem:$0x1C880] =	vst v63  }
0x23: {  	_ =	swait.ge [sflag:s17], $0x3E80  }
0x24: {  	[sflag:s17] =	ssyncset.done $0x0  }
0x25: {  	s31 =	simm.s32 $0x2800;
	[sflag:s17] =	ssyncadd.s32 $0xFFFFC180  }
0x26: {  	[spmem:s2] =	stream.indirect.scatter.add.f32 [tilespmem:s16], [sflag:$0x2], $0x80, s31, s15, $0xb8;
	[tilespmem:$0x1C880] =	vst v63  }
0x27: {  	_ =	swait.ge [sflag:s12], $0x3E80  }
0x28: {  	s22 =	simm.s32 $0x400;
	s21 =	simm.s32 $0x200;
	[sflag:s12] =	ssyncset.done $0x0  }
.LBB2_2:
0x29: {  	s23 =	sshra.s32 s21, $0x2  }
0x2a: {  	[sflag:s12] =	ssyncadd.s32 $0xFFFFC180;
	s21 =	smov.u32 s22;
	s24 =	sadd.s32 $0x200, s22  }
0x2b: {  	[tilespmem:s16], [sflag:$0x1] =	stream.indirect.gather [hbm4b:s4+s15], $0x80, s23, s15, $0xb8;
	[tilespmem:$0x1C880] =	vst v63  }
0x2c: {  	p1 =	sne.s32 s22, $0x9E00;
	_ =	swait.ge [sflag:s17], $0x3E80  }
.Ltmp0:
0x2d: {  	[sflag:s17] =	ssyncset.done $0x0;
	(pc) =	sbr.rel @p1 .LBB2_2-.Ltmp0, $4  }
0x2e: {  	s22 =	sadd.s32 $0x2800, s23;
	[sflag:s17] =	ssyncadd.s32 $0xFFFFC180  }
0x2f: {  	[spmem:s2] =	stream.indirect.scatter.add.f32 [tilespmem:s16], [sflag:$0x2], $0x80, s22, s15, $0xb8;
	[tilespmem:$0x1C880] =	vst v63  }
0x30: {  	_ =	swait.ge [sflag:s12], $0x3E80  }
0x31: {  	s22 =	smov.u32 s24;
	[sflag:s12] =	ssyncset.done $0x0  }
0x32: {  	s21 =	sshra.s32 s21, $0x2;
	[sflag:s12] =	ssyncadd.s32 $0xFFFFC180  }
0x33: {  	[tilespmem:s16], [sflag:$0x1] =	stream.indirect.gather [hbm4b:s4+s15], $0x80, s21, s15, $0xb8;
	[tilespmem:$0x1C880] =	vst v63  }
0x34: {  	_ =	swait.ge [sflag:s17], $0x3E80  }
0x35: {  	[sflag:s17] =	ssyncset.done $0x0  }
0x36: {  	s21 =	sadd.s32 $0x2800, s21;
	[sflag:s17] =	ssyncadd.s32 $0xFFFFC180  }
0x37: {  	[spmem:s2] =	stream.indirect.scatter.add.f32 [tilespmem:s16], [sflag:$0x2], $0x80, s21, s15, $0xb8;
	[tilespmem:$0x1C880] =	vst v63  }
0x38: {  	_ =	swait.ge [sflag:s12], $0x3E80  }
0x39: {  	[sflag:s12] =	ssyncset.done $0x0  }
0x3a: {  	[sflag:s12] =	ssyncadd.s32 $0xFFFFC180  }
0x3b: {  	[bflag:$0x0] =	sbarrier.arrive $0xFFFF  }
0x3c: {  	[hbm:s18], [sflag:s6] =	dma.local [spmem:s11], $0x2700  }
0x3d: {  	s20 =	sadd.s32 $0x1, s20;
	_ =	swait.ge [sflag:s12], $0x2700  }
0x3e: {  	p1 =	sne.s32 s20, s10;
	[sflag:s12] =	ssyncset.done $0x0  }
.Ltmp1:
0x3f: {  	s21 =	simm.s32 @!p0 $0x2;
	[sflag:s12] =	ssyncadd.s32 $0xFFFFD900;
	(pc) =	sbr.rel @p1 .LBB2_1-.Ltmp1, $4  }
0x40: {  	[hbm:s19], [sflag:s6] =	dma.local @!p0 [spmem:s13], $0x100  }
0x41: {  	_ =	swait.ge @!p0 [sflag:s21], $0x100  }
0x42: {  	[sflag:s21] =	ssyncset.done @!p0 $0x0  }
0x43: {  	[sflag:s21] =	ssyncadd.s32 @!p0 $0xFFFFFF00  }
0x44: {  	_ =	sfence.sel $0x180000  }
0x45: {  	[bflag:$0x0] =	sbarrier.arrive $0xFFFF  }
0x46: {  	p0 =	sne.s32 s0, $0x0;
	_ =	strace $0x9000004A  }
0x47: {  	s0 =	sadd.s32 @!p0 $0x100000, s1;
	[bflag:$0x2] =	sbarrier.arrive $0xFFFF  }
0x48: {  	[sflag:s0] =	ssyncadd.tile.s32 @!p0 $0x1;
	_ =	shalt  }
.Lfunc_end2:
_tile_overlayer_lowered:
.L_overlay_start_2:
0x49: {  	(tag) =	ssettag $0x2  }
0x4a: {  	s0 =	rddreg [dreg:$0x0];
	s2 =	stileid.u32  }
0x4b: {  	s1 =	rddreg [dreg:$0x1];
	p0 =	sne.s32 s2, $0x0  }
0x4c: {  	s3 =	rddreg [dreg:$0x2];
	[bflag:$0x3] =	sbarrier.arrive $0xFFFF;
	s2 =	simm.s32 @!p0 $0x1C02  }
0x4d: {  	[timem:s3], [sflag:s2] =	dma.local @!p0 [hbm:s0], s1  }
0x4e: {  	s0 =	simm.s32 @!p0 $0x2  }
0x4f: {  	_ =	swait.ge @!p0 [sflag:s0], s1  }
0x50: {  	s1 =	ssub.s32 @!p0 $0x0, s1;
	[sflag:s0] =	ssyncset.done @!p0 $0x0  }
0x51: {  	[sflag:s0] =	ssyncadd.s32 @!p0 s1  }
0x52: {  	[bflag:$0x3] =	sbarrier.arrive $0xFFFF  }
0x53: {  	_ =	shalt  }

// kernel: kernel.18.cloned.1.call-start
scs
__scs_entry_jumppad:
0x0: {  	(pc) =	sbr.rel $0x88, $3  }
0x1: {  	(tag) =	ssettag $0x0;
	lr =	simm.s32 $0x1  }
0x2: {  	[smem:$0x3F97] =	sst lr;
	_ =	strace $0xD0000000  }
0x3: {  	_ = 	snop  }
0x4: {  	_ = 	snop  }
0x5: {  	_ = 	snop  }
0x6: {  	_ = 	snop  }
0x7: {  	_ = 	snop  }
__scs_overlays_trampoline_lowered:
0x8: {  	[smem:$0x3FA6] =	sst s0  }
0x9: {  	[smem:$0x3FA7] =	sst s1  }
0xa: {  	[smem:$0x3FA8] =	sst s2  }
0xb: {  	[smem:$0x3FA9] =	sst s3  }
0xc: {  	[smem:$0x3FAA] =	sst s4  }
0xd: {  	[smem:$0x3FAB] =	sst s5  }
0xe: {  	[smem:$0x3FAC] =	sst s6  }
0xf: {  	[smem:$0x3FAD] =	sst s7  }
0x10: {  	[smem:$0x3FAE] =	sst s8  }
0x11: {  	[smem:$0x3FAF] =	sst s9;
	s0 =	simm.s32 @!p0 $0x0  }
0x12: {  	s1 =	sld [smem:$0x3F95];
	s0 =	simm.s32 @p0 $0x1  }
0x13: {  	[smem:$0x3FB0] =	sst s0;
	s0 =	simm.s32 @!p1 $0x0  }
0x14: {  	s2 =	sld [smem:$0x3F94];
	s0 =	simm.s32 @p1 $0x1  }
0x15: {  	[smem:$0x3FB1] =	sst s0;
	s0 =	simm.s32 @!p2 $0x0  }
0x16: {  	s3 =	sld [smem:$0x3FDB];
	s0 =	simm.s32 @p2 $0x1  }
0x17: {  	s4 =	simm.s32 $0x1BF5;
	[smem:$0x3FB3] =	sst s0  }
0x18: {  	s0 =	sld [smem:$0x3F96];
	_ =	swait.ge [sflag:s4], $0x0  }
0x19: {  	s7 =	sld [smem:$0x3F97]  }
0x1a: {  	s8 =	sadd.s32 $0xFFFFE003, lr  }
0x1b: {  	s9 =	sadd.s32 $0xFFFFFEF7, lr;
	s5 =	simm.s32 $0xFFFFFFFF;
	p2 =	slt.u32 s8, $0xFFFFF086  }
0x1c: {  	p1 =	slt.u32 s9, $0xF7A;
	s5 =	simm.s32 @!p2 $0x0  }
0x1d: {  	s5 =	simm.s32 @p1 $0x1;
	p0 =	seq.s32 s7, s2  }
0x1e: {  	s7 =	smul.u32 @!p0 $0xF7A, s2;
	p2 =	seq.s32 @!p0 s5, $0x0  }
0x1f: {  	s9 =	smul.u32 $0xF7A, s1;
	s8 =	simm.s32 @!p0 $0x1BF5;
	p2 =	por !p2, p0  }
0x20: {  	[sflag:s8] =	ssyncset.s32 @!p0 $0xFFFFF086;
	s6 =	sadd.s32 @!p0 s3, s7;
	s7 =	simm.s32 @!p0 $0x108  }
0x21: {  	s3 =	sadd.s32 s3, s9;
	s6 =	sadd.s32 @!p0 $0x88, s6;
	s7 =	simm.s32 @p2 $0x1082  }
0x22: {  	[simem:s7], [sflag:s8] =	dma.local @!p0 [hbm:s6], $0xF7A  }
0x23: {  	s9 =	sor.u32 $0xD0000000, s2;
	s6 =	simm.s32 $0x108;
	_ =	swait.ge @!p0 [sflag:s8], $0x0  }
0x24: {  	s3 =	sadd.s32 $0x88, s3;
	s6 =	simm.s32 @!p1 $0x1082;
	[sflag:s4] =	ssyncset.s32 $0xFFFFF086  }
0x25: {  	[simem:s6], [sflag:s4] =	dma.local [hbm:s3], $0xF7A  }
0x26: {  	[smem:$0x3F97] =	sst s1;
	(tag) =	ssettag s2;
	_ =	strace s9  }
0x27: {  	s1 =	sld [smem:$0x3FA7]  }
0x28: {  	s2 =	sld [smem:$0x3FA8]  }
0x29: {  	s4 =	sld [smem:$0x3FAA]  }
0x2a: {  	p0 =	seq.s32 s5, $0x0;
	s5 =	sld [smem:$0x3FAB]  }
0x2b: {  	s6 =	sld [smem:$0x3FAC]  }
0x2c: {  	s7 =	sld [smem:$0x3FAD]  }
0x2d: {  	s3 =	simm.s32 $0x108;
	s8 =	sld [smem:$0x3FAE]  }
0x2e: {  	s3 =	simm.s32 @!p0 $0x1082;
	s9 =	sld [smem:$0x3FAF]  }
0x2f: {  	lr =	sadd.s32 s0, s3;
	s0 =	sld [smem:$0x3FA6]  }
0x30: {  	s3 =	sld [smem:$0x3FA9]  }
0x31: {  	[smem:$0x3FB2] =	sst s10  }
0x32: {  	s10 =	sld [smem:$0x3FB0];
	_ =	sdelay $0x3  }
0x33: {  	p0 =	seq.s32 s10, $0x1;
	s10 =	sld [smem:$0x3FB2];
	_ =	sdelay $0x3  }
0x34: {  	[smem:$0x3FB2] =	sst s10  }
0x35: {  	s10 =	sld [smem:$0x3FB1];
	_ =	sdelay $0x3  }
0x36: {  	p1 =	seq.s32 s10, $0x1;
	s10 =	sld [smem:$0x3FB2];
	_ =	sdelay $0x3  }
0x37: {  	[smem:$0x3FB2] =	sst s10  }
0x38: {  	s10 =	sld [smem:$0x3FB3]  }
0x39: {  	_ = 	snop;
	(pc) =	sbr.ind lr, $3  }
0x3a: {  	_ = 	snop  }
0x3b: {  	_ = 	snop  }
0x3c: {  	p2 =	seq.s32 s10, $0x1;
	s10 =	sld [smem:$0x3FB2]  }
0x3d: {  	_ =	shalt  }
0x3e: {  	_ =	shalt  }
0x3f: {  	_ =	shalt  }
0x40: {  	_ =	shalt  }
0x41: {  	_ =	shalt  }
0x42: {  	_ =	shalt  }
0x43: {  	_ =	shalt  }
0x44: {  	_ =	shalt  }
0x45: {  	_ =	shalt  }
0x46: {  	_ =	shalt  }
0x47: {  	_ =	shalt  }
0x48: {  	_ =	shalt  }
0x49: {  	_ =	shalt  }
0x4a: {  	_ =	shalt  }
0x4b: {  	_ =	shalt  }
0x4c: {  	_ =	shalt  }
0x4d: {  	_ =	shalt  }
0x4e: {  	_ =	shalt  }
0x4f: {  	_ =	shalt  }
0x50: {  	_ =	shalt  }
0x51: {  	_ =	shalt  }
0x52: {  	_ =	shalt  }
0x53: {  	_ =	shalt  }
0x54: {  	_ =	shalt  }
0x55: {  	_ =	shalt  }
0x56: {  	_ =	shalt  }
0x57: {  	_ =	shalt  }
0x58: {  	_ =	shalt  }
0x59: {  	_ =	shalt  }
0x5a: {  	_ =	shalt  }
0x5b: {  	_ =	shalt  }
0x5c: {  	_ =	shalt  }
0x5d: {  	_ =	shalt  }
0x5e: {  	_ =	shalt  }
0x5f: {  	_ =	shalt  }
0x60: {  	_ =	shalt  }
0x61: {  	_ =	shalt  }
0x62: {  	_ =	shalt  }
0x63: {  	_ =	shalt  }
0x64: {  	_ =	shalt  }
0x65: {  	_ =	shalt  }
0x66: {  	_ =	shalt  }
0x67: {  	_ =	shalt  }
0x68: {  	_ =	shalt  }
0x69: {  	_ =	shalt  }
0x6a: {  	_ =	shalt  }
0x6b: {  	_ =	shalt  }
0x6c: {  	_ =	shalt  }
0x6d: {  	_ =	shalt  }
0x6e: {  	_ =	shalt  }
0x6f: {  	_ =	shalt  }
0x70: {  	_ =	shalt  }
0x71: {  	_ =	shalt  }
0x72: {  	_ =	shalt  }
0x73: {  	_ =	shalt  }
0x74: {  	_ =	shalt  }
0x75: {  	_ =	shalt  }
0x76: {  	_ =	shalt  }
0x77: {  	_ =	shalt  }
0x78: {  	_ =	shalt  }
0x79: {  	_ =	shalt  }
0x7a: {  	_ =	shalt  }
0x7b: {  	_ =	shalt  }
0x7c: {  	_ =	shalt  }
0x7d: {  	_ =	shalt  }
0x7e: {  	_ =	shalt  }
0x7f: {  	_ =	shalt  }
0x80: {  	_ =	shalt  }
0x81: {  	_ =	shalt  }
0x82: {  	_ =	shalt  }
0x83: {  	_ =	shalt  }
0x84: {  	_ =	shalt  }
0x85: {  	_ =	shalt  }
0x86: {  	_ =	shalt  }
0x87: {  	_ =	shalt  }
.Lfunc_end0:
.L_simem_size_0:
called_computation.2_lowered:
.L_overlay_start_0:
0x88: {  	s2 =	sld [smem:$0x3FD9]  }
0x89: {  	s3 =	sld [smem:$0x3FFE];
	_ =	sdelay $0x1  }
0x8a: {  	s1 =	srdreg.scid  }
0x8b: {  	s0 =	sand.u32 $0x1, s1  }
0x8c: {  	s17 =	sshll.u32 s0, $0xA;
	s2 =	sadd.s32 s3, s2  }
0x8d: {  	s2 =	sadd.s32 s2, s17  }
0x8e: {  	[smem:$0x3FBE] =	sst s2  }
0x8f: {  	_ = 	snop  }
0x90: {  	s2 =	sld [smem:$0x3FD0];
	(tm) =	ssettm $0x1  }
0x91: {  	s18 =	sld [smem:$0x3FFB];
	_ =	sdelay $0x3  }
0x92: {  	_ =	strace s18  }
0x93: {  	s3 =	sld [smem:$0x3FFC];
	_ =	sdelay $0x3  }
0x94: {  	_ =	strace s3  }
0x95: {  	s3 =	sld [smem:$0x3FFD];
	_ =	sdelay $0x3  }
0x96: {  	_ =	strace s3  }
0x97: {  	_ =	strace $0x8FFFFFFF  }
0x98: {  	s19 =	sld [smem:$0x3FDB];
	_ =	sdelay $0x1  }
0x99: {  	s4 =	simm.s32 $_scs_section_size  }
0x9a: {  	s5 =	simm.s32 $_size__tile_overlayer_lowered;
	s6 =	simm.s32 $_tile_overlayer_lowered  }
0x9b: {  	s22 =	simm.s32 $0x1BFF;
	s21 =	sshll.u32 s6, $0x1;
	s3 =	sadd.s32 s4, s19  }
0x9c: {  	s7 =	simm.s32 $0x0;
	s20 =	sshll.u32 s5, $0x1;
	s5 =	sadd.s32 s21, s3  }
0x9d: {  	[timem:s7], [sflag:s22] =	dma.local [hbm:s5], s20  }
0x9e: {  	_ =	swait.ge [sflag:s22], s20  }
0x9f: {  	s4 =	ssub.s32 $0x0, s20;
	[sflag:s22] =	ssyncset.done $0x0  }
0xa0: {  	[sflag:s22] =	ssyncadd.s32 s4;
	_ =	sdelay $0x1  }
0xa1: {  	s23 =	simm.s32 $0x1B8B  }
0xa2: {  	_ =	swait.ge [sflag:s23], $0x1  }
0xa3: {  	[sflag:s23] =	ssyncset.done $0x0  }
0xa4: {  	s25 =	simm.s32 $0x1B8E;
	s24 =	sld [smem:$0x3FFE];
	[sflag:s23] =	ssyncadd.s32 $0xFFFFFFFF  }
0xa5: {  	s26 =	simm.s32 $execute0_lowered;
	[smem:$0x3FD2] =	sst s25  }
0xa6: {  	s5 =	sshll.u32 s26, $0x1;
	_ =	strace $0x8000004C;
	[dreg:$0x1] =	wrdreg $0xFFFFFFFF  }
0xa7: {  	s28 =	simm.s32 $_size_execute0_lowered;
	s3 =	sadd.s32 s3, s5;
	[dreg:$0x0] =	wrdreg $0x0  }
0xa8: {  	s5 =	sshll.u32 s28, $0x1;
	[dreg:$0x2] =	wrdreg s3  }
0xa9: {  	[dreg:$0x3] =	wrdreg s5  }
0xaa: {  	[dreg:$0x4] =	wrdreg $0xC0  }
0xab: {  	_ =	task [dreg:s7], $0x5FFFF  }
0xac: {  	[dreg:$0x1] =	wrdreg $0xFFFFFFFF  }
0xad: {  	[dreg:$0x0] =	wrdreg $0x60  }
0xae: {  	[dreg:$0x2] =	wrdreg s24  }
0xaf: {  	[dreg:$0x3] =	wrdreg s2  }
0xb0: {  	[dreg:$0x4] =	wrdreg $0x90000  }
0xb1: {  	[dreg:$0x5] =	wrdreg $0x9  }
0xb2: {  	_ =	task.clear_ibuf [dreg:s7], $0x6FFFF;
	_ =	strace $0x9000004C  }
0xb3: {  	s29 =	simm.s32 $0x9;
	_ =	strace $0x8000004E  }
0xb4: {  	_ =	swait.ge [sflag:s29], $0x1  }
0xb5: {  	[sflag:s29] =	ssyncadd.s32 $0xFFFFFFFF  }
0xb6: {  	_ =	strace $0x9000004E  }
0xb7: {  	_ =	sfence  }
0xb8: {  	s30 =	sld [smem:$0x0];
	_ =	sdelay $0x2  }
0xb9: {  	s31 =	sshll.u32 s1, $0xD;
	s1 =	sshrl.u32 s1, $0x2  }
0xba: {  	s3 =	sand.u32 $0x4000, s31;
	s1 =	sadd.s32 s1, s30  }
0xbb: {  	s0 =	sor.u32 s3, s0;
	s1 =	sshll.u32 s1, $0x11  }
0xbc: {  	s0 =	sor.u32 s1, s0  }
0xbd: {  	s0 =	sadd.s32 $0x8F2B, s0  }
0xbe: {  	[sflag:s0] =	ssyncadd.remote.s32 $0x1  }
0xbf: {  	_ =	sfence.sel $0xFFFF  }
0xc0: {  	[dreg:$0x0] =	wrdreg $0xFFFFFFFF;
	(pc) =	sbr.abs _section_cstart, $3  }
0xc1: {  	[dreg:$0x1] =	wrdreg $0xFFFFFFFF  }
0xc2: {  	_ =	task.clear_ibuf [dreg:s7], $0x2FFFF;
	_ =	strace $0x9FFFFFFF  }
0xc3: {  	(tm) =	ssettm $0x7FFFFFFF  }
tec
execute0_lowered:
.L_overlay_start_1:
0x0: {  	(tag) =	ssettag $0x1  }
0x1: {  	s5 =	rddreg [dreg:$0x0]  }
0x2: {  	s7 =	rddreg [dreg:$0x1];
	s1 =	srdreg.scid  }
0x3: {  	s0 =	stileid.u32;
	s2 =	rddreg [dreg:$0x2]  }
0x4: {  	s3 =	simm.s32 $0x0;
	s16 =	simm.s32 $0x5000;
	s17 =	simm.s32 $0x1  }
0x5: {  	s20 =	simm.s32 $0x0;
	s6 =	sand.u32 $0x1, s1;
	s1 =	rddreg [dreg:$0x3]  }
0x6: {  	s4 =	sshll.u32 s0, $0x1;
	[smem:$0x7FF] =	sst s3;
	s10 =	smul.u32 $0x4E000, s0  }
0x7: {  	s18 =	smul.u32 $0x2700, s0;
	s31 =	sshll.u32 s0, $0x6;
	s15 =	sadd.s32 $0x138000, s2  }
0x8: {  	p0 =	sne.s32 s0, $0xF;
	s4 =	sor.u32 s6, s4;
	s9 =	smul.u32 $0x27100, s6  }
0x9: {  	_ =	strace $0x8000004D;
	s6 =	ssub.s32 $0x2, s6;
	s8 =	smul.u32 $0x500, s4  }
0xa: {  	s4 =	sadd.s32 $0x65E00, s5;
	s29 =	sshrl.u32 s6, $0x1;
	s30 =	sshrl.u32 s10, $0x2  }
0xb: {  	s12 =	sadd.s32 s9, s5;
	s13 =	ssub.s32 s6, s29;
	s14 =	sadd.s32 s30, s2  }
0xc: {  	s6 =	sor.u32 $0x1C02, s31;
	s11 =	sadd.s32 s8, s5;
	s5 =	sadd.s32 s7, s18  }
0xd: {  	s7 =	sadd.s32 $0x27000, s7;
	s19 =	sadd.s32 $0x8D000, s12;
	s10 =	smax.u32 s13, $0x1  }
0xe: {  	s12 =	simm.s32 $0x2;
	s13 =	sshrl.u32 @!p0 s15, $0x3;
	s15 =	simm.s32 $0x7D  }
0xf: {  	s8 =	sadd.s32 $0x5BE00, s11;
	s9 =	sadd.s32 $0x3400, s11;
	s11 =	sshrl.u32 s14, $0x3  }
0x10: {  	s14 =	simm.s32 $0x2800;
	s18 =	sadd.s32 s18, s19;
	s19 =	sadd.s32 @!p0 $0x27000, s19  }
.LBB2_1:
0x11: {  	[spmem:s11], [sflag:s6] =	dma.local [hbm:s5], $0x2700  }
0x12: {  	_ =	swait.ge [sflag:s12], $0x2700  }
0x13: {  	[sflag:s12] =	ssyncset.done $0x0  }
0x14: {  	s21 =	simm.s32 @!p0 $0x2;
	[sflag:s12] =	ssyncadd.s32 $0xFFFFD900  }
0x15: {  	[spmem:s13], [sflag:s6] =	dma.local @!p0 [hbm:s7], $0x100  }
0x16: {  	_ =	swait.ge @!p0 [sflag:s21], $0x100  }
0x17: {  	[sflag:s21] =	ssyncset.done @!p0 $0x0  }
0x18: {  	[sflag:s21] =	ssyncadd.s32 @!p0 $0xFFFFFF00  }
0x19: {  	[tilespmem:s3], [sflag:$0x2] =	stream.linear.gather [hbm4b:s8+s3], $0x2800, $0x38;
	[tilespmem:$0x1C880] =	vst v63  }
0x1a: {  	_ =	swait.ge [sflag:s12], $0x2800  }
0x1b: {  	[sflag:s12] =	ssyncset.done $0x0  }
0x1c: {  	[sflag:s12] =	ssyncadd.s32 $0xFFFFD800  }
0x1d: {  	[tilespmem:s14], [sflag:$0x2] =	stream.linear.gather [hbm4b:s9+s3], $0x2800, $0x38;
	[tilespmem:$0x1C880] =	vst v63  }
0x1e: {  	_ =	swait.ge [sflag:s12], $0x2800  }
0x1f: {  	[sflag:s12] =	ssyncset.done $0x0  }
0x20: {  	[sflag:s12] =	ssyncadd.s32 $0xFFFFD800  }
0x21: {  	s30 =	simm.s32 $0x0;
	[bflag:$0x0] =	sbarrier.arrive $0xFFFF  }
0x22: {  	[tilespmem:s16], [sflag:$0x1] =	stream.indirect.gather [hbm4b:s4+s15], $0x80, s30, s15, $0xb8;
	[tilespmem:$0x1C880] =	vst v63  }
0x23: {  	_ =	swait.ge [sflag:s17], $0x3E80  }
0x24: {  	[sflag:s17] =	ssyncset.done $0x0  }
0x25: {  	s31 =	simm.s32 $0x2800;
	[sflag:s17] =	ssyncadd.s32 $0xFFFFC180  }
0x26: {  	[spmem:s2] =	stream.indirect.scatter.add.f32 [tilespmem:s16], [sflag:$0x2], $0x80, s31, s15, $0xb8;
	[tilespmem:$0x1C880] =	vst v63  }
0x27: {  	_ =	swait.ge [sflag:s12], $0x3E80  }
0x28: {  	s22 =	simm.s32 $0x400;
	s21 =	simm.s32 $0x200;
	[sflag:s12] =	ssyncset.done $0x0  }
.LBB2_2:
0x29: {  	s23 =	sshra.s32 s21, $0x2  }
0x2a: {  	[sflag:s12] =	ssyncadd.s32 $0xFFFFC180;
	s21 =	smov.u32 s22;
	s24 =	sadd.s32 $0x200, s22  }
0x2b: {  	[tilespmem:s16], [sflag:$0x1] =	stream.indirect.gather [hbm4b:s4+s15], $0x80, s23, s15, $0xb8;
	[tilespmem:$0x1C880] =	vst v63  }
0x2c: {  	p1 =	sne.s32 s22, $0x9E00;
	_ =	swait.ge [sflag:s17], $0x3E80  }
.Ltmp0:
0x2d: {  	[sflag:s17] =	ssyncset.done $0x0;
	(pc) =	sbr.rel @p1 .LBB2_2-.Ltmp0, $4  }
0x2e: {  	s22 =	sadd.s32 $0x2800, s23;
	[sflag:s17] =	ssyncadd.s32 $0xFFFFC180  }
0x2f: {  	[spmem:s2] =	stream.indirect.scatter.add.f32 [tilespmem:s16], [sflag:$0x2], $0x80, s22, s15, $0xb8;
	[tilespmem:$0x1C880] =	vst v63  }
0x30: {  	_ =	swait.ge [sflag:s12], $0x3E80  }
0x31: {  	s22 =	smov.u32 s24;
	[sflag:s12] =	ssyncset.done $0x0  }
0x32: {  	s21 =	sshra.s32 s21, $0x2;
	[sflag:s12] =	ssyncadd.s32 $0xFFFFC180  }
0x33: {  	[tilespmem:s16], [sflag:$0x1] =	stream.indirect.gather [hbm4b:s4+s15], $0x80, s21, s15, $0xb8;
	[tilespmem:$0x1C880] =	vst v63  }
0x34: {  	_ =	swait.ge [sflag:s17], $0x3E80  }
0x35: {  	[sflag:s17] =	ssyncset.done $0x0  }
0x36: {  	s21 =	sadd.s32 $0x2800, s21;
	[sflag:s17] =	ssyncadd.s32 $0xFFFFC180  }
0x37: {  	[spmem:s2] =	stream.indirect.scatter.add.f32 [tilespmem:s16], [sflag:$0x2], $0x80, s21, s15, $0xb8;
	[tilespmem:$0x1C880] =	vst v63  }
0x38: {  	_ =	swait.ge [sflag:s12], $0x3E80  }
0x39: {  	[sflag:s12] =	ssyncset.done $0x0  }
0x3a: {  	[sflag:s12] =	ssyncadd.s32 $0xFFFFC180  }
0x3b: {  	[bflag:$0x0] =	sbarrier.arrive $0xFFFF  }
0x3c: {  	[hbm:s18], [sflag:s6] =	dma.local [spmem:s11], $0x2700  }
0x3d: {  	s20 =	sadd.s32 $0x1, s20;
	_ =	swait.ge [sflag:s12], $0x2700  }
0x3e: {  	p1 =	sne.s32 s20, s10;
	[sflag:s12] =	ssyncset.done $0x0  }
.Ltmp1:
0x3f: {  	s21 =	simm.s32 @!p0 $0x2;
	[sflag:s12] =	ssyncadd.s32 $0xFFFFD900;
	(pc) =	sbr.rel @p1 .LBB2_1-.Ltmp1, $4  }
0x40: {  	[hbm:s19], [sflag:s6] =	dma.local @!p0 [spmem:s13], $0x100  }
0x41: {  	_ =	swait.ge @!p0 [sflag:s21], $0x100  }
0x42: {  	[sflag:s21] =	ssyncset.done @!p0 $0x0  }
0x43: {  	[sflag:s21] =	ssyncadd.s32 @!p0 $0xFFFFFF00  }
0x44: {  	_ =	sfence.sel $0x180000  }
0x45: {  	[bflag:$0x0] =	sbarrier.arrive $0xFFFF  }
0x46: {  	p0 =	sne.s32 s0, $0x0;
	_ =	strace $0x9000004D  }
0x47: {  	s0 =	sadd.s32 @!p0 $0x100000, s1;
	[bflag:$0x2] =	sbarrier.arrive $0xFFFF  }
0x48: {  	[sflag:s0] =	ssyncadd.tile.s32 @!p0 $0x1;
	_ =	shalt  }
.Lfunc_end2:
_tile_overlayer_lowered:
.L_overlay_start_2:
0x49: {  	(tag) =	ssettag $0x2  }
0x4a: {  	s0 =	rddreg [dreg:$0x0];
	s2 =	stileid.u32  }
0x4b: {  	s1 =	rddreg [dreg:$0x1];
	p0 =	sne.s32 s2, $0x0  }
0x4c: {  	s3 =	rddreg [dreg:$0x2];
	[bflag:$0x3] =	sbarrier.arrive $0xFFFF;
	s2 =	simm.s32 @!p0 $0x1C02  }
0x4d: {  	[timem:s3], [sflag:s2] =	dma.local @!p0 [hbm:s0], s1  }
0x4e: {  	s0 =	simm.s32 @!p0 $0x2  }
0x4f: {  	_ =	swait.ge @!p0 [sflag:s0], s1  }
0x50: {  	s1 =	ssub.s32 @!p0 $0x0, s1;
	[sflag:s0] =	ssyncset.done @!p0 $0x0  }
0x51: {  	[sflag:s0] =	ssyncadd.s32 @!p0 s1  }
0x52: {  	[bflag:$0x3] =	sbarrier.arrive $0xFFFF  }
0x53: {  	_ =	shalt  }

// kernel: kernel.21.cloned.1.call-start
scs
__scs_entry_jumppad:
0x0: {  	(pc) =	sbr.rel $0x88, $3  }
0x1: {  	(tag) =	ssettag $0x0;
	lr =	simm.s32 $0x1  }
0x2: {  	[smem:$0x3F97] =	sst lr;
	_ =	strace $0xD0000000  }
0x3: {  	_ = 	snop  }
0x4: {  	_ = 	snop  }
0x5: {  	_ = 	snop  }
0x6: {  	_ = 	snop  }
0x7: {  	_ = 	snop  }
__scs_overlays_trampoline_lowered:
0x8: {  	[smem:$0x3FA6] =	sst s0  }
0x9: {  	[smem:$0x3FA7] =	sst s1  }
0xa: {  	[smem:$0x3FA8] =	sst s2  }
0xb: {  	[smem:$0x3FA9] =	sst s3  }
0xc: {  	[smem:$0x3FAA] =	sst s4  }
0xd: {  	[smem:$0x3FAB] =	sst s5  }
0xe: {  	[smem:$0x3FAC] =	sst s6  }
0xf: {  	[smem:$0x3FAD] =	sst s7  }
0x10: {  	[smem:$0x3FAE] =	sst s8  }
0x11: {  	[smem:$0x3FAF] =	sst s9;
	s0 =	simm.s32 @!p0 $0x0  }
0x12: {  	s1 =	sld [smem:$0x3F95];
	s0 =	simm.s32 @p0 $0x1  }
0x13: {  	[smem:$0x3FB0] =	sst s0;
	s0 =	simm.s32 @!p1 $0x0  }
0x14: {  	s2 =	sld [smem:$0x3F94];
	s0 =	simm.s32 @p1 $0x1  }
0x15: {  	[smem:$0x3FB1] =	sst s0;
	s0 =	simm.s32 @!p2 $0x0  }
0x16: {  	s3 =	sld [smem:$0x3FDB];
	s0 =	simm.s32 @p2 $0x1  }
0x17: {  	s4 =	simm.s32 $0x1BF5;
	[smem:$0x3FB3] =	sst s0  }
0x18: {  	s0 =	sld [smem:$0x3F96];
	_ =	swait.ge [sflag:s4], $0x0  }
0x19: {  	s7 =	sld [smem:$0x3F97]  }
0x1a: {  	s8 =	sadd.s32 $0xFFFFE003, lr  }
0x1b: {  	s9 =	sadd.s32 $0xFFFFFEF7, lr;
	s5 =	simm.s32 $0xFFFFFFFF;
	p2 =	slt.u32 s8, $0xFFFFF086  }
0x1c: {  	p1 =	slt.u32 s9, $0xF7A;
	s5 =	simm.s32 @!p2 $0x0  }
0x1d: {  	s5 =	simm.s32 @p1 $0x1;
	p0 =	seq.s32 s7, s2  }
0x1e: {  	s7 =	smul.u32 @!p0 $0xF7A, s2;
	p2 =	seq.s32 @!p0 s5, $0x0  }
0x1f: {  	s9 =	smul.u32 $0xF7A, s1;
	s8 =	simm.s32 @!p0 $0x1BF5;
	p2 =	por !p2, p0  }
0x20: {  	[sflag:s8] =	ssyncset.s32 @!p0 $0xFFFFF086;
	s6 =	sadd.s32 @!p0 s3, s7;
	s7 =	simm.s32 @!p0 $0x108  }
0x21: {  	s3 =	sadd.s32 s3, s9;
	s6 =	sadd.s32 @!p0 $0x88, s6;
	s7 =	simm.s32 @p2 $0x1082  }
0x22: {  	[simem:s7], [sflag:s8] =	dma.local @!p0 [hbm:s6], $0xF7A  }
0x23: {  	s9 =	sor.u32 $0xD0000000, s2;
	s6 =	simm.s32 $0x108;
	_ =	swait.ge @!p0 [sflag:s8], $0x0  }
0x24: {  	s3 =	sadd.s32 $0x88, s3;
	s6 =	simm.s32 @!p1 $0x1082;
	[sflag:s4] =	ssyncset.s32 $0xFFFFF086  }
0x25: {  	[simem:s6], [sflag:s4] =	dma.local [hbm:s3], $0xF7A  }
0x26: {  	[smem:$0x3F97] =	sst s1;
	(tag) =	ssettag s2;
	_ =	strace s9  }
0x27: {  	s1 =	sld [smem:$0x3FA7]  }
0x28: {  	s2 =	sld [smem:$0x3FA8]  }
0x29: {  	s4 =	sld [smem:$0x3FAA]  }
0x2a: {  	p0 =	seq.s32 s5, $0x0;
	s5 =	sld [smem:$0x3FAB]  }
0x2b: {  	s6 =	sld [smem:$0x3FAC]  }
0x2c: {  	s7 =	sld [smem:$0x3FAD]  }
0x2d: {  	s3 =	simm.s32 $0x108;
	s8 =	sld [smem:$0x3FAE]  }
0x2e: {  	s3 =	simm.s32 @!p0 $0x1082;
	s9 =	sld [smem:$0x3FAF]  }
0x2f: {  	lr =	sadd.s32 s0, s3;
	s0 =	sld [smem:$0x3FA6]  }
0x30: {  	s3 =	sld [smem:$0x3FA9]  }
0x31: {  	[smem:$0x3FB2] =	sst s10  }
0x32: {  	s10 =	sld [smem:$0x3FB0];
	_ =	sdelay $0x3  }
0x33: {  	p0 =	seq.s32 s10, $0x1;
	s10 =	sld [smem:$0x3FB2];
	_ =	sdelay $0x3  }
0x34: {  	[smem:$0x3FB2] =	sst s10  }
0x35: {  	s10 =	sld [smem:$0x3FB1];
	_ =	sdelay $0x3  }
0x36: {  	p1 =	seq.s32 s10, $0x1;
	s10 =	sld [smem:$0x3FB2];
	_ =	sdelay $0x3  }
0x37: {  	[smem:$0x3FB2] =	sst s10  }
0x38: {  	s10 =	sld [smem:$0x3FB3]  }
0x39: {  	_ = 	snop;
	(pc) =	sbr.ind lr, $3  }
0x3a: {  	_ = 	snop  }
0x3b: {  	_ = 	snop  }
0x3c: {  	p2 =	seq.s32 s10, $0x1;
	s10 =	sld [smem:$0x3FB2]  }
0x3d: {  	_ =	shalt  }
0x3e: {  	_ =	shalt  }
0x3f: {  	_ =	shalt  }
0x40: {  	_ =	shalt  }
0x41: {  	_ =	shalt  }
0x42: {  	_ =	shalt  }
0x43: {  	_ =	shalt  }
0x44: {  	_ =	shalt  }
0x45: {  	_ =	shalt  }
0x46: {  	_ =	shalt  }
0x47: {  	_ =	shalt  }
0x48: {  	_ =	shalt  }
0x49: {  	_ =	shalt  }
0x4a: {  	_ =	shalt  }
0x4b: {  	_ =	shalt  }
0x4c: {  	_ =	shalt  }
0x4d: {  	_ =	shalt  }
0x4e: {  	_ =	shalt  }
0x4f: {  	_ =	shalt  }
0x50: {  	_ =	shalt  }
0x51: {  	_ =	shalt  }
0x52: {  	_ =	shalt  }
0x53: {  	_ =	shalt  }
0x54: {  	_ =	shalt  }
0x55: {  	_ =	shalt  }
0x56: {  	_ =	shalt  }
0x57: {  	_ =	shalt  }
0x58: {  	_ =	shalt  }
0x59: {  	_ =	shalt  }
0x5a: {  	_ =	shalt  }
0x5b: {  	_ =	shalt  }
0x5c: {  	_ =	shalt  }
0x5d: {  	_ =	shalt  }
0x5e: {  	_ =	shalt  }
0x5f: {  	_ =	shalt  }
0x60: {  	_ =	shalt  }
0x61: {  	_ =	shalt  }
0x62: {  	_ =	shalt  }
0x63: {  	_ =	shalt  }
0x64: {  	_ =	shalt  }
0x65: {  	_ =	shalt  }
0x66: {  	_ =	shalt  }
0x67: {  	_ =	shalt  }
0x68: {  	_ =	shalt  }
0x69: {  	_ =	shalt  }
0x6a: {  	_ =	shalt  }
0x6b: {  	_ =	shalt  }
0x6c: {  	_ =	shalt  }
0x6d: {  	_ =	shalt  }
0x6e: {  	_ =	shalt  }
0x6f: {  	_ =	shalt  }
0x70: {  	_ =	shalt  }
0x71: {  	_ =	shalt  }
0x72: {  	_ =	shalt  }
0x73: {  	_ =	shalt  }
0x74: {  	_ =	shalt  }
0x75: {  	_ =	shalt  }
0x76: {  	_ =	shalt  }
0x77: {  	_ =	shalt  }
0x78: {  	_ =	shalt  }
0x79: {  	_ =	shalt  }
0x7a: {  	_ =	shalt  }
0x7b: {  	_ =	shalt  }
0x7c: {  	_ =	shalt  }
0x7d: {  	_ =	shalt  }
0x7e: {  	_ =	shalt  }
0x7f: {  	_ =	shalt  }
0x80: {  	_ =	shalt  }
0x81: {  	_ =	shalt  }
0x82: {  	_ =	shalt  }
0x83: {  	_ =	shalt  }
0x84: {  	_ =	shalt  }
0x85: {  	_ =	shalt  }
0x86: {  	_ =	shalt  }
0x87: {  	_ =	shalt  }
.Lfunc_end0:
.L_simem_size_0:
called_computation.3_lowered:
.L_overlay_start_0:
0x88: {  	s2 =	sld [smem:$0x3FD9]  }
0x89: {  	s3 =	sld [smem:$0x3FFE];
	_ =	sdelay $0x1  }
0x8a: {  	s1 =	srdreg.scid  }
0x8b: {  	s0 =	sand.u32 $0x1, s1  }
0x8c: {  	s17 =	sshll.u32 s0, $0xA;
	s2 =	sadd.s32 s3, s2  }
0x8d: {  	s2 =	sadd.s32 s2, s17  }
0x8e: {  	[smem:$0x3FBE] =	sst s2  }
0x8f: {  	_ = 	snop  }
0x90: {  	s2 =	sld [smem:$0x3FD0];
	(tm) =	ssettm $0x1  }
0x91: {  	s18 =	sld [smem:$0x3FFB];
	_ =	sdelay $0x3  }
0x92: {  	_ =	strace s18  }
0x93: {  	s3 =	sld [smem:$0x3FFC];
	_ =	sdelay $0x3  }
0x94: {  	_ =	strace s3  }
0x95: {  	s3 =	sld [smem:$0x3FFD];
	_ =	sdelay $0x3  }
0x96: {  	_ =	strace s3  }
0x97: {  	_ =	strace $0x8FFFFFFF  }
0x98: {  	s19 =	sld [smem:$0x3FDB];
	_ =	sdelay $0x1  }
0x99: {  	s4 =	simm.s32 $_scs_section_size  }
0x9a: {  	s5 =	simm.s32 $_size__tile_overlayer_lowered;
	s6 =	simm.s32 $_tile_overlayer_lowered  }
0x9b: {  	s22 =	simm.s32 $0x1BFF;
	s21 =	sshll.u32 s6, $0x1;
	s3 =	sadd.s32 s4, s19  }
0x9c: {  	s7 =	simm.s32 $0x0;
	s20 =	sshll.u32 s5, $0x1;
	s5 =	sadd.s32 s21, s3  }
0x9d: {  	[timem:s7], [sflag:s22] =	dma.local [hbm:s5], s20  }
0x9e: {  	_ =	swait.ge [sflag:s22], s20  }
0x9f: {  	s4 =	ssub.s32 $0x0, s20;
	[sflag:s22] =	ssyncset.done $0x0  }
0xa0: {  	[sflag:s22] =	ssyncadd.s32 s4;
	_ =	sdelay $0x1  }
0xa1: {  	s23 =	simm.s32 $0x1B8B  }
0xa2: {  	_ =	swait.ge [sflag:s23], $0x1  }
0xa3: {  	[sflag:s23] =	ssyncset.done $0x0  }
0xa4: {  	s25 =	simm.s32 $0x1B8E;
	s24 =	sld [smem:$0x3FFE];
	[sflag:s23] =	ssyncadd.s32 $0xFFFFFFFF  }
0xa5: {  	s26 =	simm.s32 $execute0_lowered;
	[smem:$0x3FD2] =	sst s25  }
0xa6: {  	s5 =	sshll.u32 s26, $0x1;
	_ =	strace $0x8000004F;
	[dreg:$0x1] =	wrdreg $0xFFFFFFFF  }
0xa7: {  	s28 =	simm.s32 $_size_execute0_lowered;
	s3 =	sadd.s32 s3, s5;
	[dreg:$0x0] =	wrdreg $0x0  }
0xa8: {  	s5 =	sshll.u32 s28, $0x1;
	[dreg:$0x2] =	wrdreg s3  }
0xa9: {  	[dreg:$0x3] =	wrdreg s5  }
0xaa: {  	[dreg:$0x4] =	wrdreg $0xC0  }
0xab: {  	_ =	task [dreg:s7], $0x5FFFF  }
0xac: {  	[dreg:$0x1] =	wrdreg $0xFFFFFFFF  }
0xad: {  	[dreg:$0x0] =	wrdreg $0x60  }
0xae: {  	[dreg:$0x2] =	wrdreg s24  }
0xaf: {  	[dreg:$0x3] =	wrdreg s2  }
0xb0: {  	[dreg:$0x4] =	wrdreg $0x90000  }
0xb1: {  	[dreg:$0x5] =	wrdreg $0x9  }
0xb2: {  	_ =	task.clear_ibuf [dreg:s7], $0x6FFFF;
	_ =	strace $0x9000004F  }
0xb3: {  	s29 =	simm.s32 $0x9;
	_ =	strace $0x80000051  }
0xb4: {  	_ =	swait.ge [sflag:s29], $0x1  }
0xb5: {  	[sflag:s29] =	ssyncadd.s32 $0xFFFFFFFF  }
0xb6: {  	_ =	strace $0x90000051  }
0xb7: {  	_ =	sfence  }
0xb8: {  	s30 =	sld [smem:$0x0];
	_ =	sdelay $0x2  }
0xb9: {  	s31 =	sshll.u32 s1, $0xD;
	s1 =	sshrl.u32 s1, $0x2  }
0xba: {  	s3 =	sand.u32 $0x4000, s31;
	s1 =	sadd.s32 s1, s30  }
0xbb: {  	s0 =	sor.u32 s3, s0;
	s1 =	sshll.u32 s1, $0x11  }
0xbc: {  	s0 =	sor.u32 s1, s0  }
0xbd: {  	s0 =	sadd.s32 $0x8F2B, s0  }
0xbe: {  	[sflag:s0] =	ssyncadd.remote.s32 $0x1  }
0xbf: {  	_ =	sfence.sel $0xFFFF  }
0xc0: {  	[dreg:$0x0] =	wrdreg $0xFFFFFFFF;
	(pc) =	sbr.abs _section_cstart, $3  }
0xc1: {  	[dreg:$0x1] =	wrdreg $0xFFFFFFFF  }
0xc2: {  	_ =	task.clear_ibuf [dreg:s7], $0x2FFFF;
	_ =	strace $0x9FFFFFFF  }
0xc3: {  	(tm) =	ssettm $0x7FFFFFFF  }
tec
execute0_lowered:
.L_overlay_start_1:
0x0: {  	(tag) =	ssettag $0x1  }
0x1: {  	s5 =	rddreg [dreg:$0x0]  }
0x2: {  	s7 =	rddreg [dreg:$0x1];
	s1 =	srdreg.scid  }
0x3: {  	s0 =	stileid.u32;
	s2 =	rddreg [dreg:$0x2]  }
0x4: {  	s3 =	simm.s32 $0x0;
	s16 =	simm.s32 $0x5000;
	s17 =	simm.s32 $0x1  }
0x5: {  	s20 =	simm.s32 $0x0;
	s6 =	sand.u32 $0x1, s1;
	s1 =	rddreg [dreg:$0x3]  }
0x6: {  	s4 =	sshll.u32 s0, $0x1;
	[smem:$0x7FF] =	sst s3;
	s10 =	smul.u32 $0x4E000, s0  }
0x7: {  	s18 =	smul.u32 $0x2700, s0;
	s31 =	sshll.u32 s0, $0x6;
	s15 =	sadd.s32 $0x138000, s2  }
0x8: {  	p0 =	sne.s32 s0, $0xF;
	s4 =	sor.u32 s6, s4;
	s9 =	smul.u32 $0x27100, s6  }
0x9: {  	_ =	strace $0x80000050;
	s6 =	ssub.s32 $0x2, s6;
	s8 =	smul.u32 $0x500, s4  }
0xa: {  	s4 =	sadd.s32 $0x65E00, s5;
	s29 =	sshrl.u32 s6, $0x1;
	s30 =	sshrl.u32 s10, $0x2  }
0xb: {  	s12 =	sadd.s32 s9, s5;
	s13 =	ssub.s32 s6, s29;
	s14 =	sadd.s32 s30, s2  }
0xc: {  	s6 =	sor.u32 $0x1C02, s31;
	s11 =	sadd.s32 s8, s5;
	s5 =	sadd.s32 s7, s18  }
0xd: {  	s7 =	sadd.s32 $0x27000, s7;
	s19 =	sadd.s32 $0x8D000, s12;
	s10 =	smax.u32 s13, $0x1  }
0xe: {  	s12 =	simm.s32 $0x2;
	s13 =	sshrl.u32 @!p0 s15, $0x3;
	s15 =	simm.s32 $0x7D  }
0xf: {  	s8 =	sadd.s32 $0x5BE00, s11;
	s9 =	sadd.s32 $0x3400, s11;
	s11 =	sshrl.u32 s14, $0x3  }
0x10: {  	s14 =	simm.s32 $0x2800;
	s18 =	sadd.s32 s18, s19;
	s19 =	sadd.s32 @!p0 $0x27000, s19  }
.LBB2_1:
0x11: {  	[spmem:s11], [sflag:s6] =	dma.local [hbm:s5], $0x2700  }
0x12: {  	_ =	swait.ge [sflag:s12], $0x2700  }
0x13: {  	[sflag:s12] =	ssyncset.done $0x0  }
0x14: {  	s21 =	simm.s32 @!p0 $0x2;
	[sflag:s12] =	ssyncadd.s32 $0xFFFFD900  }
0x15: {  	[spmem:s13], [sflag:s6] =	dma.local @!p0 [hbm:s7], $0x100  }
0x16: {  	_ =	swait.ge @!p0 [sflag:s21], $0x100  }
0x17: {  	[sflag:s21] =	ssyncset.done @!p0 $0x0  }
0x18: {  	[sflag:s21] =	ssyncadd.s32 @!p0 $0xFFFFFF00  }
0x19: {  	[tilespmem:s3], [sflag:$0x2] =	stream.linear.gather [hbm4b:s8+s3], $0x2800, $0x38;
	[tilespmem:$0x1C880] =	vst v63  }
0x1a: {  	_ =	swait.ge [sflag:s12], $0x2800  }
0x1b: {  	[sflag:s12] =	ssyncset.done $0x0  }
0x1c: {  	[sflag:s12] =	ssyncadd.s32 $0xFFFFD800  }
0x1d: {  	[tilespmem:s14], [sflag:$0x2] =	stream.linear.gather [hbm4b:s9+s3], $0x2800, $0x38;
	[tilespmem:$0x1C880] =	vst v63  }
0x1e: {  	_ =	swait.ge [sflag:s12], $0x2800  }
0x1f: {  	[sflag:s12] =	ssyncset.done $0x0  }
0x20: {  	[sflag:s12] =	ssyncadd.s32 $0xFFFFD800  }
0x21: {  	s30 =	simm.s32 $0x0;
	[bflag:$0x0] =	sbarrier.arrive $0xFFFF  }
0x22: {  	[tilespmem:s16], [sflag:$0x1] =	stream.indirect.gather [hbm4b:s4+s15], $0x80, s30, s15, $0xb8;
	[tilespmem:$0x1C880] =	vst v63  }
0x23: {  	_ =	swait.ge [sflag:s17], $0x3E80  }
0x24: {  	[sflag:s17] =	ssyncset.done $0x0  }
0x25: {  	s31 =	simm.s32 $0x2800;
	[sflag:s17] =	ssyncadd.s32 $0xFFFFC180  }
0x26: {  	[spmem:s2] =	stream.indirect.scatter.add.f32 [tilespmem:s16], [sflag:$0x2], $0x80, s31, s15, $0xb8;
	[tilespmem:$0x1C880] =	vst v63  }
0x27: {  	_ =	swait.ge [sflag:s12], $0x3E80  }
0x28: {  	s22 =	simm.s32 $0x400;
	s21 =	simm.s32 $0x200;
	[sflag:s12] =	ssyncset.done $0x0  }
.LBB2_2:
0x29: {  	s23 =	sshra.s32 s21, $0x2  }
0x2a: {  	[sflag:s12] =	ssyncadd.s32 $0xFFFFC180;
	s21 =	smov.u32 s22;
	s24 =	sadd.s32 $0x200, s22  }
0x2b: {  	[tilespmem:s16], [sflag:$0x1] =	stream.indirect.gather [hbm4b:s4+s15], $0x80, s23, s15, $0xb8;
	[tilespmem:$0x1C880] =	vst v63  }
0x2c: {  	p1 =	sne.s32 s22, $0x9E00;
	_ =	swait.ge [sflag:s17], $0x3E80  }
.Ltmp0:
0x2d: {  	[sflag:s17] =	ssyncset.done $0x0;
	(pc) =	sbr.rel @p1 .LBB2_2-.Ltmp0, $4  }
0x2e: {  	s22 =	sadd.s32 $0x2800, s23;
	[sflag:s17] =	ssyncadd.s32 $0xFFFFC180  }
0x2f: {  	[spmem:s2] =	stream.indirect.scatter.add.f32 [tilespmem:s16], [sflag:$0x2], $0x80, s22, s15, $0xb8;
	[tilespmem:$0x1C880] =	vst v63  }
0x30: {  	_ =	swait.ge [sflag:s12], $0x3E80  }
0x31: {  	s22 =	smov.u32 s24;
	[sflag:s12] =	ssyncset.done $0x0  }
0x32: {  	s21 =	sshra.s32 s21, $0x2;
	[sflag:s12] =	ssyncadd.s32 $0xFFFFC180  }
0x33: {  	[tilespmem:s16], [sflag:$0x1] =	stream.indirect.gather [hbm4b:s4+s15], $0x80, s21, s15, $0xb8;
	[tilespmem:$0x1C880] =	vst v63  }
0x34: {  	_ =	swait.ge [sflag:s17], $0x3E80  }
0x35: {  	[sflag:s17] =	ssyncset.done $0x0  }
0x36: {  	s21 =	sadd.s32 $0x2800, s21;
	[sflag:s17] =	ssyncadd.s32 $0xFFFFC180  }
0x37: {  	[spmem:s2] =	stream.indirect.scatter.add.f32 [tilespmem:s16], [sflag:$0x2], $0x80, s21, s15, $0xb8;
	[tilespmem:$0x1C880] =	vst v63  }
0x38: {  	_ =	swait.ge [sflag:s12], $0x3E80  }
0x39: {  	[sflag:s12] =	ssyncset.done $0x0  }
0x3a: {  	[sflag:s12] =	ssyncadd.s32 $0xFFFFC180  }
0x3b: {  	[bflag:$0x0] =	sbarrier.arrive $0xFFFF  }
0x3c: {  	[hbm:s18], [sflag:s6] =	dma.local [spmem:s11], $0x2700  }
0x3d: {  	s20 =	sadd.s32 $0x1, s20;
	_ =	swait.ge [sflag:s12], $0x2700  }
0x3e: {  	p1 =	sne.s32 s20, s10;
	[sflag:s12] =	ssyncset.done $0x0  }
.Ltmp1:
0x3f: {  	s21 =	simm.s32 @!p0 $0x2;
	[sflag:s12] =	ssyncadd.s32 $0xFFFFD900;
	(pc) =	sbr.rel @p1 .LBB2_1-.Ltmp1, $4  }
0x40: {  	[hbm:s19], [sflag:s6] =	dma.local @!p0 [spmem:s13], $0x100  }
0x41: {  	_ =	swait.ge @!p0 [sflag:s21], $0x100  }
0x42: {  	[sflag:s21] =	ssyncset.done @!p0 $0x0  }
0x43: {  	[sflag:s21] =	ssyncadd.s32 @!p0 $0xFFFFFF00  }
0x44: {  	_ =	sfence.sel $0x180000  }
0x45: {  	[bflag:$0x0] =	sbarrier.arrive $0xFFFF  }
0x46: {  	p0 =	sne.s32 s0, $0x0;
	_ =	strace $0x90000050  }
0x47: {  	s0 =	sadd.s32 @!p0 $0x100000, s1;
	[bflag:$0x2] =	sbarrier.arrive $0xFFFF  }
0x48: {  	[sflag:s0] =	ssyncadd.tile.s32 @!p0 $0x1;
	_ =	shalt  }
.Lfunc_end2:
_tile_overlayer_lowered:
.L_overlay_start_2:
0x49: {  	(tag) =	ssettag $0x2  }
0x4a: {  	s0 =	rddreg [dreg:$0x0];
	s2 =	stileid.u32  }
0x4b: {  	s1 =	rddreg [dreg:$0x1];
	p0 =	sne.s32 s2, $0x0  }
0x4c: {  	s3 =	rddreg [dreg:$0x2];
	[bflag:$0x3] =	sbarrier.arrive $0xFFFF;
	s2 =	simm.s32 @!p0 $0x1C02  }
0x4d: {  	[timem:s3], [sflag:s2] =	dma.local @!p0 [hbm:s0], s1  }
0x4e: {  	s0 =	simm.s32 @!p0 $0x2  }
0x4f: {  	_ =	swait.ge @!p0 [sflag:s0], s1  }
0x50: {  	s1 =	ssub.s32 @!p0 $0x0, s1;
	[sflag:s0] =	ssyncset.done @!p0 $0x0  }
0x51: {  	[sflag:s0] =	ssyncadd.s32 @!p0 s1  }
0x52: {  	[bflag:$0x3] =	sbarrier.arrive $0xFFFF  }
0x53: {  	_ =	shalt  }

// kernel: kernel.24.cloned.1.call-start
scs
__scs_entry_jumppad:
0x0: {  	(pc) =	sbr.rel $0x88, $3  }
0x1: {  	(tag) =	ssettag $0x0;
	lr =	simm.s32 $0x1  }
0x2: {  	[smem:$0x3F97] =	sst lr;
	_ =	strace $0xD0000000  }
0x3: {  	_ = 	snop  }
0x4: {  	_ = 	snop  }
0x5: {  	_ = 	snop  }
0x6: {  	_ = 	snop  }
0x7: {  	_ = 	snop  }
__scs_overlays_trampoline_lowered:
0x8: {  	[smem:$0x3FA6] =	sst s0  }
0x9: {  	[smem:$0x3FA7] =	sst s1  }
0xa: {  	[smem:$0x3FA8] =	sst s2  }
0xb: {  	[smem:$0x3FA9] =	sst s3  }
0xc: {  	[smem:$0x3FAA] =	sst s4  }
0xd: {  	[smem:$0x3FAB] =	sst s5  }
0xe: {  	[smem:$0x3FAC] =	sst s6  }
0xf: {  	[smem:$0x3FAD] =	sst s7  }
0x10: {  	[smem:$0x3FAE] =	sst s8  }
0x11: {  	[smem:$0x3FAF] =	sst s9;
	s0 =	simm.s32 @!p0 $0x0  }
0x12: {  	s1 =	sld [smem:$0x3F95];
	s0 =	simm.s32 @p0 $0x1  }
0x13: {  	[smem:$0x3FB0] =	sst s0;
	s0 =	simm.s32 @!p1 $0x0  }
0x14: {  	s2 =	sld [smem:$0x3F94];
	s0 =	simm.s32 @p1 $0x1  }
0x15: {  	[smem:$0x3FB1] =	sst s0;
	s0 =	simm.s32 @!p2 $0x0  }
0x16: {  	s3 =	sld [smem:$0x3FDB];
	s0 =	simm.s32 @p2 $0x1  }
0x17: {  	s4 =	simm.s32 $0x1BF5;
	[smem:$0x3FB3] =	sst s0  }
0x18: {  	s0 =	sld [smem:$0x3F96];
	_ =	swait.ge [sflag:s4], $0x0  }
0x19: {  	s7 =	sld [smem:$0x3F97]  }
0x1a: {  	s8 =	sadd.s32 $0xFFFFE003, lr  }
0x1b: {  	s9 =	sadd.s32 $0xFFFFFEF7, lr;
	s5 =	simm.s32 $0xFFFFFFFF;
	p2 =	slt.u32 s8, $0xFFFFF086  }
0x1c: {  	p1 =	slt.u32 s9, $0xF7A;
	s5 =	simm.s32 @!p2 $0x0  }
0x1d: {  	s5 =	simm.s32 @p1 $0x1;
	p0 =	seq.s32 s7, s2  }
0x1e: {  	s7 =	smul.u32 @!p0 $0xF7A, s2;
	p2 =	seq.s32 @!p0 s5, $0x0  }
0x1f: {  	s9 =	smul.u32 $0xF7A, s1;
	s8 =	simm.s32 @!p0 $0x1BF5;
	p2 =	por !p2, p0  }
0x20: {  	[sflag:s8] =	ssyncset.s32 @!p0 $0xFFFFF086;
	s6 =	sadd.s32 @!p0 s3, s7;
	s7 =	simm.s32 @!p0 $0x108  }
0x21: {  	s3 =	sadd.s32 s3, s9;
	s6 =	sadd.s32 @!p0 $0x88, s6;
	s7 =	simm.s32 @p2 $0x1082  }
0x22: {  	[simem:s7], [sflag:s8] =	dma.local @!p0 [hbm:s6], $0xF7A  }
0x23: {  	s9 =	sor.u32 $0xD0000000, s2;
	s6 =	simm.s32 $0x108;
	_ =	swait.ge @!p0 [sflag:s8], $0x0  }
0x24: {  	s3 =	sadd.s32 $0x88, s3;
	s6 =	simm.s32 @!p1 $0x1082;
	[sflag:s4] =	ssyncset.s32 $0xFFFFF086  }
0x25: {  	[simem:s6], [sflag:s4] =	dma.local [hbm:s3], $0xF7A  }
0x26: {  	[smem:$0x3F97] =	sst s1;
	(tag) =	ssettag s2;
	_ =	strace s9  }
0x27: {  	s1 =	sld [smem:$0x3FA7]  }
0x28: {  	s2 =	sld [smem:$0x3FA8]  }
0x29: {  	s4 =	sld [smem:$0x3FAA]  }
0x2a: {  	p0 =	seq.s32 s5, $0x0;
	s5 =	sld [smem:$0x3FAB]  }
0x2b: {  	s6 =	sld [smem:$0x3FAC]  }
0x2c: {  	s7 =	sld [smem:$0x3FAD]  }
0x2d: {  	s3 =	simm.s32 $0x108;
	s8 =	sld [smem:$0x3FAE]  }
0x2e: {  	s3 =	simm.s32 @!p0 $0x1082;
	s9 =	sld [smem:$0x3FAF]  }
0x2f: {  	lr =	sadd.s32 s0, s3;
	s0 =	sld [smem:$0x3FA6]  }
0x30: {  	s3 =	sld [smem:$0x3FA9]  }
0x31: {  	[smem:$0x3FB2] =	sst s10  }
0x32: {  	s10 =	sld [smem:$0x3FB0];
	_ =	sdelay $0x3  }
0x33: {  	p0 =	seq.s32 s10, $0x1;
	s10 =	sld [smem:$0x3FB2];
	_ =	sdelay $0x3  }
0x34: {  	[smem:$0x3FB2] =	sst s10  }
0x35: {  	s10 =	sld [smem:$0x3FB1];
	_ =	sdelay $0x3  }
0x36: {  	p1 =	seq.s32 s10, $0x1;
	s10 =	sld [smem:$0x3FB2];
	_ =	sdelay $0x3  }
0x37: {  	[smem:$0x3FB2] =	sst s10  }
0x38: {  	s10 =	sld [smem:$0x3FB3]  }
0x39: {  	_ = 	snop;
	(pc) =	sbr.ind lr, $3  }
0x3a: {  	_ = 	snop  }
0x3b: {  	_ = 	snop  }
0x3c: {  	p2 =	seq.s32 s10, $0x1;
	s10 =	sld [smem:$0x3FB2]  }
0x3d: {  	_ =	shalt  }
0x3e: {  	_ =	shalt  }
0x3f: {  	_ =	shalt  }
0x40: {  	_ =	shalt  }
0x41: {  	_ =	shalt  }
0x42: {  	_ =	shalt  }
0x43: {  	_ =	shalt  }
0x44: {  	_ =	shalt  }
0x45: {  	_ =	shalt  }
0x46: {  	_ =	shalt  }
0x47: {  	_ =	shalt  }
0x48: {  	_ =	shalt  }
0x49: {  	_ =	shalt  }
0x4a: {  	_ =	shalt  }
0x4b: {  	_ =	shalt  }
0x4c: {  	_ =	shalt  }
0x4d: {  	_ =	shalt  }
0x4e: {  	_ =	shalt  }
0x4f: {  	_ =	shalt  }
0x50: {  	_ =	shalt  }
0x51: {  	_ =	shalt  }
0x52: {  	_ =	shalt  }
0x53: {  	_ =	shalt  }
0x54: {  	_ =	shalt  }
0x55: {  	_ =	shalt  }
0x56: {  	_ =	shalt  }
0x57: {  	_ =	shalt  }
0x58: {  	_ =	shalt  }
0x59: {  	_ =	shalt  }
0x5a: {  	_ =	shalt  }
0x5b: {  	_ =	shalt  }
0x5c: {  	_ =	shalt  }
0x5d: {  	_ =	shalt  }
0x5e: {  	_ =	shalt  }
0x5f: {  	_ =	shalt  }
0x60: {  	_ =	shalt  }
0x61: {  	_ =	shalt  }
0x62: {  	_ =	shalt  }
0x63: {  	_ =	shalt  }
0x64: {  	_ =	shalt  }
0x65: {  	_ =	shalt  }
0x66: {  	_ =	shalt  }
0x67: {  	_ =	shalt  }
0x68: {  	_ =	shalt  }
0x69: {  	_ =	shalt  }
0x6a: {  	_ =	shalt  }
0x6b: {  	_ =	shalt  }
0x6c: {  	_ =	shalt  }
0x6d: {  	_ =	shalt  }
0x6e: {  	_ =	shalt  }
0x6f: {  	_ =	shalt  }
0x70: {  	_ =	shalt  }
0x71: {  	_ =	shalt  }
0x72: {  	_ =	shalt  }
0x73: {  	_ =	shalt  }
0x74: {  	_ =	shalt  }
0x75: {  	_ =	shalt  }
0x76: {  	_ =	shalt  }
0x77: {  	_ =	shalt  }
0x78: {  	_ =	shalt  }
0x79: {  	_ =	shalt  }
0x7a: {  	_ =	shalt  }
0x7b: {  	_ =	shalt  }
0x7c: {  	_ =	shalt  }
0x7d: {  	_ =	shalt  }
0x7e: {  	_ =	shalt  }
0x7f: {  	_ =	shalt  }
0x80: {  	_ =	shalt  }
0x81: {  	_ =	shalt  }
0x82: {  	_ =	shalt  }
0x83: {  	_ =	shalt  }
0x84: {  	_ =	shalt  }
0x85: {  	_ =	shalt  }
0x86: {  	_ =	shalt  }
0x87: {  	_ =	shalt  }
.Lfunc_end0:
.L_simem_size_0:
called_computation.4_lowered:
.L_overlay_start_0:
0x88: {  	s2 =	sld [smem:$0x3FD9]  }
0x89: {  	s3 =	sld [smem:$0x3FFE];
	_ =	sdelay $0x1  }
0x8a: {  	s1 =	srdreg.scid  }
0x8b: {  	s0 =	sand.u32 $0x1, s1  }
0x8c: {  	s17 =	sshll.u32 s0, $0xA;
	s2 =	sadd.s32 s3, s2  }
0x8d: {  	s2 =	sadd.s32 s2, s17  }
0x8e: {  	[smem:$0x3FBE] =	sst s2  }
0x8f: {  	_ = 	snop  }
0x90: {  	s2 =	sld [smem:$0x3FD0];
	(tm) =	ssettm $0x1  }
0x91: {  	s18 =	sld [smem:$0x3FFB];
	_ =	sdelay $0x3  }
0x92: {  	_ =	strace s18  }
0x93: {  	s3 =	sld [smem:$0x3FFC];
	_ =	sdelay $0x3  }
0x94: {  	_ =	strace s3  }
0x95: {  	s3 =	sld [smem:$0x3FFD];
	_ =	sdelay $0x3  }
0x96: {  	_ =	strace s3  }
0x97: {  	_ =	strace $0x8FFFFFFF  }
0x98: {  	s19 =	sld [smem:$0x3FDB];
	_ =	sdelay $0x1  }
0x99: {  	s4 =	simm.s32 $_scs_section_size  }
0x9a: {  	s5 =	simm.s32 $_size__tile_overlayer_lowered;
	s6 =	simm.s32 $_tile_overlayer_lowered  }
0x9b: {  	s22 =	simm.s32 $0x1BFF;
	s21 =	sshll.u32 s6, $0x1;
	s3 =	sadd.s32 s4, s19  }
0x9c: {  	s7 =	simm.s32 $0x0;
	s20 =	sshll.u32 s5, $0x1;
	s5 =	sadd.s32 s21, s3  }
0x9d: {  	[timem:s7], [sflag:s22] =	dma.local [hbm:s5], s20  }
0x9e: {  	_ =	swait.ge [sflag:s22], s20  }
0x9f: {  	s4 =	ssub.s32 $0x0, s20;
	[sflag:s22] =	ssyncset.done $0x0  }
0xa0: {  	[sflag:s22] =	ssyncadd.s32 s4;
	_ =	sdelay $0x1  }
0xa1: {  	s23 =	simm.s32 $0x1B8B  }
0xa2: {  	_ =	swait.ge [sflag:s23], $0x1  }
0xa3: {  	[sflag:s23] =	ssyncset.done $0x0  }
0xa4: {  	s25 =	simm.s32 $0x1B8E;
	s24 =	sld [smem:$0x3FFE];
	[sflag:s23] =	ssyncadd.s32 $0xFFFFFFFF  }
0xa5: {  	s26 =	simm.s32 $execute0_lowered;
	[smem:$0x3FD2] =	sst s25  }
0xa6: {  	s5 =	sshll.u32 s26, $0x1;
	_ =	strace $0x80000052;
	[dreg:$0x1] =	wrdreg $0xFFFFFFFF  }
0xa7: {  	s28 =	simm.s32 $_size_execute0_lowered;
	s3 =	sadd.s32 s3, s5;
	[dreg:$0x0] =	wrdreg $0x0  }
0xa8: {  	s5 =	sshll.u32 s28, $0x1;
	[dreg:$0x2] =	wrdreg s3  }
0xa9: {  	[dreg:$0x3] =	wrdreg s5  }
0xaa: {  	[dreg:$0x4] =	wrdreg $0xC0  }
0xab: {  	_ =	task [dreg:s7], $0x5FFFF  }
0xac: {  	[dreg:$0x1] =	wrdreg $0xFFFFFFFF  }
0xad: {  	[dreg:$0x0] =	wrdreg $0x60  }
0xae: {  	[dreg:$0x2] =	wrdreg s24  }
0xaf: {  	[dreg:$0x3] =	wrdreg s2  }
0xb0: {  	[dreg:$0x4] =	wrdreg $0x90000  }
0xb1: {  	[dreg:$0x5] =	wrdreg $0x9  }
0xb2: {  	_ =	task.clear_ibuf [dreg:s7], $0x6FFFF;
	_ =	strace $0x90000052  }
0xb3: {  	s29 =	simm.s32 $0x9;
	_ =	strace $0x80000054  }
0xb4: {  	_ =	swait.ge [sflag:s29], $0x1  }
0xb5: {  	[sflag:s29] =	ssyncadd.s32 $0xFFFFFFFF  }
0xb6: {  	_ =	strace $0x90000054  }
0xb7: {  	_ =	sfence  }
0xb8: {  	s30 =	sld [smem:$0x0];
	_ =	sdelay $0x2  }
0xb9: {  	s31 =	sshll.u32 s1, $0xD;
	s1 =	sshrl.u32 s1, $0x2  }
0xba: {  	s3 =	sand.u32 $0x4000, s31;
	s1 =	sadd.s32 s1, s30  }
0xbb: {  	s0 =	sor.u32 s3, s0;
	s1 =	sshll.u32 s1, $0x11  }
0xbc: {  	s0 =	sor.u32 s1, s0  }
0xbd: {  	s0 =	sadd.s32 $0x8F2B, s0  }
0xbe: {  	[sflag:s0] =	ssyncadd.remote.s32 $0x1  }
0xbf: {  	_ =	sfence.sel $0xFFFF  }
0xc0: {  	[dreg:$0x0] =	wrdreg $0xFFFFFFFF;
	(pc) =	sbr.abs _section_cstart, $3  }
0xc1: {  	[dreg:$0x1] =	wrdreg $0xFFFFFFFF  }
0xc2: {  	_ =	task.clear_ibuf [dreg:s7], $0x2FFFF;
	_ =	strace $0x9FFFFFFF  }
0xc3: {  	(tm) =	ssettm $0x7FFFFFFF  }
tec
execute0_lowered:
.L_overlay_start_1:
0x0: {  	(tag) =	ssettag $0x1  }
0x1: {  	s5 =	rddreg [dreg:$0x0]  }
0x2: {  	s7 =	rddreg [dreg:$0x1];
	s1 =	srdreg.scid  }
0x3: {  	s0 =	stileid.u32;
	s2 =	rddreg [dreg:$0x2]  }
0x4: {  	s3 =	simm.s32 $0x0;
	s16 =	simm.s32 $0x5000;
	s17 =	simm.s32 $0x1  }
0x5: {  	s20 =	simm.s32 $0x0;
	s6 =	sand.u32 $0x1, s1;
	s1 =	rddreg [dreg:$0x3]  }
0x6: {  	s4 =	sshll.u32 s0, $0x1;
	[smem:$0x7FF] =	sst s3;
	s10 =	smul.u32 $0x4E000, s0  }
0x7: {  	s18 =	smul.u32 $0x2700, s0;
	s31 =	sshll.u32 s0, $0x6;
	s15 =	sadd.s32 $0x138000, s2  }
0x8: {  	p0 =	sne.s32 s0, $0xF;
	s4 =	sor.u32 s6, s4;
	s9 =	smul.u32 $0x27100, s6  }
0x9: {  	_ =	strace $0x80000053;
	s6 =	ssub.s32 $0x2, s6;
	s8 =	smul.u32 $0x500, s4  }
0xa: {  	s4 =	sadd.s32 $0xD400, s5;
	s29 =	sshrl.u32 s6, $0x1;
	s30 =	sshrl.u32 s10, $0x2  }
0xb: {  	s12 =	sadd.s32 s9, s5;
	s13 =	ssub.s32 s6, s29;
	s14 =	sadd.s32 s30, s2  }
0xc: {  	s6 =	sor.u32 $0x1C02, s31;
	s11 =	sadd.s32 s8, s5;
	s5 =	sadd.s32 s7, s18  }
0xd: {  	s7 =	sadd.s32 $0x27000, s7;
	s19 =	sadd.s32 $0x65E00, s12;
	s10 =	smax.u32 s13, $0x1  }
0xe: {  	s12 =	simm.s32 $0x2;
	s13 =	sshrl.u32 @!p0 s15, $0x3;
	s15 =	simm.s32 $0x7D  }
0xf: {  	s8 =	sadd.s32 $0x5BE00, s11;
	s9 =	sadd.s32 $0x3400, s11;
	s11 =	sshrl.u32 s14, $0x3  }
0x10: {  	s14 =	simm.s32 $0x2800;
	s18 =	sadd.s32 s18, s19;
	s19 =	sadd.s32 @!p0 $0x27000, s19  }
.LBB2_1:
0x11: {  	[spmem:s11], [sflag:s6] =	dma.local [hbm:s5], $0x2700  }
0x12: {  	_ =	swait.ge [sflag:s12], $0x2700  }
0x13: {  	[sflag:s12] =	ssyncset.done $0x0  }
0x14: {  	s21 =	simm.s32 @!p0 $0x2;
	[sflag:s12] =	ssyncadd.s32 $0xFFFFD900  }
0x15: {  	[spmem:s13], [sflag:s6] =	dma.local @!p0 [hbm:s7], $0x100  }
0x16: {  	_ =	swait.ge @!p0 [sflag:s21], $0x100  }
0x17: {  	[sflag:s21] =	ssyncset.done @!p0 $0x0  }
0x18: {  	[sflag:s21] =	ssyncadd.s32 @!p0 $0xFFFFFF00  }
0x19: {  	[tilespmem:s3], [sflag:$0x2] =	stream.linear.gather [hbm4b:s8+s3], $0x2800, $0x38;
	[tilespmem:$0x1C880] =	vst v63  }
0x1a: {  	_ =	swait.ge [sflag:s12], $0x2800  }
0x1b: {  	[sflag:s12] =	ssyncset.done $0x0  }
0x1c: {  	[sflag:s12] =	ssyncadd.s32 $0xFFFFD800  }
0x1d: {  	[tilespmem:s14], [sflag:$0x2] =	stream.linear.gather [hbm4b:s9+s3], $0x2800, $0x38;
	[tilespmem:$0x1C880] =	vst v63  }
0x1e: {  	_ =	swait.ge [sflag:s12], $0x2800  }
0x1f: {  	[sflag:s12] =	ssyncset.done $0x0  }
0x20: {  	[sflag:s12] =	ssyncadd.s32 $0xFFFFD800  }
0x21: {  	s30 =	simm.s32 $0x0;
	[bflag:$0x0] =	sbarrier.arrive $0xFFFF  }
0x22: {  	[tilespmem:s16], [sflag:$0x1] =	stream.indirect.gather [hbm4b:s4+s15], $0x80, s30, s15, $0xb8;
	[tilespmem:$0x1C880] =	vst v63  }
0x23: {  	_ =	swait.ge [sflag:s17], $0x3E80  }
0x24: {  	[sflag:s17] =	ssyncset.done $0x0  }
0x25: {  	s31 =	simm.s32 $0x2800;
	[sflag:s17] =	ssyncadd.s32 $0xFFFFC180  }
0x26: {  	[spmem:s2] =	stream.indirect.scatter.add.f32 [tilespmem:s16], [sflag:$0x2], $0x80, s31, s15, $0xb8;
	[tilespmem:$0x1C880] =	vst v63  }
0x27: {  	_ =	swait.ge [sflag:s12], $0x3E80  }
0x28: {  	s22 =	simm.s32 $0x400;
	s21 =	simm.s32 $0x200;
	[sflag:s12] =	ssyncset.done $0x0  }
.LBB2_2:
0x29: {  	s23 =	sshra.s32 s21, $0x2  }
0x2a: {  	[sflag:s12] =	ssyncadd.s32 $0xFFFFC180;
	s21 =	smov.u32 s22;
	s24 =	sadd.s32 $0x200, s22  }
0x2b: {  	[tilespmem:s16], [sflag:$0x1] =	stream.indirect.gather [hbm4b:s4+s15], $0x80, s23, s15, $0xb8;
	[tilespmem:$0x1C880] =	vst v63  }
0x2c: {  	p1 =	sne.s32 s22, $0x9E00;
	_ =	swait.ge [sflag:s17], $0x3E80  }
.Ltmp0:
0x2d: {  	[sflag:s17] =	ssyncset.done $0x0;
	(pc) =	sbr.rel @p1 .LBB2_2-.Ltmp0, $4  }
0x2e: {  	s22 =	sadd.s32 $0x2800, s23;
	[sflag:s17] =	ssyncadd.s32 $0xFFFFC180  }
0x2f: {  	[spmem:s2] =	stream.indirect.scatter.add.f32 [tilespmem:s16], [sflag:$0x2], $0x80, s22, s15, $0xb8;
	[tilespmem:$0x1C880] =	vst v63  }
0x30: {  	_ =	swait.ge [sflag:s12], $0x3E80  }
0x31: {  	s22 =	smov.u32 s24;
	[sflag:s12] =	ssyncset.done $0x0  }
0x32: {  	s21 =	sshra.s32 s21, $0x2;
	[sflag:s12] =	ssyncadd.s32 $0xFFFFC180  }
0x33: {  	[tilespmem:s16], [sflag:$0x1] =	stream.indirect.gather [hbm4b:s4+s15], $0x80, s21, s15, $0xb8;
	[tilespmem:$0x1C880] =	vst v63  }
0x34: {  	_ =	swait.ge [sflag:s17], $0x3E80  }
0x35: {  	[sflag:s17] =	ssyncset.done $0x0  }
0x36: {  	s21 =	sadd.s32 $0x2800, s21;
	[sflag:s17] =	ssyncadd.s32 $0xFFFFC180  }
0x37: {  	[spmem:s2] =	stream.indirect.scatter.add.f32 [tilespmem:s16], [sflag:$0x2], $0x80, s21, s15, $0xb8;
	[tilespmem:$0x1C880] =	vst v63  }
0x38: {  	_ =	swait.ge [sflag:s12], $0x3E80  }
0x39: {  	[sflag:s12] =	ssyncset.done $0x0  }
0x3a: {  	[sflag:s12] =	ssyncadd.s32 $0xFFFFC180  }
0x3b: {  	[bflag:$0x0] =	sbarrier.arrive $0xFFFF  }
0x3c: {  	[hbm:s18], [sflag:s6] =	dma.local [spmem:s11], $0x2700  }
0x3d: {  	s20 =	sadd.s32 $0x1, s20;
	_ =	swait.ge [sflag:s12], $0x2700  }
0x3e: {  	p1 =	sne.s32 s20, s10;
	[sflag:s12] =	ssyncset.done $0x0  }
.Ltmp1:
0x3f: {  	s21 =	simm.s32 @!p0 $0x2;
	[sflag:s12] =	ssyncadd.s32 $0xFFFFD900;
	(pc) =	sbr.rel @p1 .LBB2_1-.Ltmp1, $4  }
0x40: {  	[hbm:s19], [sflag:s6] =	dma.local @!p0 [spmem:s13], $0x100  }
0x41: {  	_ =	swait.ge @!p0 [sflag:s21], $0x100  }
0x42: {  	[sflag:s21] =	ssyncset.done @!p0 $0x0  }
0x43: {  	[sflag:s21] =	ssyncadd.s32 @!p0 $0xFFFFFF00  }
0x44: {  	_ =	sfence.sel $0x180000  }
0x45: {  	[bflag:$0x0] =	sbarrier.arrive $0xFFFF  }
0x46: {  	p0 =	sne.s32 s0, $0x0;
	_ =	strace $0x90000053  }
0x47: {  	s0 =	sadd.s32 @!p0 $0x100000, s1;
	[bflag:$0x2] =	sbarrier.arrive $0xFFFF  }
0x48: {  	[sflag:s0] =	ssyncadd.tile.s32 @!p0 $0x1;
	_ =	shalt  }
.Lfunc_end2:
_tile_overlayer_lowered:
.L_overlay_start_2:
0x49: {  	(tag) =	ssettag $0x2  }
0x4a: {  	s0 =	rddreg [dreg:$0x0];
	s2 =	stileid.u32  }
0x4b: {  	s1 =	rddreg [dreg:$0x1];
	p0 =	sne.s32 s2, $0x0  }
0x4c: {  	s3 =	rddreg [dreg:$0x2];
	[bflag:$0x3] =	sbarrier.arrive $0xFFFF;
	s2 =	simm.s32 @!p0 $0x1C02  }
0x4d: {  	[timem:s3], [sflag:s2] =	dma.local @!p0 [hbm:s0], s1  }
0x4e: {  	s0 =	simm.s32 @!p0 $0x2  }
0x4f: {  	_ =	swait.ge @!p0 [sflag:s0], s1  }
0x50: {  	s1 =	ssub.s32 @!p0 $0x0, s1;
	[sflag:s0] =	ssyncset.done @!p0 $0x0  }
0x51: {  	[sflag:s0] =	ssyncadd.s32 @!p0 s1  }
0x52: {  	[bflag:$0x3] =	sbarrier.arrive $0xFFFF  }
0x53: {  	_ =	shalt  }

</sc_bundles>
